<compile_context>
chip_gen: v7x
topology: tpu7x:2x2x1
jax: 0.10.2.dev20260603
libtpu: 0.0.44.dev20260713+nightly
codegen_flags: <defaults>
</compile_context>

<pallas_src>
import functools

import jax
import jax.numpy as jnp
from jax import lax
from jax.experimental import pallas as pl
from jax.experimental.pallas import tpu as pltpu
from jax.experimental.pallas import tpu_sc as plsc

EMBEDDING_DIM = 32

_info = plsc.get_sparse_core_info()
_NC, _NS = _info.num_cores, _info.num_subcores
_NW = _NC * _NS


@functools.lru_cache(maxsize=None)
def _build_gather(fields, batch, dim, nbuf, inflight):
    assert batch % _NW == 0
    b_per_w = batch // _NW
    chunk = b_per_w
    n_chunks = fields
    assert inflight < nbuf
    mesh = plsc.VectorSubcoreMesh(core_axis_name="c", subcore_axis_name="s")

    @functools.partial(
        pl.kernel,
        mesh=mesh,
        out_type=jax.ShapeDtypeStruct((fields * batch, dim), jnp.float32),
        compiler_params=pltpu.CompilerParams(use_tc_tiling_on_sc=False),
        scratch_types=(
            [pltpu.VMEM((fields * b_per_w,), jnp.int32)]
            + [pltpu.VMEM((chunk, dim), jnp.float32) for _ in range(nbuf)]
            + [pltpu.SemaphoreType.DMA for _ in range(2 * nbuf + 1)]
        ),
    )
    def k(table_hbm, idx_hbm, out_hbm, idx_v, *rest):
        bufs = rest[:nbuf]
        gsems = rest[nbuf:2 * nbuf]
        osems = rest[2 * nbuf:3 * nbuf]
        isem = rest[3 * nbuf]
        wid = lax.axis_index("s") * _NC + lax.axis_index("c")
        b0 = pl.multiple_of(wid * b_per_w, b_per_w)

        idx_h = [None] * fields
        for f in range(fields):
            idx_h[f] = pltpu.async_copy(
                idx_hbm.at[f, pl.ds(b0, b_per_w)],
                idx_v.at[pl.ds(f * b_per_w, b_per_w)], isem)

        gather_h = [None] * n_chunks
        out_h = [None] * n_chunks

        def start_gather(c):
            s = c % nbuf
            gather_h[c] = pltpu.async_copy(
                table_hbm.at[idx_v.at[pl.ds(c * chunk, chunk)]],
                bufs[s], gsems[s])

        for f in range(fields):
            idx_h[f].wait()
        for j in range(min(inflight, n_chunks)):
            start_gather(j)
        for c in range(n_chunks):
            f = c + inflight
            if f < n_chunks:
                prev = f - nbuf
                if prev >= 0:
                    out_h[prev].wait()
                start_gather(f)
            gather_h[c].wait()
            s = c % nbuf
            out_h[c] = pltpu.async_copy(
                bufs[s], out_hbm.at[pl.ds(c * batch + b0, chunk)],
                osems[s])
        for c in range(max(0, n_chunks - nbuf), n_chunks):
            out_h[c].wait()

    return k


def kernel(token_ids, weight):
    batch, fields = token_ids.shape
    n_rows, dim = weight.shape
    idx_t = token_ids.T.astype(jnp.int32)
    out = _build_gather(fields, batch, dim, 7, 5)(weight, idx_t)
    return out.reshape(fields, batch, dim).transpose(1, 0, 2)

# --- scband reference (transcript-rebuilt; emitter-appended) ---
"""Pipeline reference for scband-embedding-69045894251003 (READ-ONLY COPY).

The authoritative reference and input builder live on the scoring server;
editing this copy changes nothing except your own understanding.
"""

import jax, jax.numpy as jnp
import numpy as np

NUM_EMBEDDINGS = 1000000
EMBEDDING_DIM = 32
BATCH = 16384
FIELDS = 26

def setup_inputs(seed: int = 0) -> dict:
    key = jax.random.key(seed)
    k_ids, k_w = jax.random.split(key)
    token_ids = jax.random.randint(k_ids, (BATCH, FIELDS), 0, NUM_EMBEDDINGS, dtype=jnp.int64 if jax.config.jax_enable_x64 else jnp.int32)
    # trunc_normal_ approximation: clipped standard normal in [-2, 2]
    weight = jnp.clip(jax.random.normal(k_w, (NUM_EMBEDDINGS, EMBEDDING_DIM), dtype=jnp.float32), -2.0, 2.0)
    return {"token_ids": token_ids, "weight": weight}

def reference(token_ids, weight):
    # output = self.weight[token_ids]
    output = jnp.take(weight, token_ids, axis=0)
    return output

if __name__ == "__main__":
    import jax
    _d = setup_inputs()
    print(jax.jit(kernel)(*tuple(_d.values())))

</pallas_src>

<mosaic_0001>
#map = affine_map<(d0, d1) -> (0, 0)>
module attributes {stable_mosaic.version = 14 : i64} {
  func.func @k(%arg0: i32, %arg1: i32, %arg2: memref<1000000x32xf32, #tpu.memory_space<hbm>>, %arg3: memref<26x16384xi32, #tpu.memory_space<hbm>>, %arg4: memref<425984x32xf32, #tpu.memory_space<hbm>>, %arg5: memref<13312xi32, #tpu.memory_space<vmem>>, %arg6: memref<512x32xf32, #tpu.memory_space<vmem>>, %arg7: memref<512x32xf32, #tpu.memory_space<vmem>>, %arg8: memref<512x32xf32, #tpu.memory_space<vmem>>, %arg9: memref<512x32xf32, #tpu.memory_space<vmem>>, %arg10: memref<512x32xf32, #tpu.memory_space<vmem>>, %arg11: memref<512x32xf32, #tpu.memory_space<vmem>>, %arg12: memref<512x32xf32, #tpu.memory_space<vmem>>, %arg13: memref<!tpu.dma_semaphore, #tpu.memory_space<semaphore_mem>>, %arg14: memref<!tpu.dma_semaphore, #tpu.memory_space<semaphore_mem>>, %arg15: memref<!tpu.dma_semaphore, #tpu.memory_space<semaphore_mem>>, %arg16: memref<!tpu.dma_semaphore, #tpu.memory_space<semaphore_mem>>, %arg17: memref<!tpu.dma_semaphore, #tpu.memory_space<semaphore_mem>>, %arg18: memref<!tpu.dma_semaphore, #tpu.memory_space<semaphore_mem>>, %arg19: memref<!tpu.dma_semaphore, #tpu.memory_space<semaphore_mem>>, %arg20: memref<!tpu.dma_semaphore, #tpu.memory_space<semaphore_mem>>, %arg21: memref<!tpu.dma_semaphore, #tpu.memory_space<semaphore_mem>>, %arg22: memref<!tpu.dma_semaphore, #tpu.memory_space<semaphore_mem>>, %arg23: memref<!tpu.dma_semaphore, #tpu.memory_space<semaphore_mem>>, %arg24: memref<!tpu.dma_semaphore, #tpu.memory_space<semaphore_mem>>, %arg25: memref<!tpu.dma_semaphore, #tpu.memory_space<semaphore_mem>>, %arg26: memref<!tpu.dma_semaphore, #tpu.memory_space<semaphore_mem>>, %arg27: memref<!tpu.dma_semaphore, #tpu.memory_space<semaphore_mem>>) attributes {dimension_semantics = [#tpu.dimension_semantics<core_parallel>, #tpu.dimension_semantics<subcore_parallel>], iteration_bounds = array<i64: 2, 16>, scalar_prefetch = 0 : i64, scratch_operands = 23 : i64, tpu.core_type = #tpu.core_type<sc_vector_subcore>, window_params = [{transform_indices = #map}, {transform_indices = #map}, {transform_indices = #map}]} {
    %mul3A = arith.constant 2 : i32
    %mul3A_0 = arith.muli %arg1, %mul3A : i32
    %add3A = arith.addi %mul3A_0, %arg0 : i32
    %mul3A_1 = arith.constant 512 : i32
    %mul3A_2 = arith.muli %add3A, %mul3A_1 : i32
    %multiple_of3A = tpu.assume_multiple %mul3A_2, 512 : i32
    %dma_start3A = arith.constant 0 : i32
    %dma_start3A_3 = arith.constant 0 : i32
    %dma_start3A_4 = tpu.memref_slice %arg5[%dma_start3A_3] : memref<13312xi32, #tpu.memory_space<vmem>> -> memref<512xi32, #tpu.memory_space<vmem>>
    %dma_start3A_5 = tpu.memref_slice %arg3[%dma_start3A, %multiple_of3A] : memref<26x16384xi32, #tpu.memory_space<hbm>> -> memref<1x512xi32, #tpu.memory_space<hbm>>
    %dma_start3A_6 = tpu.memref_squeeze %dma_start3A_5 : memref<1x512xi32, #tpu.memory_space<hbm>> -> memref<512xi32, #tpu.memory_space<hbm>>
    %dma_start3A_7 = arith.constant 0 : i32
    %dma_start3A_8 = tpu.memref_slice %arg5[%dma_start3A_7] : memref<13312xi32, #tpu.memory_space<vmem>> -> memref<512xi32, #tpu.memory_space<vmem>>
    %dma_start3A_9 = tpu.memref_slice %arg3[%dma_start3A, %multiple_of3A] : memref<26x16384xi32, #tpu.memory_space<hbm>> -> memref<1x512xi32, #tpu.memory_space<hbm>>
    %dma_start3A_10 = tpu.memref_squeeze %dma_start3A_9 : memref<1x512xi32, #tpu.memory_space<hbm>> -> memref<512xi32, #tpu.memory_space<hbm>>
    tpu.enqueue_dma source(%dma_start3A_10 : memref<512xi32, #tpu.memory_space<hbm>>) target(%dma_start3A_8 : memref<512xi32, #tpu.memory_space<vmem>>) target_semaphore(%arg27 : memref<!tpu.dma_semaphore, #tpu.memory_space<semaphore_mem>>)
    %dma_start3A_11 = arith.constant 1 : i32
    %dma_start3A_12 = arith.constant 512 : i32
    %dma_start3A_13 = tpu.memref_slice %arg5[%dma_start3A_12] : memref<13312xi32, #tpu.memory_space<vmem>> -> memref<512xi32, #tpu.memory_space<vmem>>
    %dma_start3A_14 = tpu.memref_slice %arg3[%dma_start3A_11, %multiple_of3A] : memref<26x16384xi32, #tpu.memory_space<hbm>> -> memref<1x512xi32, #tpu.memory_space<hbm>>
    %dma_start3A_15 = tpu.memref_squeeze %dma_start3A_14 : memref<1x512xi32, #tpu.memory_space<hbm>> -> memref<512xi32, #tpu.memory_space<hbm>>
    %dma_start3A_16 = arith.constant 512 : i32
    %dma_start3A_17 = tpu.memref_slice %arg5[%dma_start3A_16] : memref<13312xi32, #tpu.memory_space<vmem>> -> memref<512xi32, #tpu.memory_space<vmem>>
    %dma_start3A_18 = tpu.memref_slice %arg3[%dma_start3A_11, %multiple_of3A] : memref<26x16384xi32, #tpu.memory_space<hbm>> -> memref<1x512xi32, #tpu.memory_space<hbm>>
    %dma_start3A_19 = tpu.memref_squeeze %dma_start3A_18 : memref<1x512xi32, #tpu.memory_space<hbm>> -> memref<512xi32, #tpu.memory_space<hbm>>
    tpu.enqueue_dma source(%dma_start3A_19 : memref<512xi32, #tpu.memory_space<hbm>>) target(%dma_start3A_17 : memref<512xi32, #tpu.memory_space<vmem>>) target_semaphore(%arg27 : memref<!tpu.dma_semaphore, #tpu.memory_space<semaphore_mem>>)
    %dma_start3A_20 = arith.constant 2 : i32
    %dma_start3A_21 = arith.constant 1024 : i32
    %dma_start3A_22 = tpu.memref_slice %arg5[%dma_start3A_21] : memref<13312xi32, #tpu.memory_space<vmem>> -> memref<512xi32, #tpu.memory_space<vmem>>
    %dma_start3A_23 = tpu.memref_slice %arg3[%dma_start3A_20, %multiple_of3A] : memref<26x16384xi32, #tpu.memory_space<hbm>> -> memref<1x512xi32, #tpu.memory_space<hbm>>
    %dma_start3A_24 = tpu.memref_squeeze %dma_start3A_23 : memref<1x512xi32, #tpu.memory_space<hbm>> -> memref<512xi32, #tpu.memory_space<hbm>>
    %dma_start3A_25 = arith.constant 1024 : i32
    %dma_start3A_26 = tpu.memref_slice %arg5[%dma_start3A_25] : memref<13312xi32, #tpu.memory_space<vmem>> -> memref<512xi32, #tpu.memory_space<vmem>>
    %dma_start3A_27 = tpu.memref_slice %arg3[%dma_start3A_20, %multiple_of3A] : memref<26x16384xi32, #tpu.memory_space<hbm>> -> memref<1x512xi32, #tpu.memory_space<hbm>>
    %dma_start3A_28 = tpu.memref_squeeze %dma_start3A_27 : memref<1x512xi32, #tpu.memory_space<hbm>> -> memref<512xi32, #tpu.memory_space<hbm>>
    tpu.enqueue_dma source(%dma_start3A_28 : memref<512xi32, #tpu.memory_space<hbm>>) target(%dma_start3A_26 : memref<512xi32, #tpu.memory_space<vmem>>) target_semaphore(%arg27 : memref<!tpu.dma_semaphore, #tpu.memory_space<semaphore_mem>>)
    %dma_start3A_29 = arith.constant 3 : i32
    %dma_start3A_30 = arith.constant 1536 : i32
    %dma_start3A_31 = tpu.memref_slice %arg5[%dma_start3A_30] : memref<13312xi32, #tpu.memory_space<vmem>> -> memref<512xi32, #tpu.memory_space<vmem>>
    %dma_start3A_32 = tpu.memref_slice %arg3[%dma_start3A_29, %multiple_of3A] : memref<26x16384xi32, #tpu.memory_space<hbm>> -> memref<1x512xi32, #tpu.memory_space<hbm>>
    %dma_start3A_33 = tpu.memref_squeeze %dma_start3A_32 : memref<1x512xi32, #tpu.memory_space<hbm>> -> memref<512xi32, #tpu.memory_space<hbm>>
    %dma_start3A_34 = arith.constant 1536 : i32
    %dma_start3A_35 = tpu.memref_slice %arg5[%dma_start3A_34] : memref<13312xi32, #tpu.memory_space<vmem>> -> memref<512xi32, #tpu.memory_space<vmem>>
    %dma_start3A_36 = tpu.memref_slice %arg3[%dma_start3A_29, %multiple_of3A] : memref<26x16384xi32, #tpu.memory_space<hbm>> -> memref<1x512xi32, #tpu.memory_space<hbm>>
    %dma_start3A_37 = tpu.memref_squeeze %dma_start3A_36 : memref<1x512xi32, #tpu.memory_space<hbm>> -> memref<512xi32, #tpu.memory_space<hbm>>
    tpu.enqueue_dma source(%dma_start3A_37 : memref<512xi32, #tpu.memory_space<hbm>>) target(%dma_start3A_35 : memref<512xi32, #tpu.memory_space<vmem>>) target_semaphore(%arg27 : memref<!tpu.dma_semaphore, #tpu.memory_space<semaphore_mem>>)
    %dma_start3A_38 = arith.constant 4 : i32
    %dma_start3A_39 = arith.constant 2048 : i32
    %dma_start3A_40 = tpu.memref_slice %arg5[%dma_start3A_39] : memref<13312xi32, #tpu.memory_space<vmem>> -> memref<512xi32, #tpu.memory_space<vmem>>
    %dma_start3A_41 = tpu.memref_slice %arg3[%dma_start3A_38, %multiple_of3A] : memref<26x16384xi32, #tpu.memory_space<hbm>> -> memref<1x512xi32, #tpu.memory_space<hbm>>
    %dma_start3A_42 = tpu.memref_squeeze %dma_start3A_41 : memref<1x512xi32, #tpu.memory_space<hbm>> -> memref<512xi32, #tpu.memory_space<hbm>>
    %dma_start3A_43 = arith.constant 2048 : i32
    %dma_start3A_44 = tpu.memref_slice %arg5[%dma_start3A_43] : memref<13312xi32, #tpu.memory_space<vmem>> -> memref<512xi32, #tpu.memory_space<vmem>>
    %dma_start3A_45 = tpu.memref_slice %arg3[%dma_start3A_38, %multiple_of3A] : memref<26x16384xi32, #tpu.memory_space<hbm>> -> memref<1x512xi32, #tpu.memory_space<hbm>>
    %dma_start3A_46 = tpu.memref_squeeze %dma_start3A_45 : memref<1x512xi32, #tpu.memory_space<hbm>> -> memref<512xi32, #tpu.memory_space<hbm>>
    tpu.enqueue_dma source(%dma_start3A_46 : memref<512xi32, #tpu.memory_space<hbm>>) target(%dma_start3A_44 : memref<512xi32, #tpu.memory_space<vmem>>) target_semaphore(%arg27 : memref<!tpu.dma_semaphore, #tpu.memory_space<semaphore_mem>>)
    %dma_start3A_47 = arith.constant 5 : i32
    %dma_start3A_48 = arith.constant 2560 : i32
    %dma_start3A_49 = tpu.memref_slice %arg5[%dma_start3A_48] : memref<13312xi32, #tpu.memory_space<vmem>> -> memref<512xi32, #tpu.memory_space<vmem>>
    %dma_start3A_50 = tpu.memref_slice %arg3[%dma_start3A_47, %multiple_of3A] : memref<26x16384xi32, #tpu.memory_space<hbm>> -> memref<1x512xi32, #tpu.memory_space<hbm>>
    %dma_start3A_51 = tpu.memref_squeeze %dma_start3A_50 : memref<1x512xi32, #tpu.memory_space<hbm>> -> memref<512xi32, #tpu.memory_space<hbm>>
    %dma_start3A_52 = arith.constant 2560 : i32
    %dma_start3A_53 = tpu.memref_slice %arg5[%dma_start3A_52] : memref<13312xi32, #tpu.memory_space<vmem>> -> memref<512xi32, #tpu.memory_space<vmem>>
    %dma_start3A_54 = tpu.memref_slice %arg3[%dma_start3A_47, %multiple_of3A] : memref<26x16384xi32, #tpu.memory_space<hbm>> -> memref<1x512xi32, #tpu.memory_space<hbm>>
    %dma_start3A_55 = tpu.memref_squeeze %dma_start3A_54 : memref<1x512xi32, #tpu.memory_space<hbm>> -> memref<512xi32, #tpu.memory_space<hbm>>
    tpu.enqueue_dma source(%dma_start3A_55 : memref<512xi32, #tpu.memory_space<hbm>>) target(%dma_start3A_53 : memref<512xi32, #tpu.memory_space<vmem>>) target_semaphore(%arg27 : memref<!tpu.dma_semaphore, #tpu.memory_space<semaphore_mem>>)
    %dma_start3A_56 = arith.constant 6 : i32
    %dma_start3A_57 = arith.constant 3072 : i32
    %dma_start3A_58 = tpu.memref_slice %arg5[%dma_start3A_57] : memref<13312xi32, #tpu.memory_space<vmem>> -> memref<512xi32, #tpu.memory_space<vmem>>
    %dma_start3A_59 = tpu.memref_slice %arg3[%dma_start3A_56, %multiple_of3A] : memref<26x16384xi32, #tpu.memory_space<hbm>> -> memref<1x512xi32, #tpu.memory_space<hbm>>
    %dma_start3A_60 = tpu.memref_squeeze %dma_start3A_59 : memref<1x512xi32, #tpu.memory_space<hbm>> -> memref<512xi32, #tpu.memory_space<hbm>>
    %dma_start3A_61 = arith.constant 3072 : i32
    %dma_start3A_62 = tpu.memref_slice %arg5[%dma_start3A_61] : memref<13312xi32, #tpu.memory_space<vmem>> -> memref<512xi32, #tpu.memory_space<vmem>>
    %dma_start3A_63 = tpu.memref_slice %arg3[%dma_start3A_56, %multiple_of3A] : memref<26x16384xi32, #tpu.memory_space<hbm>> -> memref<1x512xi32, #tpu.memory_space<hbm>>
    %dma_start3A_64 = tpu.memref_squeeze %dma_start3A_63 : memref<1x512xi32, #tpu.memory_space<hbm>> -> memref<512xi32, #tpu.memory_space<hbm>>
    tpu.enqueue_dma source(%dma_start3A_64 : memref<512xi32, #tpu.memory_space<hbm>>) target(%dma_start3A_62 : memref<512xi32, #tpu.memory_space<vmem>>) target_semaphore(%arg27 : memref<!tpu.dma_semaphore, #tpu.memory_space<semaphore_mem>>)
    %dma_start3A_65 = arith.constant 7 : i32
    %dma_start3A_66 = arith.constant 3584 : i32
    %dma_start3A_67 = tpu.memref_slice %arg5[%dma_start3A_66] : memref<13312xi32, #tpu.memory_space<vmem>> -> memref<512xi32, #tpu.memory_space<vmem>>
    %dma_start3A_68 = tpu.memref_slice %arg3[%dma_start3A_65, %multiple_of3A] : memref<26x16384xi32, #tpu.memory_space<hbm>> -> memref<1x512xi32, #tpu.memory_space<hbm>>
    %dma_start3A_69 = tpu.memref_squeeze %dma_start3A_68 : memref<1x512xi32, #tpu.memory_space<hbm>> -> memref<512xi32, #tpu.memory_space<hbm>>
    %dma_start3A_70 = arith.constant 3584 : i32
    %dma_start3A_71 = tpu.memref_slice %arg5[%dma_start3A_70] : memref<13312xi32, #tpu.memory_space<vmem>> -> memref<512xi32, #tpu.memory_space<vmem>>
    %dma_start3A_72 = tpu.memref_slice %arg3[%dma_start3A_65, %multiple_of3A] : memref<26x16384xi32, #tpu.memory_space<hbm>> -> memref<1x512xi32, #tpu.memory_space<hbm>>
    %dma_start3A_73 = tpu.memref_squeeze %dma_start3A_72 : memref<1x512xi32, #tpu.memory_space<hbm>> -> memref<512xi32, #tpu.memory_space<hbm>>
    tpu.enqueue_dma source(%dma_start3A_73 : memref<512xi32, #tpu.memory_space<hbm>>) target(%dma_start3A_71 : memref<512xi32, #tpu.memory_space<vmem>>) target_semaphore(%arg27 : memref<!tpu.dma_semaphore, #tpu.memory_space<semaphore_mem>>)
    %dma_start3A_74 = arith.constant 8 : i32
    %dma_start3A_75 = arith.constant 4096 : i32
    %dma_start3A_76 = tpu.memref_slice %arg5[%dma_start3A_75] : memref<13312xi32, #tpu.memory_space<vmem>> -> memref<512xi32, #tpu.memory_space<vmem>>
    %dma_start3A_77 = tpu.memref_slice %arg3[%dma_start3A_74, %multiple_of3A] : memref<26x16384xi32, #tpu.memory_space<hbm>> -> memref<1x512xi32, #tpu.memory_space<hbm>>
    %dma_start3A_78 = tpu.memref_squeeze %dma_start3A_77 : memref<1x512xi32, #tpu.memory_space<hbm>> -> memref<512xi32, #tpu.memory_space<hbm>>
    %dma_start3A_79 = arith.constant 4096 : i32
    %dma_start3A_80 = tpu.memref_slice %arg5[%dma_start3A_79] : memref<13312xi32, #tpu.memory_space<vmem>> -> memref<512xi32, #tpu.memory_space<vmem>>
    %dma_start3A_81 = tpu.memref_slice %arg3[%dma_start3A_74, %multiple_of3A] : memref<26x16384xi32, #tpu.memory_space<hbm>> -> memref<1x512xi32, #tpu.memory_space<hbm>>
    %dma_start3A_82 = tpu.memref_squeeze %dma_start3A_81 : memref<1x512xi32, #tpu.memory_space<hbm>> -> memref<512xi32, #tpu.memory_space<hbm>>
    tpu.enqueue_dma source(%dma_start3A_82 : memref<512xi32, #tpu.memory_space<hbm>>) target(%dma_start3A_80 : memref<512xi32, #tpu.memory_space<vmem>>) target_semaphore(%arg27 : memref<!tpu.dma_semaphore, #tpu.memory_space<semaphore_mem>>)
    %dma_start3A_83 = arith.constant 9 : i32
    %dma_start3A_84 = arith.constant 4608 : i32
    %dma_start3A_85 = tpu.memref_slice %arg5[%dma_start3A_84] : memref<13312xi32, #tpu.memory_space<vmem>> -> memref<512xi32, #tpu.memory_space<vmem>>
    %dma_start3A_86 = tpu.memref_slice %arg3[%dma_start3A_83, %multiple_of3A] : memref<26x16384xi32, #tpu.memory_space<hbm>> -> memref<1x512xi32, #tpu.memory_space<hbm>>
    %dma_start3A_87 = tpu.memref_squeeze %dma_start3A_86 : memref<1x512xi32, #tpu.memory_space<hbm>> -> memref<512xi32, #tpu.memory_space<hbm>>
    %dma_start3A_88 = arith.constant 4608 : i32
    %dma_start3A_89 = tpu.memref_slice %arg5[%dma_start3A_88] : memref<13312xi32, #tpu.memory_space<vmem>> -> memref<512xi32, #tpu.memory_space<vmem>>
    %dma_start3A_90 = tpu.memref_slice %arg3[%dma_start3A_83, %multiple_of3A] : memref<26x16384xi32, #tpu.memory_space<hbm>> -> memref<1x512xi32, #tpu.memory_space<hbm>>
    %dma_start3A_91 = tpu.memref_squeeze %dma_start3A_90 : memref<1x512xi32, #tpu.memory_space<hbm>> -> memref<512xi32, #tpu.memory_space<hbm>>
    tpu.enqueue_dma source(%dma_start3A_91 : memref<512xi32, #tpu.memory_space<hbm>>) target(%dma_start3A_89 : memref<512xi32, #tpu.memory_space<vmem>>) target_semaphore(%arg27 : memref<!tpu.dma_semaphore, #tpu.memory_space<semaphore_mem>>)
    %dma_start3A_92 = arith.constant 10 : i32
    %dma_start3A_93 = arith.constant 5120 : i32
    %dma_start3A_94 = tpu.memref_slice %arg5[%dma_start3A_93] : memref<13312xi32, #tpu.memory_space<vmem>> -> memref<512xi32, #tpu.memory_space<vmem>>
    %dma_start3A_95 = tpu.memref_slice %arg3[%dma_start3A_92, %multiple_of3A] : memref<26x16384xi32, #tpu.memory_space<hbm>> -> memref<1x512xi32, #tpu.memory_space<hbm>>
    %dma_start3A_96 = tpu.memref_squeeze %dma_start3A_95 : memref<1x512xi32, #tpu.memory_space<hbm>> -> memref<512xi32, #tpu.memory_space<hbm>>
    %dma_start3A_97 = arith.constant 5120 : i32
    %dma_start3A_98 = tpu.memref_slice %arg5[%dma_start3A_97] : memref<13312xi32, #tpu.memory_space<vmem>> -> memref<512xi32, #tpu.memory_space<vmem>>
    %dma_start3A_99 = tpu.memref_slice %arg3[%dma_start3A_92, %multiple_of3A] : memref<26x16384xi32, #tpu.memory_space<hbm>> -> memref<1x512xi32, #tpu.memory_space<hbm>>
    %dma_start3A_100 = tpu.memref_squeeze %dma_start3A_99 : memref<1x512xi32, #tpu.memory_space<hbm>> -> memref<512xi32, #tpu.memory_space<hbm>>
    tpu.enqueue_dma source(%dma_start3A_100 : memref<512xi32, #tpu.memory_space<hbm>>) target(%dma_start3A_98 : memref<512xi32, #tpu.memory_space<vmem>>) target_semaphore(%arg27 : memref<!tpu.dma_semaphore, #tpu.memory_space<semaphore_mem>>)
    %dma_start3A_101 = arith.constant 11 : i32
    %dma_start3A_102 = arith.constant 5632 : i32
    %dma_start3A_103 = tpu.memref_slice %arg5[%dma_start3A_102] : memref<13312xi32, #tpu.memory_space<vmem>> -> memref<512xi32, #tpu.memory_space<vmem>>
    %dma_start3A_104 = tpu.memref_slice %arg3[%dma_start3A_101, %multiple_of3A] : memref<26x16384xi32, #tpu.memory_space<hbm>> -> memref<1x512xi32, #tpu.memory_space<hbm>>
    %dma_start3A_105 = tpu.memref_squeeze %dma_start3A_104 : memref<1x512xi32, #tpu.memory_space<hbm>> -> memref<512xi32, #tpu.memory_space<hbm>>
    %dma_start3A_106 = arith.constant 5632 : i32
    %dma_start3A_107 = tpu.memref_slice %arg5[%dma_start3A_106] : memref<13312xi32, #tpu.memory_space<vmem>> -> memref<512xi32, #tpu.memory_space<vmem>>
    %dma_start3A_108 = tpu.memref_slice %arg3[%dma_start3A_101, %multiple_of3A] : memref<26x16384xi32, #tpu.memory_space<hbm>> -> memref<1x512xi32, #tpu.memory_space<hbm>>
    %dma_start3A_109 = tpu.memref_squeeze %dma_start3A_108 : memref<1x512xi32, #tpu.memory_space<hbm>> -> memref<512xi32, #tpu.memory_space<hbm>>
    tpu.enqueue_dma source(%dma_start3A_109 : memref<512xi32, #tpu.memory_space<hbm>>) target(%dma_start3A_107 : memref<512xi32, #tpu.memory_space<vmem>>) target_semaphore(%arg27 : memref<!tpu.dma_semaphore, #tpu.memory_space<semaphore_mem>>)
    %dma_start3A_110 = arith.constant 12 : i32
    %dma_start3A_111 = arith.constant 6144 : i32
    %dma_start3A_112 = tpu.memref_slice %arg5[%dma_start3A_111] : memref<13312xi32, #tpu.memory_space<vmem>> -> memref<512xi32, #tpu.memory_space<vmem>>
    %dma_start3A_113 = tpu.memref_slice %arg3[%dma_start3A_110, %multiple_of3A] : memref<26x16384xi32, #tpu.memory_space<hbm>> -> memref<1x512xi32, #tpu.memory_space<hbm>>
    %dma_start3A_114 = tpu.memref_squeeze %dma_start3A_113 : memref<1x512xi32, #tpu.memory_space<hbm>> -> memref<512xi32, #tpu.memory_space<hbm>>
    %dma_start3A_115 = arith.constant 6144 : i32
    %dma_start3A_116 = tpu.memref_slice %arg5[%dma_start3A_115] : memref<13312xi32, #tpu.memory_space<vmem>> -> memref<512xi32, #tpu.memory_space<vmem>>
    %dma_start3A_117 = tpu.memref_slice %arg3[%dma_start3A_110, %multiple_of3A] : memref<26x16384xi32, #tpu.memory_space<hbm>> -> memref<1x512xi32, #tpu.memory_space<hbm>>
    %dma_start3A_118 = tpu.memref_squeeze %dma_start3A_117 : memref<1x512xi32, #tpu.memory_space<hbm>> -> memref<512xi32, #tpu.memory_space<hbm>>
    tpu.enqueue_dma source(%dma_start3A_118 : memref<512xi32, #tpu.memory_space<hbm>>) target(%dma_start3A_116 : memref<512xi32, #tpu.memory_space<vmem>>) target_semaphore(%arg27 : memref<!tpu.dma_semaphore, #tpu.memory_space<semaphore_mem>>)
    %dma_start3A_119 = arith.constant 13 : i32
    %dma_start3A_120 = arith.constant 6656 : i32
    %dma_start3A_121 = tpu.memref_slice %arg5[%dma_start3A_120] : memref<13312xi32, #tpu.memory_space<vmem>> -> memref<512xi32, #tpu.memory_space<vmem>>
    %dma_start3A_122 = tpu.memref_slice %arg3[%dma_start3A_119, %multiple_of3A] : memref<26x16384xi32, #tpu.memory_space<hbm>> -> memref<1x512xi32, #tpu.memory_space<hbm>>
    %dma_start3A_123 = tpu.memref_squeeze %dma_start3A_122 : memref<1x512xi32, #tpu.memory_space<hbm>> -> memref<512xi32, #tpu.memory_space<hbm>>
    %dma_start3A_124 = arith.constant 6656 : i32
    %dma_start3A_125 = tpu.memref_slice %arg5[%dma_start3A_124] : memref<13312xi32, #tpu.memory_space<vmem>> -> memref<512xi32, #tpu.memory_space<vmem>>
    %dma_start3A_126 = tpu.memref_slice %arg3[%dma_start3A_119, %multiple_of3A] : memref<26x16384xi32, #tpu.memory_space<hbm>> -> memref<1x512xi32, #tpu.memory_space<hbm>>
    %dma_start3A_127 = tpu.memref_squeeze %dma_start3A_126 : memref<1x512xi32, #tpu.memory_space<hbm>> -> memref<512xi32, #tpu.memory_space<hbm>>
    tpu.enqueue_dma source(%dma_start3A_127 : memref<512xi32, #tpu.memory_space<hbm>>) target(%dma_start3A_125 : memref<512xi32, #tpu.memory_space<vmem>>) target_semaphore(%arg27 : memref<!tpu.dma_semaphore, #tpu.memory_space<semaphore_mem>>)
    %dma_start3A_128 = arith.constant 14 : i32
    %dma_start3A_129 = arith.constant 7168 : i32
    %dma_start3A_130 = tpu.memref_slice %arg5[%dma_start3A_129] : memref<13312xi32, #tpu.memory_space<vmem>> -> memref<512xi32, #tpu.memory_space<vmem>>
    %dma_start3A_131 = tpu.memref_slice %arg3[%dma_start3A_128, %multiple_of3A] : memref<26x16384xi32, #tpu.memory_space<hbm>> -> memref<1x512xi32, #tpu.memory_space<hbm>>
    %dma_start3A_132 = tpu.memref_squeeze %dma_start3A_131 : memref<1x512xi32, #tpu.memory_space<hbm>> -> memref<512xi32, #tpu.memory_space<hbm>>
    %dma_start3A_133 = arith.constant 7168 : i32
    %dma_start3A_134 = tpu.memref_slice %arg5[%dma_start3A_133] : memref<13312xi32, #tpu.memory_space<vmem>> -> memref<512xi32, #tpu.memory_space<vmem>>
    %dma_start3A_135 = tpu.memref_slice %arg3[%dma_start3A_128, %multiple_of3A] : memref<26x16384xi32, #tpu.memory_space<hbm>> -> memref<1x512xi32, #tpu.memory_space<hbm>>
    %dma_start3A_136 = tpu.memref_squeeze %dma_start3A_135 : memref<1x512xi32, #tpu.memory_space<hbm>> -> memref<512xi32, #tpu.memory_space<hbm>>
    tpu.enqueue_dma source(%dma_start3A_136 : memref<512xi32, #tpu.memory_space<hbm>>) target(%dma_start3A_134 : memref<512xi32, #tpu.memory_space<vmem>>) target_semaphore(%arg27 : memref<!tpu.dma_semaphore, #tpu.memory_space<semaphore_mem>>)
    %dma_start3A_137 = arith.constant 15 : i32
    %dma_start3A_138 = arith.constant 7680 : i32
    %dma_start3A_139 = tpu.memref_slice %arg5[%dma_start3A_138] : memref<13312xi32, #tpu.memory_space<vmem>> -> memref<512xi32, #tpu.memory_space<vmem>>
    %dma_start3A_140 = tpu.memref_slice %arg3[%dma_start3A_137, %multiple_of3A] : memref<26x16384xi32, #tpu.memory_space<hbm>> -> memref<1x512xi32, #tpu.memory_space<hbm>>
    %dma_start3A_141 = tpu.memref_squeeze %dma_start3A_140 : memref<1x512xi32, #tpu.memory_space<hbm>> -> memref<512xi32, #tpu.memory_space<hbm>>
    %dma_start3A_142 = arith.constant 7680 : i32
    %dma_start3A_143 = tpu.memref_slice %arg5[%dma_start3A_142] : memref<13312xi32, #tpu.memory_space<vmem>> -> memref<512xi32, #tpu.memory_space<vmem>>
    %dma_start3A_144 = tpu.memref_slice %arg3[%dma_start3A_137, %multiple_of3A] : memref<26x16384xi32, #tpu.memory_space<hbm>> -> memref<1x512xi32, #tpu.memory_space<hbm>>
    %dma_start3A_145 = tpu.memref_squeeze %dma_start3A_144 : memref<1x512xi32, #tpu.memory_space<hbm>> -> memref<512xi32, #tpu.memory_space<hbm>>
    tpu.enqueue_dma source(%dma_start3A_145 : memref<512xi32, #tpu.memory_space<hbm>>) target(%dma_start3A_143 : memref<512xi32, #tpu.memory_space<vmem>>) target_semaphore(%arg27 : memref<!tpu.dma_semaphore, #tpu.memory_space<semaphore_mem>>)
    %dma_start3A_146 = arith.constant 16 : i32
    %dma_start3A_147 = arith.constant 8192 : i32
    %dma_start3A_148 = tpu.memref_slice %arg5[%dma_start3A_147] : memref<13312xi32, #tpu.memory_space<vmem>> -> memref<512xi32, #tpu.memory_space<vmem>>
    %dma_start3A_149 = tpu.memref_slice %arg3[%dma_start3A_146, %multiple_of3A] : memref<26x16384xi32, #tpu.memory_space<hbm>> -> memref<1x512xi32, #tpu.memory_space<hbm>>
    %dma_start3A_150 = tpu.memref_squeeze %dma_start3A_149 : memref<1x512xi32, #tpu.memory_space<hbm>> -> memref<512xi32, #tpu.memory_space<hbm>>
    %dma_start3A_151 = arith.constant 8192 : i32
    %dma_start3A_152 = tpu.memref_slice %arg5[%dma_start3A_151] : memref<13312xi32, #tpu.memory_space<vmem>> -> memref<512xi32, #tpu.memory_space<vmem>>
    %dma_start3A_153 = tpu.memref_slice %arg3[%dma_start3A_146, %multiple_of3A] : memref<26x16384xi32, #tpu.memory_space<hbm>> -> memref<1x512xi32, #tpu.memory_space<hbm>>
    %dma_start3A_154 = tpu.memref_squeeze %dma_start3A_153 : memref<1x512xi32, #tpu.memory_space<hbm>> -> memref<512xi32, #tpu.memory_space<hbm>>
    tpu.enqueue_dma source(%dma_start3A_154 : memref<512xi32, #tpu.memory_space<hbm>>) target(%dma_start3A_152 : memref<512xi32, #tpu.memory_space<vmem>>) target_semaphore(%arg27 : memref<!tpu.dma_semaphore, #tpu.memory_space<semaphore_mem>>)
    %dma_start3A_155 = arith.constant 17 : i32
    %dma_start3A_156 = arith.constant 8704 : i32
    %dma_start3A_157 = tpu.memref_slice %arg5[%dma_start3A_156] : memref<13312xi32, #tpu.memory_space<vmem>> -> memref<512xi32, #tpu.memory_space<vmem>>
    %dma_start3A_158 = tpu.memref_slice %arg3[%dma_start3A_155, %multiple_of3A] : memref<26x16384xi32, #tpu.memory_space<hbm>> -> memref<1x512xi32, #tpu.memory_space<hbm>>
    %dma_start3A_159 = tpu.memref_squeeze %dma_start3A_158 : memref<1x512xi32, #tpu.memory_space<hbm>> -> memref<512xi32, #tpu.memory_space<hbm>>
    %dma_start3A_160 = arith.constant 8704 : i32
    %dma_start3A_161 = tpu.memref_slice %arg5[%dma_start3A_160] : memref<13312xi32, #tpu.memory_space<vmem>> -> memref<512xi32, #tpu.memory_space<vmem>>
    %dma_start3A_162 = tpu.memref_slice %arg3[%dma_start3A_155, %multiple_of3A] : memref<26x16384xi32, #tpu.memory_space<hbm>> -> memref<1x512xi32, #tpu.memory_space<hbm>>
    %dma_start3A_163 = tpu.memref_squeeze %dma_start3A_162 : memref<1x512xi32, #tpu.memory_space<hbm>> -> memref<512xi32, #tpu.memory_space<hbm>>
    tpu.enqueue_dma source(%dma_start3A_163 : memref<512xi32, #tpu.memory_space<hbm>>) target(%dma_start3A_161 : memref<512xi32, #tpu.memory_space<vmem>>) target_semaphore(%arg27 : memref<!tpu.dma_semaphore, #tpu.memory_space<semaphore_mem>>)
    %dma_start3A_164 = arith.constant 18 : i32
    %dma_start3A_165 = arith.constant 9216 : i32
    %dma_start3A_166 = tpu.memref_slice %arg5[%dma_start3A_165] : memref<13312xi32, #tpu.memory_space<vmem>> -> memref<512xi32, #tpu.memory_space<vmem>>
    %dma_start3A_167 = tpu.memref_slice %arg3[%dma_start3A_164, %multiple_of3A] : memref<26x16384xi32, #tpu.memory_space<hbm>> -> memref<1x512xi32, #tpu.memory_space<hbm>>
    %dma_start3A_168 = tpu.memref_squeeze %dma_start3A_167 : memref<1x512xi32, #tpu.memory_space<hbm>> -> memref<512xi32, #tpu.memory_space<hbm>>
    %dma_start3A_169 = arith.constant 9216 : i32
    %dma_start3A_170 = tpu.memref_slice %arg5[%dma_start3A_169] : memref<13312xi32, #tpu.memory_space<vmem>> -> memref<512xi32, #tpu.memory_space<vmem>>
    %dma_start3A_171 = tpu.memref_slice %arg3[%dma_start3A_164, %multiple_of3A] : memref<26x16384xi32, #tpu.memory_space<hbm>> -> memref<1x512xi32, #tpu.memory_space<hbm>>
    %dma_start3A_172 = tpu.memref_squeeze %dma_start3A_171 : memref<1x512xi32, #tpu.memory_space<hbm>> -> memref<512xi32, #tpu.memory_space<hbm>>
    tpu.enqueue_dma source(%dma_start3A_172 : memref<512xi32, #tpu.memory_space<hbm>>) target(%dma_start3A_170 : memref<512xi32, #tpu.memory_space<vmem>>) target_semaphore(%arg27 : memref<!tpu.dma_semaphore, #tpu.memory_space<semaphore_mem>>)
    %dma_start3A_173 = arith.constant 19 : i32
    %dma_start3A_174 = arith.constant 9728 : i32
    %dma_start3A_175 = tpu.memref_slice %arg5[%dma_start3A_174] : memref<13312xi32, #tpu.memory_space<vmem>> -> memref<512xi32, #tpu.memory_space<vmem>>
    %dma_start3A_176 = tpu.memref_slice %arg3[%dma_start3A_173, %multiple_of3A] : memref<26x16384xi32, #tpu.memory_space<hbm>> -> memref<1x512xi32, #tpu.memory_space<hbm>>
    %dma_start3A_177 = tpu.memref_squeeze %dma_start3A_176 : memref<1x512xi32, #tpu.memory_space<hbm>> -> memref<512xi32, #tpu.memory_space<hbm>>
    %dma_start3A_178 = arith.constant 9728 : i32
    %dma_start3A_179 = tpu.memref_slice %arg5[%dma_start3A_178] : memref<13312xi32, #tpu.memory_space<vmem>> -> memref<512xi32, #tpu.memory_space<vmem>>
    %dma_start3A_180 = tpu.memref_slice %arg3[%dma_start3A_173, %multiple_of3A] : memref<26x16384xi32, #tpu.memory_space<hbm>> -> memref<1x512xi32, #tpu.memory_space<hbm>>
    %dma_start3A_181 = tpu.memref_squeeze %dma_start3A_180 : memref<1x512xi32, #tpu.memory_space<hbm>> -> memref<512xi32, #tpu.memory_space<hbm>>
    tpu.enqueue_dma source(%dma_start3A_181 : memref<512xi32, #tpu.memory_space<hbm>>) target(%dma_start3A_179 : memref<512xi32, #tpu.memory_space<vmem>>) target_semaphore(%arg27 : memref<!tpu.dma_semaphore, #tpu.memory_space<semaphore_mem>>)
    %dma_start3A_182 = arith.constant 20 : i32
    %dma_start3A_183 = arith.constant 10240 : i32
    %dma_start3A_184 = tpu.memref_slice %arg5[%dma_start3A_183] : memref<13312xi32, #tpu.memory_space<vmem>> -> memref<512xi32, #tpu.memory_space<vmem>>
    %dma_start3A_185 = tpu.memref_slice %arg3[%dma_start3A_182, %multiple_of3A] : memref<26x16384xi32, #tpu.memory_space<hbm>> -> memref<1x512xi32, #tpu.memory_space<hbm>>
    %dma_start3A_186 = tpu.memref_squeeze %dma_start3A_185 : memref<1x512xi32, #tpu.memory_space<hbm>> -> memref<512xi32, #tpu.memory_space<hbm>>
    %dma_start3A_187 = arith.constant 10240 : i32
    %dma_start3A_188 = tpu.memref_slice %arg5[%dma_start3A_187] : memref<13312xi32, #tpu.memory_space<vmem>> -> memref<512xi32, #tpu.memory_space<vmem>>
    %dma_start3A_189 = tpu.memref_slice %arg3[%dma_start3A_182, %multiple_of3A] : memref<26x16384xi32, #tpu.memory_space<hbm>> -> memref<1x512xi32, #tpu.memory_space<hbm>>
    %dma_start3A_190 = tpu.memref_squeeze %dma_start3A_189 : memref<1x512xi32, #tpu.memory_space<hbm>> -> memref<512xi32, #tpu.memory_space<hbm>>
    tpu.enqueue_dma source(%dma_start3A_190 : memref<512xi32, #tpu.memory_space<hbm>>) target(%dma_start3A_188 : memref<512xi32, #tpu.memory_space<vmem>>) target_semaphore(%arg27 : memref<!tpu.dma_semaphore, #tpu.memory_space<semaphore_mem>>)
    %dma_start3A_191 = arith.constant 21 : i32
    %dma_start3A_192 = arith.constant 10752 : i32
    %dma_start3A_193 = tpu.memref_slice %arg5[%dma_start3A_192] : memref<13312xi32, #tpu.memory_space<vmem>> -> memref<512xi32, #tpu.memory_space<vmem>>
    %dma_start3A_194 = tpu.memref_slice %arg3[%dma_start3A_191, %multiple_of3A] : memref<26x16384xi32, #tpu.memory_space<hbm>> -> memref<1x512xi32, #tpu.memory_space<hbm>>
    %dma_start3A_195 = tpu.memref_squeeze %dma_start3A_194 : memref<1x512xi32, #tpu.memory_space<hbm>> -> memref<512xi32, #tpu.memory_space<hbm>>
    %dma_start3A_196 = arith.constant 10752 : i32
    %dma_start3A_197 = tpu.memref_slice %arg5[%dma_start3A_196] : memref<13312xi32, #tpu.memory_space<vmem>> -> memref<512xi32, #tpu.memory_space<vmem>>
    %dma_start3A_198 = tpu.memref_slice %arg3[%dma_start3A_191, %multiple_of3A] : memref<26x16384xi32, #tpu.memory_space<hbm>> -> memref<1x512xi32, #tpu.memory_space<hbm>>
    %dma_start3A_199 = tpu.memref_squeeze %dma_start3A_198 : memref<1x512xi32, #tpu.memory_space<hbm>> -> memref<512xi32, #tpu.memory_space<hbm>>
    tpu.enqueue_dma source(%dma_start3A_199 : memref<512xi32, #tpu.memory_space<hbm>>) target(%dma_start3A_197 : memref<512xi32, #tpu.memory_space<vmem>>) target_semaphore(%arg27 : memref<!tpu.dma_semaphore, #tpu.memory_space<semaphore_mem>>)
    %dma_start3A_200 = arith.constant 22 : i32
    %dma_start3A_201 = arith.constant 11264 : i32
    %dma_start3A_202 = tpu.memref_slice %arg5[%dma_start3A_201] : memref<13312xi32, #tpu.memory_space<vmem>> -> memref<512xi32, #tpu.memory_space<vmem>>
    %dma_start3A_203 = tpu.memref_slice %arg3[%dma_start3A_200, %multiple_of3A] : memref<26x16384xi32, #tpu.memory_space<hbm>> -> memref<1x512xi32, #tpu.memory_space<hbm>>
    %dma_start3A_204 = tpu.memref_squeeze %dma_start3A_203 : memref<1x512xi32, #tpu.memory_space<hbm>> -> memref<512xi32, #tpu.memory_space<hbm>>
    %dma_start3A_205 = arith.constant 11264 : i32
    %dma_start3A_206 = tpu.memref_slice %arg5[%dma_start3A_205] : memref<13312xi32, #tpu.memory_space<vmem>> -> memref<512xi32, #tpu.memory_space<vmem>>
    %dma_start3A_207 = tpu.memref_slice %arg3[%dma_start3A_200, %multiple_of3A] : memref<26x16384xi32, #tpu.memory_space<hbm>> -> memref<1x512xi32, #tpu.memory_space<hbm>>
    %dma_start3A_208 = tpu.memref_squeeze %dma_start3A_207 : memref<1x512xi32, #tpu.memory_space<hbm>> -> memref<512xi32, #tpu.memory_space<hbm>>
    tpu.enqueue_dma source(%dma_start3A_208 : memref<512xi32, #tpu.memory_space<hbm>>) target(%dma_start3A_206 : memref<512xi32, #tpu.memory_space<vmem>>) target_semaphore(%arg27 : memref<!tpu.dma_semaphore, #tpu.memory_space<semaphore_mem>>)
    %dma_start3A_209 = arith.constant 23 : i32
    %dma_start3A_210 = arith.constant 11776 : i32
    %dma_start3A_211 = tpu.memref_slice %arg5[%dma_start3A_210] : memref<13312xi32, #tpu.memory_space<vmem>> -> memref<512xi32, #tpu.memory_space<vmem>>
    %dma_start3A_212 = tpu.memref_slice %arg3[%dma_start3A_209, %multiple_of3A] : memref<26x16384xi32, #tpu.memory_space<hbm>> -> memref<1x512xi32, #tpu.memory_space<hbm>>
    %dma_start3A_213 = tpu.memref_squeeze %dma_start3A_212 : memref<1x512xi32, #tpu.memory_space<hbm>> -> memref<512xi32, #tpu.memory_space<hbm>>
    %dma_start3A_214 = arith.constant 11776 : i32
    %dma_start3A_215 = tpu.memref_slice %arg5[%dma_start3A_214] : memref<13312xi32, #tpu.memory_space<vmem>> -> memref<512xi32, #tpu.memory_space<vmem>>
    %dma_start3A_216 = tpu.memref_slice %arg3[%dma_start3A_209, %multiple_of3A] : memref<26x16384xi32, #tpu.memory_space<hbm>> -> memref<1x512xi32, #tpu.memory_space<hbm>>
    %dma_start3A_217 = tpu.memref_squeeze %dma_start3A_216 : memref<1x512xi32, #tpu.memory_space<hbm>> -> memref<512xi32, #tpu.memory_space<hbm>>
    tpu.enqueue_dma source(%dma_start3A_217 : memref<512xi32, #tpu.memory_space<hbm>>) target(%dma_start3A_215 : memref<512xi32, #tpu.memory_space<vmem>>) target_semaphore(%arg27 : memref<!tpu.dma_semaphore, #tpu.memory_space<semaphore_mem>>)
    %dma_start3A_218 = arith.constant 24 : i32
    %dma_start3A_219 = arith.constant 12288 : i32
    %dma_start3A_220 = tpu.memref_slice %arg5[%dma_start3A_219] : memref<13312xi32, #tpu.memory_space<vmem>> -> memref<512xi32, #tpu.memory_space<vmem>>
    %dma_start3A_221 = tpu.memref_slice %arg3[%dma_start3A_218, %multiple_of3A] : memref<26x16384xi32, #tpu.memory_space<hbm>> -> memref<1x512xi32, #tpu.memory_space<hbm>>
    %dma_start3A_222 = tpu.memref_squeeze %dma_start3A_221 : memref<1x512xi32, #tpu.memory_space<hbm>> -> memref<512xi32, #tpu.memory_space<hbm>>
    %dma_start3A_223 = arith.constant 12288 : i32
    %dma_start3A_224 = tpu.memref_slice %arg5[%dma_start3A_223] : memref<13312xi32, #tpu.memory_space<vmem>> -> memref<512xi32, #tpu.memory_space<vmem>>
    %dma_start3A_225 = tpu.memref_slice %arg3[%dma_start3A_218, %multiple_of3A] : memref<26x16384xi32, #tpu.memory_space<hbm>> -> memref<1x512xi32, #tpu.memory_space<hbm>>
    %dma_start3A_226 = tpu.memref_squeeze %dma_start3A_225 : memref<1x512xi32, #tpu.memory_space<hbm>> -> memref<512xi32, #tpu.memory_space<hbm>>
    tpu.enqueue_dma source(%dma_start3A_226 : memref<512xi32, #tpu.memory_space<hbm>>) target(%dma_start3A_224 : memref<512xi32, #tpu.memory_space<vmem>>) target_semaphore(%arg27 : memref<!tpu.dma_semaphore, #tpu.memory_space<semaphore_mem>>)
    %dma_start3A_227 = arith.constant 25 : i32
    %dma_start3A_228 = arith.constant 12800 : i32
    %dma_start3A_229 = tpu.memref_slice %arg5[%dma_start3A_228] : memref<13312xi32, #tpu.memory_space<vmem>> -> memref<512xi32, #tpu.memory_space<vmem>>
    %dma_start3A_230 = tpu.memref_slice %arg3[%dma_start3A_227, %multiple_of3A] : memref<26x16384xi32, #tpu.memory_space<hbm>> -> memref<1x512xi32, #tpu.memory_space<hbm>>
    %dma_start3A_231 = tpu.memref_squeeze %dma_start3A_230 : memref<1x512xi32, #tpu.memory_space<hbm>> -> memref<512xi32, #tpu.memory_space<hbm>>
    %dma_start3A_232 = arith.constant 12800 : i32
    %dma_start3A_233 = tpu.memref_slice %arg5[%dma_start3A_232] : memref<13312xi32, #tpu.memory_space<vmem>> -> memref<512xi32, #tpu.memory_space<vmem>>
    %dma_start3A_234 = tpu.memref_slice %arg3[%dma_start3A_227, %multiple_of3A] : memref<26x16384xi32, #tpu.memory_space<hbm>> -> memref<1x512xi32, #tpu.memory_space<hbm>>
    %dma_start3A_235 = tpu.memref_squeeze %dma_start3A_234 : memref<1x512xi32, #tpu.memory_space<hbm>> -> memref<512xi32, #tpu.memory_space<hbm>>
    tpu.enqueue_dma source(%dma_start3A_235 : memref<512xi32, #tpu.memory_space<hbm>>) target(%dma_start3A_233 : memref<512xi32, #tpu.memory_space<vmem>>) target_semaphore(%arg27 : memref<!tpu.dma_semaphore, #tpu.memory_space<semaphore_mem>>)
    %dma_wait3A = arith.constant 0 : i32
    %dma_wait3A_236 = arith.constant 0 : i32
    %dma_wait3A_237 = tpu.memref_slice %arg5[%dma_wait3A_236] : memref<13312xi32, #tpu.memory_space<vmem>> -> memref<512xi32, #tpu.memory_space<vmem>>
    %dma_wait3A_238 = tpu.memref_slice %arg3[%dma_wait3A, %multiple_of3A] : memref<26x16384xi32, #tpu.memory_space<hbm>> -> memref<1x512xi32, #tpu.memory_space<hbm>>
    %dma_wait3A_239 = tpu.memref_squeeze %dma_wait3A_238 : memref<1x512xi32, #tpu.memory_space<hbm>> -> memref<512xi32, #tpu.memory_space<hbm>>
    %dma_wait3A_240 = arith.constant 0 : i32
    %dma_wait3A_241 = tpu.memref_slice %arg5[%dma_wait3A_240] : memref<13312xi32, #tpu.memory_space<vmem>> -> memref<512xi32, #tpu.memory_space<vmem>>
    %dma_wait3A_242 = tpu.memref_slice %arg3[%dma_wait3A, %multiple_of3A] : memref<26x16384xi32, #tpu.memory_space<hbm>> -> memref<1x512xi32, #tpu.memory_space<hbm>>
    %dma_wait3A_243 = tpu.memref_squeeze %dma_wait3A_242 : memref<1x512xi32, #tpu.memory_space<hbm>> -> memref<512xi32, #tpu.memory_space<hbm>>
    tpu.wait_dma2 semaphore(%arg27 : memref<!tpu.dma_semaphore, #tpu.memory_space<semaphore_mem>>) src(%dma_wait3A_243 : memref<512xi32, #tpu.memory_space<hbm>>) dst(%dma_wait3A_241 : memref<512xi32, #tpu.memory_space<vmem>>)
    %dma_wait3A_244 = arith.constant 1 : i32
    %dma_wait3A_245 = arith.constant 512 : i32
    %dma_wait3A_246 = tpu.memref_slice %arg5[%dma_wait3A_245] : memref<13312xi32, #tpu.memory_space<vmem>> -> memref<512xi32, #tpu.memory_space<vmem>>
    %dma_wait3A_247 = tpu.memref_slice %arg3[%dma_wait3A_244, %multiple_of3A] : memref<26x16384xi32, #tpu.memory_space<hbm>> -> memref<1x512xi32, #tpu.memory_space<hbm>>
    %dma_wait3A_248 = tpu.memref_squeeze %dma_wait3A_247 : memref<1x512xi32, #tpu.memory_space<hbm>> -> memref<512xi32, #tpu.memory_space<hbm>>
    %dma_wait3A_249 = arith.constant 512 : i32
    %dma_wait3A_250 = tpu.memref_slice %arg5[%dma_wait3A_249] : memref<13312xi32, #tpu.memory_space<vmem>> -> memref<512xi32, #tpu.memory_space<vmem>>
    %dma_wait3A_251 = tpu.memref_slice %arg3[%dma_wait3A_244, %multiple_of3A] : memref<26x16384xi32, #tpu.memory_space<hbm>> -> memref<1x512xi32, #tpu.memory_space<hbm>>
    %dma_wait3A_252 = tpu.memref_squeeze %dma_wait3A_251 : memref<1x512xi32, #tpu.memory_space<hbm>> -> memref<512xi32, #tpu.memory_space<hbm>>
    tpu.wait_dma2 semaphore(%arg27 : memref<!tpu.dma_semaphore, #tpu.memory_space<semaphore_mem>>) src(%dma_wait3A_252 : memref<512xi32, #tpu.memory_space<hbm>>) dst(%dma_wait3A_250 : memref<512xi32, #tpu.memory_space<vmem>>)
    %dma_wait3A_253 = arith.constant 2 : i32
    %dma_wait3A_254 = arith.constant 1024 : i32
    %dma_wait3A_255 = tpu.memref_slice %arg5[%dma_wait3A_254] : memref<13312xi32, #tpu.memory_space<vmem>> -> memref<512xi32, #tpu.memory_space<vmem>>
    %dma_wait3A_256 = tpu.memref_slice %arg3[%dma_wait3A_253, %multiple_of3A] : memref<26x16384xi32, #tpu.memory_space<hbm>> -> memref<1x512xi32, #tpu.memory_space<hbm>>
    %dma_wait3A_257 = tpu.memref_squeeze %dma_wait3A_256 : memref<1x512xi32, #tpu.memory_space<hbm>> -> memref<512xi32, #tpu.memory_space<hbm>>
    %dma_wait3A_258 = arith.constant 1024 : i32
    %dma_wait3A_259 = tpu.memref_slice %arg5[%dma_wait3A_258] : memref<13312xi32, #tpu.memory_space<vmem>> -> memref<512xi32, #tpu.memory_space<vmem>>
    %dma_wait3A_260 = tpu.memref_slice %arg3[%dma_wait3A_253, %multiple_of3A] : memref<26x16384xi32, #tpu.memory_space<hbm>> -> memref<1x512xi32, #tpu.memory_space<hbm>>
    %dma_wait3A_261 = tpu.memref_squeeze %dma_wait3A_260 : memref<1x512xi32, #tpu.memory_space<hbm>> -> memref<512xi32, #tpu.memory_space<hbm>>
    tpu.wait_dma2 semaphore(%arg27 : memref<!tpu.dma_semaphore, #tpu.memory_space<semaphore_mem>>) src(%dma_wait3A_261 : memref<512xi32, #tpu.memory_space<hbm>>) dst(%dma_wait3A_259 : memref<512xi32, #tpu.memory_space<vmem>>)
    %dma_wait3A_262 = arith.constant 3 : i32
    %dma_wait3A_263 = arith.constant 1536 : i32
    %dma_wait3A_264 = tpu.memref_slice %arg5[%dma_wait3A_263] : memref<13312xi32, #tpu.memory_space<vmem>> -> memref<512xi32, #tpu.memory_space<vmem>>
    %dma_wait3A_265 = tpu.memref_slice %arg3[%dma_wait3A_262, %multiple_of3A] : memref<26x16384xi32, #tpu.memory_space<hbm>> -> memref<1x512xi32, #tpu.memory_space<hbm>>
    %dma_wait3A_266 = tpu.memref_squeeze %dma_wait3A_265 : memref<1x512xi32, #tpu.memory_space<hbm>> -> memref<512xi32, #tpu.memory_space<hbm>>
    %dma_wait3A_267 = arith.constant 1536 : i32
    %dma_wait3A_268 = tpu.memref_slice %arg5[%dma_wait3A_267] : memref<13312xi32, #tpu.memory_space<vmem>> -> memref<512xi32, #tpu.memory_space<vmem>>
    %dma_wait3A_269 = tpu.memref_slice %arg3[%dma_wait3A_262, %multiple_of3A] : memref<26x16384xi32, #tpu.memory_space<hbm>> -> memref<1x512xi32, #tpu.memory_space<hbm>>
    %dma_wait3A_270 = tpu.memref_squeeze %dma_wait3A_269 : memref<1x512xi32, #tpu.memory_space<hbm>> -> memref<512xi32, #tpu.memory_space<hbm>>
    tpu.wait_dma2 semaphore(%arg27 : memref<!tpu.dma_semaphore, #tpu.memory_space<semaphore_mem>>) src(%dma_wait3A_270 : memref<512xi32, #tpu.memory_space<hbm>>) dst(%dma_wait3A_268 : memref<512xi32, #tpu.memory_space<vmem>>)
    %dma_wait3A_271 = arith.constant 4 : i32
    %dma_wait3A_272 = arith.constant 2048 : i32
    %dma_wait3A_273 = tpu.memref_slice %arg5[%dma_wait3A_272] : memref<13312xi32, #tpu.memory_space<vmem>> -> memref<512xi32, #tpu.memory_space<vmem>>
    %dma_wait3A_274 = tpu.memref_slice %arg3[%dma_wait3A_271, %multiple_of3A] : memref<26x16384xi32, #tpu.memory_space<hbm>> -> memref<1x512xi32, #tpu.memory_space<hbm>>
    %dma_wait3A_275 = tpu.memref_squeeze %dma_wait3A_274 : memref<1x512xi32, #tpu.memory_space<hbm>> -> memref<512xi32, #tpu.memory_space<hbm>>
    %dma_wait3A_276 = arith.constant 2048 : i32
    %dma_wait3A_277 = tpu.memref_slice %arg5[%dma_wait3A_276] : memref<13312xi32, #tpu.memory_space<vmem>> -> memref<512xi32, #tpu.memory_space<vmem>>
    %dma_wait3A_278 = tpu.memref_slice %arg3[%dma_wait3A_271, %multiple_of3A] : memref<26x16384xi32, #tpu.memory_space<hbm>> -> memref<1x512xi32, #tpu.memory_space<hbm>>
    %dma_wait3A_279 = tpu.memref_squeeze %dma_wait3A_278 : memref<1x512xi32, #tpu.memory_space<hbm>> -> memref<512xi32, #tpu.memory_space<hbm>>
    tpu.wait_dma2 semaphore(%arg27 : memref<!tpu.dma_semaphore, #tpu.memory_space<semaphore_mem>>) src(%dma_wait3A_279 : memref<512xi32, #tpu.memory_space<hbm>>) dst(%dma_wait3A_277 : memref<512xi32, #tpu.memory_space<vmem>>)
    %dma_wait3A_280 = arith.constant 5 : i32
    %dma_wait3A_281 = arith.constant 2560 : i32
    %dma_wait3A_282 = tpu.memref_slice %arg5[%dma_wait3A_281] : memref<13312xi32, #tpu.memory_space<vmem>> -> memref<512xi32, #tpu.memory_space<vmem>>
    %dma_wait3A_283 = tpu.memref_slice %arg3[%dma_wait3A_280, %multiple_of3A] : memref<26x16384xi32, #tpu.memory_space<hbm>> -> memref<1x512xi32, #tpu.memory_space<hbm>>
    %dma_wait3A_284 = tpu.memref_squeeze %dma_wait3A_283 : memref<1x512xi32, #tpu.memory_space<hbm>> -> memref<512xi32, #tpu.memory_space<hbm>>
    %dma_wait3A_285 = arith.constant 2560 : i32
    %dma_wait3A_286 = tpu.memref_slice %arg5[%dma_wait3A_285] : memref<13312xi32, #tpu.memory_space<vmem>> -> memref<512xi32, #tpu.memory_space<vmem>>
    %dma_wait3A_287 = tpu.memref_slice %arg3[%dma_wait3A_280, %multiple_of3A] : memref<26x16384xi32, #tpu.memory_space<hbm>> -> memref<1x512xi32, #tpu.memory_space<hbm>>
    %dma_wait3A_288 = tpu.memref_squeeze %dma_wait3A_287 : memref<1x512xi32, #tpu.memory_space<hbm>> -> memref<512xi32, #tpu.memory_space<hbm>>
    tpu.wait_dma2 semaphore(%arg27 : memref<!tpu.dma_semaphore, #tpu.memory_space<semaphore_mem>>) src(%dma_wait3A_288 : memref<512xi32, #tpu.memory_space<hbm>>) dst(%dma_wait3A_286 : memref<512xi32, #tpu.memory_space<vmem>>)
    %dma_wait3A_289 = arith.constant 6 : i32
    %dma_wait3A_290 = arith.constant 3072 : i32
    %dma_wait3A_291 = tpu.memref_slice %arg5[%dma_wait3A_290] : memref<13312xi32, #tpu.memory_space<vmem>> -> memref<512xi32, #tpu.memory_space<vmem>>
    %dma_wait3A_292 = tpu.memref_slice %arg3[%dma_wait3A_289, %multiple_of3A] : memref<26x16384xi32, #tpu.memory_space<hbm>> -> memref<1x512xi32, #tpu.memory_space<hbm>>
    %dma_wait3A_293 = tpu.memref_squeeze %dma_wait3A_292 : memref<1x512xi32, #tpu.memory_space<hbm>> -> memref<512xi32, #tpu.memory_space<hbm>>
    %dma_wait3A_294 = arith.constant 3072 : i32
    %dma_wait3A_295 = tpu.memref_slice %arg5[%dma_wait3A_294] : memref<13312xi32, #tpu.memory_space<vmem>> -> memref<512xi32, #tpu.memory_space<vmem>>
    %dma_wait3A_296 = tpu.memref_slice %arg3[%dma_wait3A_289, %multiple_of3A] : memref<26x16384xi32, #tpu.memory_space<hbm>> -> memref<1x512xi32, #tpu.memory_space<hbm>>
    %dma_wait3A_297 = tpu.memref_squeeze %dma_wait3A_296 : memref<1x512xi32, #tpu.memory_space<hbm>> -> memref<512xi32, #tpu.memory_space<hbm>>
    tpu.wait_dma2 semaphore(%arg27 : memref<!tpu.dma_semaphore, #tpu.memory_space<semaphore_mem>>) src(%dma_wait3A_297 : memref<512xi32, #tpu.memory_space<hbm>>) dst(%dma_wait3A_295 : memref<512xi32, #tpu.memory_space<vmem>>)
    %dma_wait3A_298 = arith.constant 7 : i32
    %dma_wait3A_299 = arith.constant 3584 : i32
    %dma_wait3A_300 = tpu.memref_slice %arg5[%dma_wait3A_299] : memref<13312xi32, #tpu.memory_space<vmem>> -> memref<512xi32, #tpu.memory_space<vmem>>
    %dma_wait3A_301 = tpu.memref_slice %arg3[%dma_wait3A_298, %multiple_of3A] : memref<26x16384xi32, #tpu.memory_space<hbm>> -> memref<1x512xi32, #tpu.memory_space<hbm>>
    %dma_wait3A_302 = tpu.memref_squeeze %dma_wait3A_301 : memref<1x512xi32, #tpu.memory_space<hbm>> -> memref<512xi32, #tpu.memory_space<hbm>>
    %dma_wait3A_303 = arith.constant 3584 : i32
    %dma_wait3A_304 = tpu.memref_slice %arg5[%dma_wait3A_303] : memref<13312xi32, #tpu.memory_space<vmem>> -> memref<512xi32, #tpu.memory_space<vmem>>
    %dma_wait3A_305 = tpu.memref_slice %arg3[%dma_wait3A_298, %multiple_of3A] : memref<26x16384xi32, #tpu.memory_space<hbm>> -> memref<1x512xi32, #tpu.memory_space<hbm>>
    %dma_wait3A_306 = tpu.memref_squeeze %dma_wait3A_305 : memref<1x512xi32, #tpu.memory_space<hbm>> -> memref<512xi32, #tpu.memory_space<hbm>>
    tpu.wait_dma2 semaphore(%arg27 : memref<!tpu.dma_semaphore, #tpu.memory_space<semaphore_mem>>) src(%dma_wait3A_306 : memref<512xi32, #tpu.memory_space<hbm>>) dst(%dma_wait3A_304 : memref<512xi32, #tpu.memory_space<vmem>>)
    %dma_wait3A_307 = arith.constant 8 : i32
    %dma_wait3A_308 = arith.constant 4096 : i32
    %dma_wait3A_309 = tpu.memref_slice %arg5[%dma_wait3A_308] : memref<13312xi32, #tpu.memory_space<vmem>> -> memref<512xi32, #tpu.memory_space<vmem>>
    %dma_wait3A_310 = tpu.memref_slice %arg3[%dma_wait3A_307, %multiple_of3A] : memref<26x16384xi32, #tpu.memory_space<hbm>> -> memref<1x512xi32, #tpu.memory_space<hbm>>
    %dma_wait3A_311 = tpu.memref_squeeze %dma_wait3A_310 : memref<1x512xi32, #tpu.memory_space<hbm>> -> memref<512xi32, #tpu.memory_space<hbm>>
    %dma_wait3A_312 = arith.constant 4096 : i32
    %dma_wait3A_313 = tpu.memref_slice %arg5[%dma_wait3A_312] : memref<13312xi32, #tpu.memory_space<vmem>> -> memref<512xi32, #tpu.memory_space<vmem>>
    %dma_wait3A_314 = tpu.memref_slice %arg3[%dma_wait3A_307, %multiple_of3A] : memref<26x16384xi32, #tpu.memory_space<hbm>> -> memref<1x512xi32, #tpu.memory_space<hbm>>
    %dma_wait3A_315 = tpu.memref_squeeze %dma_wait3A_314 : memref<1x512xi32, #tpu.memory_space<hbm>> -> memref<512xi32, #tpu.memory_space<hbm>>
    tpu.wait_dma2 semaphore(%arg27 : memref<!tpu.dma_semaphore, #tpu.memory_space<semaphore_mem>>) src(%dma_wait3A_315 : memref<512xi32, #tpu.memory_space<hbm>>) dst(%dma_wait3A_313 : memref<512xi32, #tpu.memory_space<vmem>>)
    %dma_wait3A_316 = arith.constant 9 : i32
    %dma_wait3A_317 = arith.constant 4608 : i32
    %dma_wait3A_318 = tpu.memref_slice %arg5[%dma_wait3A_317] : memref<13312xi32, #tpu.memory_space<vmem>> -> memref<512xi32, #tpu.memory_space<vmem>>
    %dma_wait3A_319 = tpu.memref_slice %arg3[%dma_wait3A_316, %multiple_of3A] : memref<26x16384xi32, #tpu.memory_space<hbm>> -> memref<1x512xi32, #tpu.memory_space<hbm>>
    %dma_wait3A_320 = tpu.memref_squeeze %dma_wait3A_319 : memref<1x512xi32, #tpu.memory_space<hbm>> -> memref<512xi32, #tpu.memory_space<hbm>>
    %dma_wait3A_321 = arith.constant 4608 : i32
    %dma_wait3A_322 = tpu.memref_slice %arg5[%dma_wait3A_321] : memref<13312xi32, #tpu.memory_space<vmem>> -> memref<512xi32, #tpu.memory_space<vmem>>
    %dma_wait3A_323 = tpu.memref_slice %arg3[%dma_wait3A_316, %multiple_of3A] : memref<26x16384xi32, #tpu.memory_space<hbm>> -> memref<1x512xi32, #tpu.memory_space<hbm>>
    %dma_wait3A_324 = tpu.memref_squeeze %dma_wait3A_323 : memref<1x512xi32, #tpu.memory_space<hbm>> -> memref<512xi32, #tpu.memory_space<hbm>>
    tpu.wait_dma2 semaphore(%arg27 : memref<!tpu.dma_semaphore, #tpu.memory_space<semaphore_mem>>) src(%dma_wait3A_324 : memref<512xi32, #tpu.memory_space<hbm>>) dst(%dma_wait3A_322 : memref<512xi32, #tpu.memory_space<vmem>>)
    %dma_wait3A_325 = arith.constant 10 : i32
    %dma_wait3A_326 = arith.constant 5120 : i32
    %dma_wait3A_327 = tpu.memref_slice %arg5[%dma_wait3A_326] : memref<13312xi32, #tpu.memory_space<vmem>> -> memref<512xi32, #tpu.memory_space<vmem>>
    %dma_wait3A_328 = tpu.memref_slice %arg3[%dma_wait3A_325, %multiple_of3A] : memref<26x16384xi32, #tpu.memory_space<hbm>> -> memref<1x512xi32, #tpu.memory_space<hbm>>
    %dma_wait3A_329 = tpu.memref_squeeze %dma_wait3A_328 : memref<1x512xi32, #tpu.memory_space<hbm>> -> memref<512xi32, #tpu.memory_space<hbm>>
    %dma_wait3A_330 = arith.constant 5120 : i32
    %dma_wait3A_331 = tpu.memref_slice %arg5[%dma_wait3A_330] : memref<13312xi32, #tpu.memory_space<vmem>> -> memref<512xi32, #tpu.memory_space<vmem>>
    %dma_wait3A_332 = tpu.memref_slice %arg3[%dma_wait3A_325, %multiple_of3A] : memref<26x16384xi32, #tpu.memory_space<hbm>> -> memref<1x512xi32, #tpu.memory_space<hbm>>
    %dma_wait3A_333 = tpu.memref_squeeze %dma_wait3A_332 : memref<1x512xi32, #tpu.memory_space<hbm>> -> memref<512xi32, #tpu.memory_space<hbm>>
    tpu.wait_dma2 semaphore(%arg27 : memref<!tpu.dma_semaphore, #tpu.memory_space<semaphore_mem>>) src(%dma_wait3A_333 : memref<512xi32, #tpu.memory_space<hbm>>) dst(%dma_wait3A_331 : memref<512xi32, #tpu.memory_space<vmem>>)
    %dma_wait3A_334 = arith.constant 11 : i32
    %dma_wait3A_335 = arith.constant 5632 : i32
    %dma_wait3A_336 = tpu.memref_slice %arg5[%dma_wait3A_335] : memref<13312xi32, #tpu.memory_space<vmem>> -> memref<512xi32, #tpu.memory_space<vmem>>
    %dma_wait3A_337 = tpu.memref_slice %arg3[%dma_wait3A_334, %multiple_of3A] : memref<26x16384xi32, #tpu.memory_space<hbm>> -> memref<1x512xi32, #tpu.memory_space<hbm>>
    %dma_wait3A_338 = tpu.memref_squeeze %dma_wait3A_337 : memref<1x512xi32, #tpu.memory_space<hbm>> -> memref<512xi32, #tpu.memory_space<hbm>>
    %dma_wait3A_339 = arith.constant 5632 : i32
    %dma_wait3A_340 = tpu.memref_slice %arg5[%dma_wait3A_339] : memref<13312xi32, #tpu.memory_space<vmem>> -> memref<512xi32, #tpu.memory_space<vmem>>
    %dma_wait3A_341 = tpu.memref_slice %arg3[%dma_wait3A_334, %multiple_of3A] : memref<26x16384xi32, #tpu.memory_space<hbm>> -> memref<1x512xi32, #tpu.memory_space<hbm>>
    %dma_wait3A_342 = tpu.memref_squeeze %dma_wait3A_341 : memref<1x512xi32, #tpu.memory_space<hbm>> -> memref<512xi32, #tpu.memory_space<hbm>>
    tpu.wait_dma2 semaphore(%arg27 : memref<!tpu.dma_semaphore, #tpu.memory_space<semaphore_mem>>) src(%dma_wait3A_342 : memref<512xi32, #tpu.memory_space<hbm>>) dst(%dma_wait3A_340 : memref<512xi32, #tpu.memory_space<vmem>>)
    %dma_wait3A_343 = arith.constant 12 : i32
    %dma_wait3A_344 = arith.constant 6144 : i32
    %dma_wait3A_345 = tpu.memref_slice %arg5[%dma_wait3A_344] : memref<13312xi32, #tpu.memory_space<vmem>> -> memref<512xi32, #tpu.memory_space<vmem>>
    %dma_wait3A_346 = tpu.memref_slice %arg3[%dma_wait3A_343, %multiple_of3A] : memref<26x16384xi32, #tpu.memory_space<hbm>> -> memref<1x512xi32, #tpu.memory_space<hbm>>
    %dma_wait3A_347 = tpu.memref_squeeze %dma_wait3A_346 : memref<1x512xi32, #tpu.memory_space<hbm>> -> memref<512xi32, #tpu.memory_space<hbm>>
    %dma_wait3A_348 = arith.constant 6144 : i32
    %dma_wait3A_349 = tpu.memref_slice %arg5[%dma_wait3A_348] : memref<13312xi32, #tpu.memory_space<vmem>> -> memref<512xi32, #tpu.memory_space<vmem>>
    %dma_wait3A_350 = tpu.memref_slice %arg3[%dma_wait3A_343, %multiple_of3A] : memref<26x16384xi32, #tpu.memory_space<hbm>> -> memref<1x512xi32, #tpu.memory_space<hbm>>
    %dma_wait3A_351 = tpu.memref_squeeze %dma_wait3A_350 : memref<1x512xi32, #tpu.memory_space<hbm>> -> memref<512xi32, #tpu.memory_space<hbm>>
    tpu.wait_dma2 semaphore(%arg27 : memref<!tpu.dma_semaphore, #tpu.memory_space<semaphore_mem>>) src(%dma_wait3A_351 : memref<512xi32, #tpu.memory_space<hbm>>) dst(%dma_wait3A_349 : memref<512xi32, #tpu.memory_space<vmem>>)
    %dma_wait3A_352 = arith.constant 13 : i32
    %dma_wait3A_353 = arith.constant 6656 : i32
    %dma_wait3A_354 = tpu.memref_slice %arg5[%dma_wait3A_353] : memref<13312xi32, #tpu.memory_space<vmem>> -> memref<512xi32, #tpu.memory_space<vmem>>
    %dma_wait3A_355 = tpu.memref_slice %arg3[%dma_wait3A_352, %multiple_of3A] : memref<26x16384xi32, #tpu.memory_space<hbm>> -> memref<1x512xi32, #tpu.memory_space<hbm>>
    %dma_wait3A_356 = tpu.memref_squeeze %dma_wait3A_355 : memref<1x512xi32, #tpu.memory_space<hbm>> -> memref<512xi32, #tpu.memory_space<hbm>>
    %dma_wait3A_357 = arith.constant 6656 : i32
    %dma_wait3A_358 = tpu.memref_slice %arg5[%dma_wait3A_357] : memref<13312xi32, #tpu.memory_space<vmem>> -> memref<512xi32, #tpu.memory_space<vmem>>
    %dma_wait3A_359 = tpu.memref_slice %arg3[%dma_wait3A_352, %multiple_of3A] : memref<26x16384xi32, #tpu.memory_space<hbm>> -> memref<1x512xi32, #tpu.memory_space<hbm>>
    %dma_wait3A_360 = tpu.memref_squeeze %dma_wait3A_359 : memref<1x512xi32, #tpu.memory_space<hbm>> -> memref<512xi32, #tpu.memory_space<hbm>>
    tpu.wait_dma2 semaphore(%arg27 : memref<!tpu.dma_semaphore, #tpu.memory_space<semaphore_mem>>) src(%dma_wait3A_360 : memref<512xi32, #tpu.memory_space<hbm>>) dst(%dma_wait3A_358 : memref<512xi32, #tpu.memory_space<vmem>>)
    %dma_wait3A_361 = arith.constant 14 : i32
    %dma_wait3A_362 = arith.constant 7168 : i32
    %dma_wait3A_363 = tpu.memref_slice %arg5[%dma_wait3A_362] : memref<13312xi32, #tpu.memory_space<vmem>> -> memref<512xi32, #tpu.memory_space<vmem>>
    %dma_wait3A_364 = tpu.memref_slice %arg3[%dma_wait3A_361, %multiple_of3A] : memref<26x16384xi32, #tpu.memory_space<hbm>> -> memref<1x512xi32, #tpu.memory_space<hbm>>
    %dma_wait3A_365 = tpu.memref_squeeze %dma_wait3A_364 : memref<1x512xi32, #tpu.memory_space<hbm>> -> memref<512xi32, #tpu.memory_space<hbm>>
    %dma_wait3A_366 = arith.constant 7168 : i32
    %dma_wait3A_367 = tpu.memref_slice %arg5[%dma_wait3A_366] : memref<13312xi32, #tpu.memory_space<vmem>> -> memref<512xi32, #tpu.memory_space<vmem>>
    %dma_wait3A_368 = tpu.memref_slice %arg3[%dma_wait3A_361, %multiple_of3A] : memref<26x16384xi32, #tpu.memory_space<hbm>> -> memref<1x512xi32, #tpu.memory_space<hbm>>
    %dma_wait3A_369 = tpu.memref_squeeze %dma_wait3A_368 : memref<1x512xi32, #tpu.memory_space<hbm>> -> memref<512xi32, #tpu.memory_space<hbm>>
    tpu.wait_dma2 semaphore(%arg27 : memref<!tpu.dma_semaphore, #tpu.memory_space<semaphore_mem>>) src(%dma_wait3A_369 : memref<512xi32, #tpu.memory_space<hbm>>) dst(%dma_wait3A_367 : memref<512xi32, #tpu.memory_space<vmem>>)
    %dma_wait3A_370 = arith.constant 15 : i32
    %dma_wait3A_371 = arith.constant 7680 : i32
    %dma_wait3A_372 = tpu.memref_slice %arg5[%dma_wait3A_371] : memref<13312xi32, #tpu.memory_space<vmem>> -> memref<512xi32, #tpu.memory_space<vmem>>
    %dma_wait3A_373 = tpu.memref_slice %arg3[%dma_wait3A_370, %multiple_of3A] : memref<26x16384xi32, #tpu.memory_space<hbm>> -> memref<1x512xi32, #tpu.memory_space<hbm>>
    %dma_wait3A_374 = tpu.memref_squeeze %dma_wait3A_373 : memref<1x512xi32, #tpu.memory_space<hbm>> -> memref<512xi32, #tpu.memory_space<hbm>>
    %dma_wait3A_375 = arith.constant 7680 : i32
    %dma_wait3A_376 = tpu.memref_slice %arg5[%dma_wait3A_375] : memref<13312xi32, #tpu.memory_space<vmem>> -> memref<512xi32, #tpu.memory_space<vmem>>
    %dma_wait3A_377 = tpu.memref_slice %arg3[%dma_wait3A_370, %multiple_of3A] : memref<26x16384xi32, #tpu.memory_space<hbm>> -> memref<1x512xi32, #tpu.memory_space<hbm>>
    %dma_wait3A_378 = tpu.memref_squeeze %dma_wait3A_377 : memref<1x512xi32, #tpu.memory_space<hbm>> -> memref<512xi32, #tpu.memory_space<hbm>>
    tpu.wait_dma2 semaphore(%arg27 : memref<!tpu.dma_semaphore, #tpu.memory_space<semaphore_mem>>) src(%dma_wait3A_378 : memref<512xi32, #tpu.memory_space<hbm>>) dst(%dma_wait3A_376 : memref<512xi32, #tpu.memory_space<vmem>>)
    %dma_wait3A_379 = arith.constant 16 : i32
    %dma_wait3A_380 = arith.constant 8192 : i32
    %dma_wait3A_381 = tpu.memref_slice %arg5[%dma_wait3A_380] : memref<13312xi32, #tpu.memory_space<vmem>> -> memref<512xi32, #tpu.memory_space<vmem>>
    %dma_wait3A_382 = tpu.memref_slice %arg3[%dma_wait3A_379, %multiple_of3A] : memref<26x16384xi32, #tpu.memory_space<hbm>> -> memref<1x512xi32, #tpu.memory_space<hbm>>
    %dma_wait3A_383 = tpu.memref_squeeze %dma_wait3A_382 : memref<1x512xi32, #tpu.memory_space<hbm>> -> memref<512xi32, #tpu.memory_space<hbm>>
    %dma_wait3A_384 = arith.constant 8192 : i32
    %dma_wait3A_385 = tpu.memref_slice %arg5[%dma_wait3A_384] : memref<13312xi32, #tpu.memory_space<vmem>> -> memref<512xi32, #tpu.memory_space<vmem>>
    %dma_wait3A_386 = tpu.memref_slice %arg3[%dma_wait3A_379, %multiple_of3A] : memref<26x16384xi32, #tpu.memory_space<hbm>> -> memref<1x512xi32, #tpu.memory_space<hbm>>
    %dma_wait3A_387 = tpu.memref_squeeze %dma_wait3A_386 : memref<1x512xi32, #tpu.memory_space<hbm>> -> memref<512xi32, #tpu.memory_space<hbm>>
    tpu.wait_dma2 semaphore(%arg27 : memref<!tpu.dma_semaphore, #tpu.memory_space<semaphore_mem>>) src(%dma_wait3A_387 : memref<512xi32, #tpu.memory_space<hbm>>) dst(%dma_wait3A_385 : memref<512xi32, #tpu.memory_space<vmem>>)
    %dma_wait3A_388 = arith.constant 17 : i32
    %dma_wait3A_389 = arith.constant 8704 : i32
    %dma_wait3A_390 = tpu.memref_slice %arg5[%dma_wait3A_389] : memref<13312xi32, #tpu.memory_space<vmem>> -> memref<512xi32, #tpu.memory_space<vmem>>
    %dma_wait3A_391 = tpu.memref_slice %arg3[%dma_wait3A_388, %multiple_of3A] : memref<26x16384xi32, #tpu.memory_space<hbm>> -> memref<1x512xi32, #tpu.memory_space<hbm>>
    %dma_wait3A_392 = tpu.memref_squeeze %dma_wait3A_391 : memref<1x512xi32, #tpu.memory_space<hbm>> -> memref<512xi32, #tpu.memory_space<hbm>>
    %dma_wait3A_393 = arith.constant 8704 : i32
    %dma_wait3A_394 = tpu.memref_slice %arg5[%dma_wait3A_393] : memref<13312xi32, #tpu.memory_space<vmem>> -> memref<512xi32, #tpu.memory_space<vmem>>
    %dma_wait3A_395 = tpu.memref_slice %arg3[%dma_wait3A_388, %multiple_of3A] : memref<26x16384xi32, #tpu.memory_space<hbm>> -> memref<1x512xi32, #tpu.memory_space<hbm>>
    %dma_wait3A_396 = tpu.memref_squeeze %dma_wait3A_395 : memref<1x512xi32, #tpu.memory_space<hbm>> -> memref<512xi32, #tpu.memory_space<hbm>>
    tpu.wait_dma2 semaphore(%arg27 : memref<!tpu.dma_semaphore, #tpu.memory_space<semaphore_mem>>) src(%dma_wait3A_396 : memref<512xi32, #tpu.memory_space<hbm>>) dst(%dma_wait3A_394 : memref<512xi32, #tpu.memory_space<vmem>>)
    %dma_wait3A_397 = arith.constant 18 : i32
    %dma_wait3A_398 = arith.constant 9216 : i32
    %dma_wait3A_399 = tpu.memref_slice %arg5[%dma_wait3A_398] : memref<13312xi32, #tpu.memory_space<vmem>> -> memref<512xi32, #tpu.memory_space<vmem>>
    %dma_wait3A_400 = tpu.memref_slice %arg3[%dma_wait3A_397, %multiple_of3A] : memref<26x16384xi32, #tpu.memory_space<hbm>> -> memref<1x512xi32, #tpu.memory_space<hbm>>
    %dma_wait3A_401 = tpu.memref_squeeze %dma_wait3A_400 : memref<1x512xi32, #tpu.memory_space<hbm>> -> memref<512xi32, #tpu.memory_space<hbm>>
    %dma_wait3A_402 = arith.constant 9216 : i32
    %dma_wait3A_403 = tpu.memref_slice %arg5[%dma_wait3A_402] : memref<13312xi32, #tpu.memory_space<vmem>> -> memref<512xi32, #tpu.memory_space<vmem>>
    %dma_wait3A_404 = tpu.memref_slice %arg3[%dma_wait3A_397, %multiple_of3A] : memref<26x16384xi32, #tpu.memory_space<hbm>> -> memref<1x512xi32, #tpu.memory_space<hbm>>
    %dma_wait3A_405 = tpu.memref_squeeze %dma_wait3A_404 : memref<1x512xi32, #tpu.memory_space<hbm>> -> memref<512xi32, #tpu.memory_space<hbm>>
    tpu.wait_dma2 semaphore(%arg27 : memref<!tpu.dma_semaphore, #tpu.memory_space<semaphore_mem>>) src(%dma_wait3A_405 : memref<512xi32, #tpu.memory_space<hbm>>) dst(%dma_wait3A_403 : memref<512xi32, #tpu.memory_space<vmem>>)
    %dma_wait3A_406 = arith.constant 19 : i32
    %dma_wait3A_407 = arith.constant 9728 : i32
    %dma_wait3A_408 = tpu.memref_slice %arg5[%dma_wait3A_407] : memref<13312xi32, #tpu.memory_space<vmem>> -> memref<512xi32, #tpu.memory_space<vmem>>
    %dma_wait3A_409 = tpu.memref_slice %arg3[%dma_wait3A_406, %multiple_of3A] : memref<26x16384xi32, #tpu.memory_space<hbm>> -> memref<1x512xi32, #tpu.memory_space<hbm>>
    %dma_wait3A_410 = tpu.memref_squeeze %dma_wait3A_409 : memref<1x512xi32, #tpu.memory_space<hbm>> -> memref<512xi32, #tpu.memory_space<hbm>>
    %dma_wait3A_411 = arith.constant 9728 : i32
    %dma_wait3A_412 = tpu.memref_slice %arg5[%dma_wait3A_411] : memref<13312xi32, #tpu.memory_space<vmem>> -> memref<512xi32, #tpu.memory_space<vmem>>
    %dma_wait3A_413 = tpu.memref_slice %arg3[%dma_wait3A_406, %multiple_of3A] : memref<26x16384xi32, #tpu.memory_space<hbm>> -> memref<1x512xi32, #tpu.memory_space<hbm>>
    %dma_wait3A_414 = tpu.memref_squeeze %dma_wait3A_413 : memref<1x512xi32, #tpu.memory_space<hbm>> -> memref<512xi32, #tpu.memory_space<hbm>>
    tpu.wait_dma2 semaphore(%arg27 : memref<!tpu.dma_semaphore, #tpu.memory_space<semaphore_mem>>) src(%dma_wait3A_414 : memref<512xi32, #tpu.memory_space<hbm>>) dst(%dma_wait3A_412 : memref<512xi32, #tpu.memory_space<vmem>>)
    %dma_wait3A_415 = arith.constant 20 : i32
    %dma_wait3A_416 = arith.constant 10240 : i32
    %dma_wait3A_417 = tpu.memref_slice %arg5[%dma_wait3A_416] : memref<13312xi32, #tpu.memory_space<vmem>> -> memref<512xi32, #tpu.memory_space<vmem>>
    %dma_wait3A_418 = tpu.memref_slice %arg3[%dma_wait3A_415, %multiple_of3A] : memref<26x16384xi32, #tpu.memory_space<hbm>> -> memref<1x512xi32, #tpu.memory_space<hbm>>
    %dma_wait3A_419 = tpu.memref_squeeze %dma_wait3A_418 : memref<1x512xi32, #tpu.memory_space<hbm>> -> memref<512xi32, #tpu.memory_space<hbm>>
    %dma_wait3A_420 = arith.constant 10240 : i32
    %dma_wait3A_421 = tpu.memref_slice %arg5[%dma_wait3A_420] : memref<13312xi32, #tpu.memory_space<vmem>> -> memref<512xi32, #tpu.memory_space<vmem>>
    %dma_wait3A_422 = tpu.memref_slice %arg3[%dma_wait3A_415, %multiple_of3A] : memref<26x16384xi32, #tpu.memory_space<hbm>> -> memref<1x512xi32, #tpu.memory_space<hbm>>
    %dma_wait3A_423 = tpu.memref_squeeze %dma_wait3A_422 : memref<1x512xi32, #tpu.memory_space<hbm>> -> memref<512xi32, #tpu.memory_space<hbm>>
    tpu.wait_dma2 semaphore(%arg27 : memref<!tpu.dma_semaphore, #tpu.memory_space<semaphore_mem>>) src(%dma_wait3A_423 : memref<512xi32, #tpu.memory_space<hbm>>) dst(%dma_wait3A_421 : memref<512xi32, #tpu.memory_space<vmem>>)
    %dma_wait3A_424 = arith.constant 21 : i32
    %dma_wait3A_425 = arith.constant 10752 : i32
    %dma_wait3A_426 = tpu.memref_slice %arg5[%dma_wait3A_425] : memref<13312xi32, #tpu.memory_space<vmem>> -> memref<512xi32, #tpu.memory_space<vmem>>
    %dma_wait3A_427 = tpu.memref_slice %arg3[%dma_wait3A_424, %multiple_of3A] : memref<26x16384xi32, #tpu.memory_space<hbm>> -> memref<1x512xi32, #tpu.memory_space<hbm>>
    %dma_wait3A_428 = tpu.memref_squeeze %dma_wait3A_427 : memref<1x512xi32, #tpu.memory_space<hbm>> -> memref<512xi32, #tpu.memory_space<hbm>>
    %dma_wait3A_429 = arith.constant 10752 : i32
    %dma_wait3A_430 = tpu.memref_slice %arg5[%dma_wait3A_429] : memref<13312xi32, #tpu.memory_space<vmem>> -> memref<512xi32, #tpu.memory_space<vmem>>
    %dma_wait3A_431 = tpu.memref_slice %arg3[%dma_wait3A_424, %multiple_of3A] : memref<26x16384xi32, #tpu.memory_space<hbm>> -> memref<1x512xi32, #tpu.memory_space<hbm>>
    %dma_wait3A_432 = tpu.memref_squeeze %dma_wait3A_431 : memref<1x512xi32, #tpu.memory_space<hbm>> -> memref<512xi32, #tpu.memory_space<hbm>>
    tpu.wait_dma2 semaphore(%arg27 : memref<!tpu.dma_semaphore, #tpu.memory_space<semaphore_mem>>) src(%dma_wait3A_432 : memref<512xi32, #tpu.memory_space<hbm>>) dst(%dma_wait3A_430 : memref<512xi32, #tpu.memory_space<vmem>>)
    %dma_wait3A_433 = arith.constant 22 : i32
    %dma_wait3A_434 = arith.constant 11264 : i32
    %dma_wait3A_435 = tpu.memref_slice %arg5[%dma_wait3A_434] : memref<13312xi32, #tpu.memory_space<vmem>> -> memref<512xi32, #tpu.memory_space<vmem>>
    %dma_wait3A_436 = tpu.memref_slice %arg3[%dma_wait3A_433, %multiple_of3A] : memref<26x16384xi32, #tpu.memory_space<hbm>> -> memref<1x512xi32, #tpu.memory_space<hbm>>
    %dma_wait3A_437 = tpu.memref_squeeze %dma_wait3A_436 : memref<1x512xi32, #tpu.memory_space<hbm>> -> memref<512xi32, #tpu.memory_space<hbm>>
    %dma_wait3A_438 = arith.constant 11264 : i32
    %dma_wait3A_439 = tpu.memref_slice %arg5[%dma_wait3A_438] : memref<13312xi32, #tpu.memory_space<vmem>> -> memref<512xi32, #tpu.memory_space<vmem>>
    %dma_wait3A_440 = tpu.memref_slice %arg3[%dma_wait3A_433, %multiple_of3A] : memref<26x16384xi32, #tpu.memory_space<hbm>> -> memref<1x512xi32, #tpu.memory_space<hbm>>
    %dma_wait3A_441 = tpu.memref_squeeze %dma_wait3A_440 : memref<1x512xi32, #tpu.memory_space<hbm>> -> memref<512xi32, #tpu.memory_space<hbm>>
    tpu.wait_dma2 semaphore(%arg27 : memref<!tpu.dma_semaphore, #tpu.memory_space<semaphore_mem>>) src(%dma_wait3A_441 : memref<512xi32, #tpu.memory_space<hbm>>) dst(%dma_wait3A_439 : memref<512xi32, #tpu.memory_space<vmem>>)
    %dma_wait3A_442 = arith.constant 23 : i32
    %dma_wait3A_443 = arith.constant 11776 : i32
    %dma_wait3A_444 = tpu.memref_slice %arg5[%dma_wait3A_443] : memref<13312xi32, #tpu.memory_space<vmem>> -> memref<512xi32, #tpu.memory_space<vmem>>
    %dma_wait3A_445 = tpu.memref_slice %arg3[%dma_wait3A_442, %multiple_of3A] : memref<26x16384xi32, #tpu.memory_space<hbm>> -> memref<1x512xi32, #tpu.memory_space<hbm>>
    %dma_wait3A_446 = tpu.memref_squeeze %dma_wait3A_445 : memref<1x512xi32, #tpu.memory_space<hbm>> -> memref<512xi32, #tpu.memory_space<hbm>>
    %dma_wait3A_447 = arith.constant 11776 : i32
    %dma_wait3A_448 = tpu.memref_slice %arg5[%dma_wait3A_447] : memref<13312xi32, #tpu.memory_space<vmem>> -> memref<512xi32, #tpu.memory_space<vmem>>
    %dma_wait3A_449 = tpu.memref_slice %arg3[%dma_wait3A_442, %multiple_of3A] : memref<26x16384xi32, #tpu.memory_space<hbm>> -> memref<1x512xi32, #tpu.memory_space<hbm>>
    %dma_wait3A_450 = tpu.memref_squeeze %dma_wait3A_449 : memref<1x512xi32, #tpu.memory_space<hbm>> -> memref<512xi32, #tpu.memory_space<hbm>>
    tpu.wait_dma2 semaphore(%arg27 : memref<!tpu.dma_semaphore, #tpu.memory_space<semaphore_mem>>) src(%dma_wait3A_450 : memref<512xi32, #tpu.memory_space<hbm>>) dst(%dma_wait3A_448 : memref<512xi32, #tpu.memory_space<vmem>>)
    %dma_wait3A_451 = arith.constant 24 : i32
    %dma_wait3A_452 = arith.constant 12288 : i32
    %dma_wait3A_453 = tpu.memref_slice %arg5[%dma_wait3A_452] : memref<13312xi32, #tpu.memory_space<vmem>> -> memref<512xi32, #tpu.memory_space<vmem>>
    %dma_wait3A_454 = tpu.memref_slice %arg3[%dma_wait3A_451, %multiple_of3A] : memref<26x16384xi32, #tpu.memory_space<hbm>> -> memref<1x512xi32, #tpu.memory_space<hbm>>
    %dma_wait3A_455 = tpu.memref_squeeze %dma_wait3A_454 : memref<1x512xi32, #tpu.memory_space<hbm>> -> memref<512xi32, #tpu.memory_space<hbm>>
    %dma_wait3A_456 = arith.constant 12288 : i32
    %dma_wait3A_457 = tpu.memref_slice %arg5[%dma_wait3A_456] : memref<13312xi32, #tpu.memory_space<vmem>> -> memref<512xi32, #tpu.memory_space<vmem>>
    %dma_wait3A_458 = tpu.memref_slice %arg3[%dma_wait3A_451, %multiple_of3A] : memref<26x16384xi32, #tpu.memory_space<hbm>> -> memref<1x512xi32, #tpu.memory_space<hbm>>
    %dma_wait3A_459 = tpu.memref_squeeze %dma_wait3A_458 : memref<1x512xi32, #tpu.memory_space<hbm>> -> memref<512xi32, #tpu.memory_space<hbm>>
    tpu.wait_dma2 semaphore(%arg27 : memref<!tpu.dma_semaphore, #tpu.memory_space<semaphore_mem>>) src(%dma_wait3A_459 : memref<512xi32, #tpu.memory_space<hbm>>) dst(%dma_wait3A_457 : memref<512xi32, #tpu.memory_space<vmem>>)
    %dma_wait3A_460 = arith.constant 25 : i32
    %dma_wait3A_461 = arith.constant 12800 : i32
    %dma_wait3A_462 = tpu.memref_slice %arg5[%dma_wait3A_461] : memref<13312xi32, #tpu.memory_space<vmem>> -> memref<512xi32, #tpu.memory_space<vmem>>
    %dma_wait3A_463 = tpu.memref_slice %arg3[%dma_wait3A_460, %multiple_of3A] : memref<26x16384xi32, #tpu.memory_space<hbm>> -> memref<1x512xi32, #tpu.memory_space<hbm>>
    %dma_wait3A_464 = tpu.memref_squeeze %dma_wait3A_463 : memref<1x512xi32, #tpu.memory_space<hbm>> -> memref<512xi32, #tpu.memory_space<hbm>>
    %dma_wait3A_465 = arith.constant 12800 : i32
    %dma_wait3A_466 = tpu.memref_slice %arg5[%dma_wait3A_465] : memref<13312xi32, #tpu.memory_space<vmem>> -> memref<512xi32, #tpu.memory_space<vmem>>
    %dma_wait3A_467 = tpu.memref_slice %arg3[%dma_wait3A_460, %multiple_of3A] : memref<26x16384xi32, #tpu.memory_space<hbm>> -> memref<1x512xi32, #tpu.memory_space<hbm>>
    %dma_wait3A_468 = tpu.memref_squeeze %dma_wait3A_467 : memref<1x512xi32, #tpu.memory_space<hbm>> -> memref<512xi32, #tpu.memory_space<hbm>>
    tpu.wait_dma2 semaphore(%arg27 : memref<!tpu.dma_semaphore, #tpu.memory_space<semaphore_mem>>) src(%dma_wait3A_468 : memref<512xi32, #tpu.memory_space<hbm>>) dst(%dma_wait3A_466 : memref<512xi32, #tpu.memory_space<vmem>>)
    %dma_start3A_469 = arith.constant 0 : i32
    %dma_start3A_470 = tpu.memref_slice %arg5[%dma_start3A_469] : memref<13312xi32, #tpu.memory_space<vmem>> -> memref<512xi32, #tpu.memory_space<vmem>>
    %dma_start3A_471 = arith.constant 0 : i32
    %dma_start3A_472 = arith.constant 0 : i32
    %dma_start3A_473 = tpu.memref_slice %arg2[%dma_start3A_471, %dma_start3A_472] : memref<1000000x32xf32, #tpu.memory_space<hbm>> -> memref<1000000x32xf32, #tpu.memory_space<hbm>>
    tpu.enqueue_indirect_dma source(%dma_start3A_473 : memref<1000000x32xf32, #tpu.memory_space<hbm>>) target(%arg6 : memref<512x32xf32, #tpu.memory_space<vmem>>) offsets(%dma_start3A_470 : memref<512xi32, #tpu.memory_space<vmem>>) semaphore(%arg13 : memref<!tpu.dma_semaphore, #tpu.memory_space<semaphore_mem>>)
    %dma_start3A_474 = arith.constant 512 : i32
    %dma_start3A_475 = tpu.memref_slice %arg5[%dma_start3A_474] : memref<13312xi32, #tpu.memory_space<vmem>> -> memref<512xi32, #tpu.memory_space<vmem>>
    %dma_start3A_476 = arith.constant 0 : i32
    %dma_start3A_477 = arith.constant 0 : i32
    %dma_start3A_478 = tpu.memref_slice %arg2[%dma_start3A_476, %dma_start3A_477] : memref<1000000x32xf32, #tpu.memory_space<hbm>> -> memref<1000000x32xf32, #tpu.memory_space<hbm>>
    tpu.enqueue_indirect_dma source(%dma_start3A_478 : memref<1000000x32xf32, #tpu.memory_space<hbm>>) target(%arg7 : memref<512x32xf32, #tpu.memory_space<vmem>>) offsets(%dma_start3A_475 : memref<512xi32, #tpu.memory_space<vmem>>) semaphore(%arg14 : memref<!tpu.dma_semaphore, #tpu.memory_space<semaphore_mem>>)
    %dma_start3A_479 = arith.constant 1024 : i32
    %dma_start3A_480 = tpu.memref_slice %arg5[%dma_start3A_479] : memref<13312xi32, #tpu.memory_space<vmem>> -> memref<512xi32, #tpu.memory_space<vmem>>
    %dma_start3A_481 = arith.constant 0 : i32
    %dma_start3A_482 = arith.constant 0 : i32
    %dma_start3A_483 = tpu.memref_slice %arg2[%dma_start3A_481, %dma_start3A_482] : memref<1000000x32xf32, #tpu.memory_space<hbm>> -> memref<1000000x32xf32, #tpu.memory_space<hbm>>
    tpu.enqueue_indirect_dma source(%dma_start3A_483 : memref<1000000x32xf32, #tpu.memory_space<hbm>>) target(%arg8 : memref<512x32xf32, #tpu.memory_space<vmem>>) offsets(%dma_start3A_480 : memref<512xi32, #tpu.memory_space<vmem>>) semaphore(%arg15 : memref<!tpu.dma_semaphore, #tpu.memory_space<semaphore_mem>>)
    %dma_start3A_484 = arith.constant 1536 : i32
    %dma_start3A_485 = tpu.memref_slice %arg5[%dma_start3A_484] : memref<13312xi32, #tpu.memory_space<vmem>> -> memref<512xi32, #tpu.memory_space<vmem>>
    %dma_start3A_486 = arith.constant 0 : i32
    %dma_start3A_487 = arith.constant 0 : i32
    %dma_start3A_488 = tpu.memref_slice %arg2[%dma_start3A_486, %dma_start3A_487] : memref<1000000x32xf32, #tpu.memory_space<hbm>> -> memref<1000000x32xf32, #tpu.memory_space<hbm>>
    tpu.enqueue_indirect_dma source(%dma_start3A_488 : memref<1000000x32xf32, #tpu.memory_space<hbm>>) target(%arg9 : memref<512x32xf32, #tpu.memory_space<vmem>>) offsets(%dma_start3A_485 : memref<512xi32, #tpu.memory_space<vmem>>) semaphore(%arg16 : memref<!tpu.dma_semaphore, #tpu.memory_space<semaphore_mem>>)
    %dma_start3A_489 = arith.constant 2048 : i32
    %dma_start3A_490 = tpu.memref_slice %arg5[%dma_start3A_489] : memref<13312xi32, #tpu.memory_space<vmem>> -> memref<512xi32, #tpu.memory_space<vmem>>
    %dma_start3A_491 = arith.constant 0 : i32
    %dma_start3A_492 = arith.constant 0 : i32
    %dma_start3A_493 = tpu.memref_slice %arg2[%dma_start3A_491, %dma_start3A_492] : memref<1000000x32xf32, #tpu.memory_space<hbm>> -> memref<1000000x32xf32, #tpu.memory_space<hbm>>
    tpu.enqueue_indirect_dma source(%dma_start3A_493 : memref<1000000x32xf32, #tpu.memory_space<hbm>>) target(%arg10 : memref<512x32xf32, #tpu.memory_space<vmem>>) offsets(%dma_start3A_490 : memref<512xi32, #tpu.memory_space<vmem>>) semaphore(%arg17 : memref<!tpu.dma_semaphore, #tpu.memory_space<semaphore_mem>>)
    %dma_start3A_494 = arith.constant 2560 : i32
    %dma_start3A_495 = tpu.memref_slice %arg5[%dma_start3A_494] : memref<13312xi32, #tpu.memory_space<vmem>> -> memref<512xi32, #tpu.memory_space<vmem>>
    %dma_start3A_496 = arith.constant 0 : i32
    %dma_start3A_497 = arith.constant 0 : i32
    %dma_start3A_498 = tpu.memref_slice %arg2[%dma_start3A_496, %dma_start3A_497] : memref<1000000x32xf32, #tpu.memory_space<hbm>> -> memref<1000000x32xf32, #tpu.memory_space<hbm>>
    tpu.enqueue_indirect_dma source(%dma_start3A_498 : memref<1000000x32xf32, #tpu.memory_space<hbm>>) target(%arg11 : memref<512x32xf32, #tpu.memory_space<vmem>>) offsets(%dma_start3A_495 : memref<512xi32, #tpu.memory_space<vmem>>) semaphore(%arg18 : memref<!tpu.dma_semaphore, #tpu.memory_space<semaphore_mem>>)
    %dma_wait3A_499 = arith.constant 0 : i32
    %dma_wait3A_500 = tpu.memref_slice %arg5[%dma_wait3A_499] : memref<13312xi32, #tpu.memory_space<vmem>> -> memref<512xi32, #tpu.memory_space<vmem>>
    %dma_wait3A_501 = arith.constant 0 : i32
    %dma_wait3A_502 = arith.constant 0 : i32
    %dma_wait3A_503 = tpu.memref_slice %arg2[%dma_wait3A_501, %dma_wait3A_502] : memref<1000000x32xf32, #tpu.memory_space<hbm>> -> memref<1000000x32xf32, #tpu.memory_space<hbm>>
    tpu.wait_indirect_dma semaphore(%arg13 : memref<!tpu.dma_semaphore, #tpu.memory_space<semaphore_mem>>) src(%dma_wait3A_503 : memref<1000000x32xf32, #tpu.memory_space<hbm>>) dst(%arg6 : memref<512x32xf32, #tpu.memory_space<vmem>>)
    %add3A_504 = arith.constant 0 : i32
    %add3A_505 = arith.addi %add3A_504, %multiple_of3A : i32
    %dma_start3A_506 = arith.constant 0 : i32
    %dma_start3A_507 = tpu.memref_slice %arg4[%add3A_505, %dma_start3A_506] : memref<425984x32xf32, #tpu.memory_space<hbm>> -> memref<512x32xf32, #tpu.memory_space<hbm>>
    %dma_start3A_508 = arith.constant 0 : i32
    %dma_start3A_509 = tpu.memref_slice %arg4[%add3A_505, %dma_start3A_508] : memref<425984x32xf32, #tpu.memory_space<hbm>> -> memref<512x32xf32, #tpu.memory_space<hbm>>
    tpu.enqueue_dma source(%arg6 : memref<512x32xf32, #tpu.memory_space<vmem>>) target(%dma_start3A_509 : memref<512x32xf32, #tpu.memory_space<hbm>>) target_semaphore(%arg20 : memref<!tpu.dma_semaphore, #tpu.memory_space<semaphore_mem>>)
    %dma_start3A_510 = arith.constant 3072 : i32
    %dma_start3A_511 = tpu.memref_slice %arg5[%dma_start3A_510] : memref<13312xi32, #tpu.memory_space<vmem>> -> memref<512xi32, #tpu.memory_space<vmem>>
    %dma_start3A_512 = arith.constant 0 : i32
    %dma_start3A_513 = arith.constant 0 : i32
    %dma_start3A_514 = tpu.memref_slice %arg2[%dma_start3A_512, %dma_start3A_513] : memref<1000000x32xf32, #tpu.memory_space<hbm>> -> memref<1000000x32xf32, #tpu.memory_space<hbm>>
    tpu.enqueue_indirect_dma source(%dma_start3A_514 : memref<1000000x32xf32, #tpu.memory_space<hbm>>) target(%arg12 : memref<512x32xf32, #tpu.memory_space<vmem>>) offsets(%dma_start3A_511 : memref<512xi32, #tpu.memory_space<vmem>>) semaphore(%arg19 : memref<!tpu.dma_semaphore, #tpu.memory_space<semaphore_mem>>)
    %dma_wait3A_515 = arith.constant 512 : i32
    %dma_wait3A_516 = tpu.memref_slice %arg5[%dma_wait3A_515] : memref<13312xi32, #tpu.memory_space<vmem>> -> memref<512xi32, #tpu.memory_space<vmem>>
    %dma_wait3A_517 = arith.constant 0 : i32
    %dma_wait3A_518 = arith.constant 0 : i32
    %dma_wait3A_519 = tpu.memref_slice %arg2[%dma_wait3A_517, %dma_wait3A_518] : memref<1000000x32xf32, #tpu.memory_space<hbm>> -> memref<1000000x32xf32, #tpu.memory_space<hbm>>
    tpu.wait_indirect_dma semaphore(%arg14 : memref<!tpu.dma_semaphore, #tpu.memory_space<semaphore_mem>>) src(%dma_wait3A_519 : memref<1000000x32xf32, #tpu.memory_space<hbm>>) dst(%arg7 : memref<512x32xf32, #tpu.memory_space<vmem>>)
    %add3A_520 = arith.constant 16384 : i32
    %add3A_521 = arith.addi %add3A_520, %multiple_of3A : i32
    %dma_start3A_522 = arith.constant 0 : i32
    %dma_start3A_523 = tpu.memref_slice %arg4[%add3A_521, %dma_start3A_522] : memref<425984x32xf32, #tpu.memory_space<hbm>> -> memref<512x32xf32, #tpu.memory_space<hbm>>
    %dma_start3A_524 = arith.constant 0 : i32
    %dma_start3A_525 = tpu.memref_slice %arg4[%add3A_521, %dma_start3A_524] : memref<425984x32xf32, #tpu.memory_space<hbm>> -> memref<512x32xf32, #tpu.memory_space<hbm>>
    tpu.enqueue_dma source(%arg7 : memref<512x32xf32, #tpu.memory_space<vmem>>) target(%dma_start3A_525 : memref<512x32xf32, #tpu.memory_space<hbm>>) target_semaphore(%arg21 : memref<!tpu.dma_semaphore, #tpu.memory_space<semaphore_mem>>)
    %dma_wait3A_526 = arith.constant 0 : i32
    %dma_wait3A_527 = tpu.memref_slice %arg4[%add3A_505, %dma_wait3A_526] : memref<425984x32xf32, #tpu.memory_space<hbm>> -> memref<512x32xf32, #tpu.memory_space<hbm>>
    %dma_wait3A_528 = arith.constant 0 : i32
    %dma_wait3A_529 = tpu.memref_slice %arg4[%add3A_505, %dma_wait3A_528] : memref<425984x32xf32, #tpu.memory_space<hbm>> -> memref<512x32xf32, #tpu.memory_space<hbm>>
    tpu.wait_dma2 semaphore(%arg20 : memref<!tpu.dma_semaphore, #tpu.memory_space<semaphore_mem>>) src(%arg6 : memref<512x32xf32, #tpu.memory_space<vmem>>) dst(%dma_wait3A_529 : memref<512x32xf32, #tpu.memory_space<hbm>>)
    %dma_start3A_530 = arith.constant 3584 : i32
    %dma_start3A_531 = tpu.memref_slice %arg5[%dma_start3A_530] : memref<13312xi32, #tpu.memory_space<vmem>> -> memref<512xi32, #tpu.memory_space<vmem>>
    %dma_start3A_532 = arith.constant 0 : i32
    %dma_start3A_533 = arith.constant 0 : i32
    %dma_start3A_534 = tpu.memref_slice %arg2[%dma_start3A_532, %dma_start3A_533] : memref<1000000x32xf32, #tpu.memory_space<hbm>> -> memref<1000000x32xf32, #tpu.memory_space<hbm>>
    tpu.enqueue_indirect_dma source(%dma_start3A_534 : memref<1000000x32xf32, #tpu.memory_space<hbm>>) target(%arg6 : memref<512x32xf32, #tpu.memory_space<vmem>>) offsets(%dma_start3A_531 : memref<512xi32, #tpu.memory_space<vmem>>) semaphore(%arg13 : memref<!tpu.dma_semaphore, #tpu.memory_space<semaphore_mem>>)
    %dma_wait3A_535 = arith.constant 1024 : i32
    %dma_wait3A_536 = tpu.memref_slice %arg5[%dma_wait3A_535] : memref<13312xi32, #tpu.memory_space<vmem>> -> memref<512xi32, #tpu.memory_space<vmem>>
    %dma_wait3A_537 = arith.constant 0 : i32
    %dma_wait3A_538 = arith.constant 0 : i32
    %dma_wait3A_539 = tpu.memref_slice %arg2[%dma_wait3A_537, %dma_wait3A_538] : memref<1000000x32xf32, #tpu.memory_space<hbm>> -> memref<1000000x32xf32, #tpu.memory_space<hbm>>
    tpu.wait_indirect_dma semaphore(%arg15 : memref<!tpu.dma_semaphore, #tpu.memory_space<semaphore_mem>>) src(%dma_wait3A_539 : memref<1000000x32xf32, #tpu.memory_space<hbm>>) dst(%arg8 : memref<512x32xf32, #tpu.memory_space<vmem>>)
    %add3A_540 = arith.constant 32768 : i32
    %add3A_541 = arith.addi %add3A_540, %multiple_of3A : i32
    %dma_start3A_542 = arith.constant 0 : i32
    %dma_start3A_543 = tpu.memref_slice %arg4[%add3A_541, %dma_start3A_542] : memref<425984x32xf32, #tpu.memory_space<hbm>> -> memref<512x32xf32, #tpu.memory_space<hbm>>
    %dma_start3A_544 = arith.constant 0 : i32
    %dma_start3A_545 = tpu.memref_slice %arg4[%add3A_541, %dma_start3A_544] : memref<425984x32xf32, #tpu.memory_space<hbm>> -> memref<512x32xf32, #tpu.memory_space<hbm>>
    tpu.enqueue_dma source(%arg8 : memref<512x32xf32, #tpu.memory_space<vmem>>) target(%dma_start3A_545 : memref<512x32xf32, #tpu.memory_space<hbm>>) target_semaphore(%arg22 : memref<!tpu.dma_semaphore, #tpu.memory_space<semaphore_mem>>)
    %dma_wait3A_546 = arith.constant 0 : i32
    %dma_wait3A_547 = tpu.memref_slice %arg4[%add3A_521, %dma_wait3A_546] : memref<425984x32xf32, #tpu.memory_space<hbm>> -> memref<512x32xf32, #tpu.memory_space<hbm>>
    %dma_wait3A_548 = arith.constant 0 : i32
    %dma_wait3A_549 = tpu.memref_slice %arg4[%add3A_521, %dma_wait3A_548] : memref<425984x32xf32, #tpu.memory_space<hbm>> -> memref<512x32xf32, #tpu.memory_space<hbm>>
    tpu.wait_dma2 semaphore(%arg21 : memref<!tpu.dma_semaphore, #tpu.memory_space<semaphore_mem>>) src(%arg7 : memref<512x32xf32, #tpu.memory_space<vmem>>) dst(%dma_wait3A_549 : memref<512x32xf32, #tpu.memory_space<hbm>>)
    %dma_start3A_550 = arith.constant 4096 : i32
    %dma_start3A_551 = tpu.memref_slice %arg5[%dma_start3A_550] : memref<13312xi32, #tpu.memory_space<vmem>> -> memref<512xi32, #tpu.memory_space<vmem>>
    %dma_start3A_552 = arith.constant 0 : i32
    %dma_start3A_553 = arith.constant 0 : i32
    %dma_start3A_554 = tpu.memref_slice %arg2[%dma_start3A_552, %dma_start3A_553] : memref<1000000x32xf32, #tpu.memory_space<hbm>> -> memref<1000000x32xf32, #tpu.memory_space<hbm>>
    tpu.enqueue_indirect_dma source(%dma_start3A_554 : memref<1000000x32xf32, #tpu.memory_space<hbm>>) target(%arg7 : memref<512x32xf32, #tpu.memory_space<vmem>>) offsets(%dma_start3A_551 : memref<512xi32, #tpu.memory_space<vmem>>) semaphore(%arg14 : memref<!tpu.dma_semaphore, #tpu.memory_space<semaphore_mem>>)
    %dma_wait3A_555 = arith.constant 1536 : i32
    %dma_wait3A_556 = tpu.memref_slice %arg5[%dma_wait3A_555] : memref<13312xi32, #tpu.memory_space<vmem>> -> memref<512xi32, #tpu.memory_space<vmem>>
    %dma_wait3A_557 = arith.constant 0 : i32
    %dma_wait3A_558 = arith.constant 0 : i32
    %dma_wait3A_559 = tpu.memref_slice %arg2[%dma_wait3A_557, %dma_wait3A_558] : memref<1000000x32xf32, #tpu.memory_space<hbm>> -> memref<1000000x32xf32, #tpu.memory_space<hbm>>
    tpu.wait_indirect_dma semaphore(%arg16 : memref<!tpu.dma_semaphore, #tpu.memory_space<semaphore_mem>>) src(%dma_wait3A_559 : memref<1000000x32xf32, #tpu.memory_space<hbm>>) dst(%arg9 : memref<512x32xf32, #tpu.memory_space<vmem>>)
    %add3A_560 = arith.constant 49152 : i32
    %add3A_561 = arith.addi %add3A_560, %multiple_of3A : i32
    %dma_start3A_562 = arith.constant 0 : i32
    %dma_start3A_563 = tpu.memref_slice %arg4[%add3A_561, %dma_start3A_562] : memref<425984x32xf32, #tpu.memory_space<hbm>> -> memref<512x32xf32, #tpu.memory_space<hbm>>
    %dma_start3A_564 = arith.constant 0 : i32
    %dma_start3A_565 = tpu.memref_slice %arg4[%add3A_561, %dma_start3A_564] : memref<425984x32xf32, #tpu.memory_space<hbm>> -> memref<512x32xf32, #tpu.memory_space<hbm>>
    tpu.enqueue_dma source(%arg9 : memref<512x32xf32, #tpu.memory_space<vmem>>) target(%dma_start3A_565 : memref<512x32xf32, #tpu.memory_space<hbm>>) target_semaphore(%arg23 : memref<!tpu.dma_semaphore, #tpu.memory_space<semaphore_mem>>)
    %dma_wait3A_566 = arith.constant 0 : i32
    %dma_wait3A_567 = tpu.memref_slice %arg4[%add3A_541, %dma_wait3A_566] : memref<425984x32xf32, #tpu.memory_space<hbm>> -> memref<512x32xf32, #tpu.memory_space<hbm>>
    %dma_wait3A_568 = arith.constant 0 : i32
    %dma_wait3A_569 = tpu.memref_slice %arg4[%add3A_541, %dma_wait3A_568] : memref<425984x32xf32, #tpu.memory_space<hbm>> -> memref<512x32xf32, #tpu.memory_space<hbm>>
    tpu.wait_dma2 semaphore(%arg22 : memref<!tpu.dma_semaphore, #tpu.memory_space<semaphore_mem>>) src(%arg8 : memref<512x32xf32, #tpu.memory_space<vmem>>) dst(%dma_wait3A_569 : memref<512x32xf32, #tpu.memory_space<hbm>>)
    %dma_start3A_570 = arith.constant 4608 : i32
    %dma_start3A_571 = tpu.memref_slice %arg5[%dma_start3A_570] : memref<13312xi32, #tpu.memory_space<vmem>> -> memref<512xi32, #tpu.memory_space<vmem>>
    %dma_start3A_572 = arith.constant 0 : i32
    %dma_start3A_573 = arith.constant 0 : i32
    %dma_start3A_574 = tpu.memref_slice %arg2[%dma_start3A_572, %dma_start3A_573] : memref<1000000x32xf32, #tpu.memory_space<hbm>> -> memref<1000000x32xf32, #tpu.memory_space<hbm>>
    tpu.enqueue_indirect_dma source(%dma_start3A_574 : memref<1000000x32xf32, #tpu.memory_space<hbm>>) target(%arg8 : memref<512x32xf32, #tpu.memory_space<vmem>>) offsets(%dma_start3A_571 : memref<512xi32, #tpu.memory_space<vmem>>) semaphore(%arg15 : memref<!tpu.dma_semaphore, #tpu.memory_space<semaphore_mem>>)
    %dma_wait3A_575 = arith.constant 2048 : i32
    %dma_wait3A_576 = tpu.memref_slice %arg5[%dma_wait3A_575] : memref<13312xi32, #tpu.memory_space<vmem>> -> memref<512xi32, #tpu.memory_space<vmem>>
    %dma_wait3A_577 = arith.constant 0 : i32
    %dma_wait3A_578 = arith.constant 0 : i32
    %dma_wait3A_579 = tpu.memref_slice %arg2[%dma_wait3A_577, %dma_wait3A_578] : memref<1000000x32xf32, #tpu.memory_space<hbm>> -> memref<1000000x32xf32, #tpu.memory_space<hbm>>
    tpu.wait_indirect_dma semaphore(%arg17 : memref<!tpu.dma_semaphore, #tpu.memory_space<semaphore_mem>>) src(%dma_wait3A_579 : memref<1000000x32xf32, #tpu.memory_space<hbm>>) dst(%arg10 : memref<512x32xf32, #tpu.memory_space<vmem>>)
    %add3A_580 = arith.constant 65536 : i32
    %add3A_581 = arith.addi %add3A_580, %multiple_of3A : i32
    %dma_start3A_582 = arith.constant 0 : i32
    %dma_start3A_583 = tpu.memref_slice %arg4[%add3A_581, %dma_start3A_582] : memref<425984x32xf32, #tpu.memory_space<hbm>> -> memref<512x32xf32, #tpu.memory_space<hbm>>
    %dma_start3A_584 = arith.constant 0 : i32
    %dma_start3A_585 = tpu.memref_slice %arg4[%add3A_581, %dma_start3A_584] : memref<425984x32xf32, #tpu.memory_space<hbm>> -> memref<512x32xf32, #tpu.memory_space<hbm>>
    tpu.enqueue_dma source(%arg10 : memref<512x32xf32, #tpu.memory_space<vmem>>) target(%dma_start3A_585 : memref<512x32xf32, #tpu.memory_space<hbm>>) target_semaphore(%arg24 : memref<!tpu.dma_semaphore, #tpu.memory_space<semaphore_mem>>)
    %dma_wait3A_586 = arith.constant 0 : i32
    %dma_wait3A_587 = tpu.memref_slice %arg4[%add3A_561, %dma_wait3A_586] : memref<425984x32xf32, #tpu.memory_space<hbm>> -> memref<512x32xf32, #tpu.memory_space<hbm>>
    %dma_wait3A_588 = arith.constant 0 : i32
    %dma_wait3A_589 = tpu.memref_slice %arg4[%add3A_561, %dma_wait3A_588] : memref<425984x32xf32, #tpu.memory_space<hbm>> -> memref<512x32xf32, #tpu.memory_space<hbm>>
    tpu.wait_dma2 semaphore(%arg23 : memref<!tpu.dma_semaphore, #tpu.memory_space<semaphore_mem>>) src(%arg9 : memref<512x32xf32, #tpu.memory_space<vmem>>) dst(%dma_wait3A_589 : memref<512x32xf32, #tpu.memory_space<hbm>>)
    %dma_start3A_590 = arith.constant 5120 : i32
    %dma_start3A_591 = tpu.memref_slice %arg5[%dma_start3A_590] : memref<13312xi32, #tpu.memory_space<vmem>> -> memref<512xi32, #tpu.memory_space<vmem>>
    %dma_start3A_592 = arith.constant 0 : i32
    %dma_start3A_593 = arith.constant 0 : i32
    %dma_start3A_594 = tpu.memref_slice %arg2[%dma_start3A_592, %dma_start3A_593] : memref<1000000x32xf32, #tpu.memory_space<hbm>> -> memref<1000000x32xf32, #tpu.memory_space<hbm>>
    tpu.enqueue_indirect_dma source(%dma_start3A_594 : memref<1000000x32xf32, #tpu.memory_space<hbm>>) target(%arg9 : memref<512x32xf32, #tpu.memory_space<vmem>>) offsets(%dma_start3A_591 : memref<512xi32, #tpu.memory_space<vmem>>) semaphore(%arg16 : memref<!tpu.dma_semaphore, #tpu.memory_space<semaphore_mem>>)
    %dma_wait3A_595 = arith.constant 2560 : i32
    %dma_wait3A_596 = tpu.memref_slice %arg5[%dma_wait3A_595] : memref<13312xi32, #tpu.memory_space<vmem>> -> memref<512xi32, #tpu.memory_space<vmem>>
    %dma_wait3A_597 = arith.constant 0 : i32
    %dma_wait3A_598 = arith.constant 0 : i32
    %dma_wait3A_599 = tpu.memref_slice %arg2[%dma_wait3A_597, %dma_wait3A_598] : memref<1000000x32xf32, #tpu.memory_space<hbm>> -> memref<1000000x32xf32, #tpu.memory_space<hbm>>
    tpu.wait_indirect_dma semaphore(%arg18 : memref<!tpu.dma_semaphore, #tpu.memory_space<semaphore_mem>>) src(%dma_wait3A_599 : memref<1000000x32xf32, #tpu.memory_space<hbm>>) dst(%arg11 : memref<512x32xf32, #tpu.memory_space<vmem>>)
    %add3A_600 = arith.constant 81920 : i32
    %add3A_601 = arith.addi %add3A_600, %multiple_of3A : i32
    %dma_start3A_602 = arith.constant 0 : i32
    %dma_start3A_603 = tpu.memref_slice %arg4[%add3A_601, %dma_start3A_602] : memref<425984x32xf32, #tpu.memory_space<hbm>> -> memref<512x32xf32, #tpu.memory_space<hbm>>
    %dma_start3A_604 = arith.constant 0 : i32
    %dma_start3A_605 = tpu.memref_slice %arg4[%add3A_601, %dma_start3A_604] : memref<425984x32xf32, #tpu.memory_space<hbm>> -> memref<512x32xf32, #tpu.memory_space<hbm>>
    tpu.enqueue_dma source(%arg11 : memref<512x32xf32, #tpu.memory_space<vmem>>) target(%dma_start3A_605 : memref<512x32xf32, #tpu.memory_space<hbm>>) target_semaphore(%arg25 : memref<!tpu.dma_semaphore, #tpu.memory_space<semaphore_mem>>)
    %dma_wait3A_606 = arith.constant 0 : i32
    %dma_wait3A_607 = tpu.memref_slice %arg4[%add3A_581, %dma_wait3A_606] : memref<425984x32xf32, #tpu.memory_space<hbm>> -> memref<512x32xf32, #tpu.memory_space<hbm>>
    %dma_wait3A_608 = arith.constant 0 : i32
    %dma_wait3A_609 = tpu.memref_slice %arg4[%add3A_581, %dma_wait3A_608] : memref<425984x32xf32, #tpu.memory_space<hbm>> -> memref<512x32xf32, #tpu.memory_space<hbm>>
    tpu.wait_dma2 semaphore(%arg24 : memref<!tpu.dma_semaphore, #tpu.memory_space<semaphore_mem>>) src(%arg10 : memref<512x32xf32, #tpu.memory_space<vmem>>) dst(%dma_wait3A_609 : memref<512x32xf32, #tpu.memory_space<hbm>>)
    %dma_start3A_610 = arith.constant 5632 : i32
    %dma_start3A_611 = tpu.memref_slice %arg5[%dma_start3A_610] : memref<13312xi32, #tpu.memory_space<vmem>> -> memref<512xi32, #tpu.memory_space<vmem>>
    %dma_start3A_612 = arith.constant 0 : i32
    %dma_start3A_613 = arith.constant 0 : i32
    %dma_start3A_614 = tpu.memref_slice %arg2[%dma_start3A_612, %dma_start3A_613] : memref<1000000x32xf32, #tpu.memory_space<hbm>> -> memref<1000000x32xf32, #tpu.memory_space<hbm>>
    tpu.enqueue_indirect_dma source(%dma_start3A_614 : memref<1000000x32xf32, #tpu.memory_space<hbm>>) target(%arg10 : memref<512x32xf32, #tpu.memory_space<vmem>>) offsets(%dma_start3A_611 : memref<512xi32, #tpu.memory_space<vmem>>) semaphore(%arg17 : memref<!tpu.dma_semaphore, #tpu.memory_space<semaphore_mem>>)
    %dma_wait3A_615 = arith.constant 3072 : i32
    %dma_wait3A_616 = tpu.memref_slice %arg5[%dma_wait3A_615] : memref<13312xi32, #tpu.memory_space<vmem>> -> memref<512xi32, #tpu.memory_space<vmem>>
    %dma_wait3A_617 = arith.constant 0 : i32
    %dma_wait3A_618 = arith.constant 0 : i32
    %dma_wait3A_619 = tpu.memref_slice %arg2[%dma_wait3A_617, %dma_wait3A_618] : memref<1000000x32xf32, #tpu.memory_space<hbm>> -> memref<1000000x32xf32, #tpu.memory_space<hbm>>
    tpu.wait_indirect_dma semaphore(%arg19 : memref<!tpu.dma_semaphore, #tpu.memory_space<semaphore_mem>>) src(%dma_wait3A_619 : memref<1000000x32xf32, #tpu.memory_space<hbm>>) dst(%arg12 : memref<512x32xf32, #tpu.memory_space<vmem>>)
    %add3A_620 = arith.constant 98304 : i32
    %add3A_621 = arith.addi %add3A_620, %multiple_of3A : i32
    %dma_start3A_622 = arith.constant 0 : i32
    %dma_start3A_623 = tpu.memref_slice %arg4[%add3A_621, %dma_start3A_622] : memref<425984x32xf32, #tpu.memory_space<hbm>> -> memref<512x32xf32, #tpu.memory_space<hbm>>
    %dma_start3A_624 = arith.constant 0 : i32
    %dma_start3A_625 = tpu.memref_slice %arg4[%add3A_621, %dma_start3A_624] : memref<425984x32xf32, #tpu.memory_space<hbm>> -> memref<512x32xf32, #tpu.memory_space<hbm>>
    tpu.enqueue_dma source(%arg12 : memref<512x32xf32, #tpu.memory_space<vmem>>) target(%dma_start3A_625 : memref<512x32xf32, #tpu.memory_space<hbm>>) target_semaphore(%arg26 : memref<!tpu.dma_semaphore, #tpu.memory_space<semaphore_mem>>)
    %dma_wait3A_626 = arith.constant 0 : i32
    %dma_wait3A_627 = tpu.memref_slice %arg4[%add3A_601, %dma_wait3A_626] : memref<425984x32xf32, #tpu.memory_space<hbm>> -> memref<512x32xf32, #tpu.memory_space<hbm>>
    %dma_wait3A_628 = arith.constant 0 : i32
    %dma_wait3A_629 = tpu.memref_slice %arg4[%add3A_601, %dma_wait3A_628] : memref<425984x32xf32, #tpu.memory_space<hbm>> -> memref<512x32xf32, #tpu.memory_space<hbm>>
    tpu.wait_dma2 semaphore(%arg25 : memref<!tpu.dma_semaphore, #tpu.memory_space<semaphore_mem>>) src(%arg11 : memref<512x32xf32, #tpu.memory_space<vmem>>) dst(%dma_wait3A_629 : memref<512x32xf32, #tpu.memory_space<hbm>>)
    %dma_start3A_630 = arith.constant 6144 : i32
    %dma_start3A_631 = tpu.memref_slice %arg5[%dma_start3A_630] : memref<13312xi32, #tpu.memory_space<vmem>> -> memref<512xi32, #tpu.memory_space<vmem>>
    %dma_start3A_632 = arith.constant 0 : i32
    %dma_start3A_633 = arith.constant 0 : i32
    %dma_start3A_634 = tpu.memref_slice %arg2[%dma_start3A_632, %dma_start3A_633] : memref<1000000x32xf32, #tpu.memory_space<hbm>> -> memref<1000000x32xf32, #tpu.memory_space<hbm>>
    tpu.enqueue_indirect_dma source(%dma_start3A_634 : memref<1000000x32xf32, #tpu.memory_space<hbm>>) target(%arg11 : memref<512x32xf32, #tpu.memory_space<vmem>>) offsets(%dma_start3A_631 : memref<512xi32, #tpu.memory_space<vmem>>) semaphore(%arg18 : memref<!tpu.dma_semaphore, #tpu.memory_space<semaphore_mem>>)
    %dma_wait3A_635 = arith.constant 3584 : i32
    %dma_wait3A_636 = tpu.memref_slice %arg5[%dma_wait3A_635] : memref<13312xi32, #tpu.memory_space<vmem>> -> memref<512xi32, #tpu.memory_space<vmem>>
    %dma_wait3A_637 = arith.constant 0 : i32
    %dma_wait3A_638 = arith.constant 0 : i32
    %dma_wait3A_639 = tpu.memref_slice %arg2[%dma_wait3A_637, %dma_wait3A_638] : memref<1000000x32xf32, #tpu.memory_space<hbm>> -> memref<1000000x32xf32, #tpu.memory_space<hbm>>
    tpu.wait_indirect_dma semaphore(%arg13 : memref<!tpu.dma_semaphore, #tpu.memory_space<semaphore_mem>>) src(%dma_wait3A_639 : memref<1000000x32xf32, #tpu.memory_space<hbm>>) dst(%arg6 : memref<512x32xf32, #tpu.memory_space<vmem>>)
    %add3A_640 = arith.constant 114688 : i32
    %add3A_641 = arith.addi %add3A_640, %multiple_of3A : i32
    %dma_start3A_642 = arith.constant 0 : i32
    %dma_start3A_643 = tpu.memref_slice %arg4[%add3A_641, %dma_start3A_642] : memref<425984x32xf32, #tpu.memory_space<hbm>> -> memref<512x32xf32, #tpu.memory_space<hbm>>
    %dma_start3A_644 = arith.constant 0 : i32
    %dma_start3A_645 = tpu.memref_slice %arg4[%add3A_641, %dma_start3A_644] : memref<425984x32xf32, #tpu.memory_space<hbm>> -> memref<512x32xf32, #tpu.memory_space<hbm>>
    tpu.enqueue_dma source(%arg6 : memref<512x32xf32, #tpu.memory_space<vmem>>) target(%dma_start3A_645 : memref<512x32xf32, #tpu.memory_space<hbm>>) target_semaphore(%arg20 : memref<!tpu.dma_semaphore, #tpu.memory_space<semaphore_mem>>)
    %dma_wait3A_646 = arith.constant 0 : i32
    %dma_wait3A_647 = tpu.memref_slice %arg4[%add3A_621, %dma_wait3A_646] : memref<425984x32xf32, #tpu.memory_space<hbm>> -> memref<512x32xf32, #tpu.memory_space<hbm>>
    %dma_wait3A_648 = arith.constant 0 : i32
    %dma_wait3A_649 = tpu.memref_slice %arg4[%add3A_621, %dma_wait3A_648] : memref<425984x32xf32, #tpu.memory_space<hbm>> -> memref<512x32xf32, #tpu.memory_space<hbm>>
    tpu.wait_dma2 semaphore(%arg26 : memref<!tpu.dma_semaphore, #tpu.memory_space<semaphore_mem>>) src(%arg12 : memref<512x32xf32, #tpu.memory_space<vmem>>) dst(%dma_wait3A_649 : memref<512x32xf32, #tpu.memory_space<hbm>>)
    %dma_start3A_650 = arith.constant 6656 : i32
    %dma_start3A_651 = tpu.memref_slice %arg5[%dma_start3A_650] : memref<13312xi32, #tpu.memory_space<vmem>> -> memref<512xi32, #tpu.memory_space<vmem>>
    %dma_start3A_652 = arith.constant 0 : i32
    %dma_start3A_653 = arith.constant 0 : i32
    %dma_start3A_654 = tpu.memref_slice %arg2[%dma_start3A_652, %dma_start3A_653] : memref<1000000x32xf32, #tpu.memory_space<hbm>> -> memref<1000000x32xf32, #tpu.memory_space<hbm>>
    tpu.enqueue_indirect_dma source(%dma_start3A_654 : memref<1000000x32xf32, #tpu.memory_space<hbm>>) target(%arg12 : memref<512x32xf32, #tpu.memory_space<vmem>>) offsets(%dma_start3A_651 : memref<512xi32, #tpu.memory_space<vmem>>) semaphore(%arg19 : memref<!tpu.dma_semaphore, #tpu.memory_space<semaphore_mem>>)
    %dma_wait3A_655 = arith.constant 4096 : i32
    %dma_wait3A_656 = tpu.memref_slice %arg5[%dma_wait3A_655] : memref<13312xi32, #tpu.memory_space<vmem>> -> memref<512xi32, #tpu.memory_space<vmem>>
    %dma_wait3A_657 = arith.constant 0 : i32
    %dma_wait3A_658 = arith.constant 0 : i32
    %dma_wait3A_659 = tpu.memref_slice %arg2[%dma_wait3A_657, %dma_wait3A_658] : memref<1000000x32xf32, #tpu.memory_space<hbm>> -> memref<1000000x32xf32, #tpu.memory_space<hbm>>
    tpu.wait_indirect_dma semaphore(%arg14 : memref<!tpu.dma_semaphore, #tpu.memory_space<semaphore_mem>>) src(%dma_wait3A_659 : memref<1000000x32xf32, #tpu.memory_space<hbm>>) dst(%arg7 : memref<512x32xf32, #tpu.memory_space<vmem>>)
    %add3A_660 = arith.constant 131072 : i32
    %add3A_661 = arith.addi %add3A_660, %multiple_of3A : i32
    %dma_start3A_662 = arith.constant 0 : i32
    %dma_start3A_663 = tpu.memref_slice %arg4[%add3A_661, %dma_start3A_662] : memref<425984x32xf32, #tpu.memory_space<hbm>> -> memref<512x32xf32, #tpu.memory_space<hbm>>
    %dma_start3A_664 = arith.constant 0 : i32
    %dma_start3A_665 = tpu.memref_slice %arg4[%add3A_661, %dma_start3A_664] : memref<425984x32xf32, #tpu.memory_space<hbm>> -> memref<512x32xf32, #tpu.memory_space<hbm>>
    tpu.enqueue_dma source(%arg7 : memref<512x32xf32, #tpu.memory_space<vmem>>) target(%dma_start3A_665 : memref<512x32xf32, #tpu.memory_space<hbm>>) target_semaphore(%arg21 : memref<!tpu.dma_semaphore, #tpu.memory_space<semaphore_mem>>)
    %dma_wait3A_666 = arith.constant 0 : i32
    %dma_wait3A_667 = tpu.memref_slice %arg4[%add3A_641, %dma_wait3A_666] : memref<425984x32xf32, #tpu.memory_space<hbm>> -> memref<512x32xf32, #tpu.memory_space<hbm>>
    %dma_wait3A_668 = arith.constant 0 : i32
    %dma_wait3A_669 = tpu.memref_slice %arg4[%add3A_641, %dma_wait3A_668] : memref<425984x32xf32, #tpu.memory_space<hbm>> -> memref<512x32xf32, #tpu.memory_space<hbm>>
    tpu.wait_dma2 semaphore(%arg20 : memref<!tpu.dma_semaphore, #tpu.memory_space<semaphore_mem>>) src(%arg6 : memref<512x32xf32, #tpu.memory_space<vmem>>) dst(%dma_wait3A_669 : memref<512x32xf32, #tpu.memory_space<hbm>>)
    %dma_start3A_670 = arith.constant 7168 : i32
    %dma_start3A_671 = tpu.memref_slice %arg5[%dma_start3A_670] : memref<13312xi32, #tpu.memory_space<vmem>> -> memref<512xi32, #tpu.memory_space<vmem>>
    %dma_start3A_672 = arith.constant 0 : i32
    %dma_start3A_673 = arith.constant 0 : i32
    %dma_start3A_674 = tpu.memref_slice %arg2[%dma_start3A_672, %dma_start3A_673] : memref<1000000x32xf32, #tpu.memory_space<hbm>> -> memref<1000000x32xf32, #tpu.memory_space<hbm>>
    tpu.enqueue_indirect_dma source(%dma_start3A_674 : memref<1000000x32xf32, #tpu.memory_space<hbm>>) target(%arg6 : memref<512x32xf32, #tpu.memory_space<vmem>>) offsets(%dma_start3A_671 : memref<512xi32, #tpu.memory_space<vmem>>) semaphore(%arg13 : memref<!tpu.dma_semaphore, #tpu.memory_space<semaphore_mem>>)
    %dma_wait3A_675 = arith.constant 4608 : i32
    %dma_wait3A_676 = tpu.memref_slice %arg5[%dma_wait3A_675] : memref<13312xi32, #tpu.memory_space<vmem>> -> memref<512xi32, #tpu.memory_space<vmem>>
    %dma_wait3A_677 = arith.constant 0 : i32
    %dma_wait3A_678 = arith.constant 0 : i32
    %dma_wait3A_679 = tpu.memref_slice %arg2[%dma_wait3A_677, %dma_wait3A_678] : memref<1000000x32xf32, #tpu.memory_space<hbm>> -> memref<1000000x32xf32, #tpu.memory_space<hbm>>
    tpu.wait_indirect_dma semaphore(%arg15 : memref<!tpu.dma_semaphore, #tpu.memory_space<semaphore_mem>>) src(%dma_wait3A_679 : memref<1000000x32xf32, #tpu.memory_space<hbm>>) dst(%arg8 : memref<512x32xf32, #tpu.memory_space<vmem>>)
    %add3A_680 = arith.constant 147456 : i32
    %add3A_681 = arith.addi %add3A_680, %multiple_of3A : i32
    %dma_start3A_682 = arith.constant 0 : i32
    %dma_start3A_683 = tpu.memref_slice %arg4[%add3A_681, %dma_start3A_682] : memref<425984x32xf32, #tpu.memory_space<hbm>> -> memref<512x32xf32, #tpu.memory_space<hbm>>
    %dma_start3A_684 = arith.constant 0 : i32
    %dma_start3A_685 = tpu.memref_slice %arg4[%add3A_681, %dma_start3A_684] : memref<425984x32xf32, #tpu.memory_space<hbm>> -> memref<512x32xf32, #tpu.memory_space<hbm>>
    tpu.enqueue_dma source(%arg8 : memref<512x32xf32, #tpu.memory_space<vmem>>) target(%dma_start3A_685 : memref<512x32xf32, #tpu.memory_space<hbm>>) target_semaphore(%arg22 : memref<!tpu.dma_semaphore, #tpu.memory_space<semaphore_mem>>)
    %dma_wait3A_686 = arith.constant 0 : i32
    %dma_wait3A_687 = tpu.memref_slice %arg4[%add3A_661, %dma_wait3A_686] : memref<425984x32xf32, #tpu.memory_space<hbm>> -> memref<512x32xf32, #tpu.memory_space<hbm>>
    %dma_wait3A_688 = arith.constant 0 : i32
    %dma_wait3A_689 = tpu.memref_slice %arg4[%add3A_661, %dma_wait3A_688] : memref<425984x32xf32, #tpu.memory_space<hbm>> -> memref<512x32xf32, #tpu.memory_space<hbm>>
    tpu.wait_dma2 semaphore(%arg21 : memref<!tpu.dma_semaphore, #tpu.memory_space<semaphore_mem>>) src(%arg7 : memref<512x32xf32, #tpu.memory_space<vmem>>) dst(%dma_wait3A_689 : memref<512x32xf32, #tpu.memory_space<hbm>>)
    %dma_start3A_690 = arith.constant 7680 : i32
    %dma_start3A_691 = tpu.memref_slice %arg5[%dma_start3A_690] : memref<13312xi32, #tpu.memory_space<vmem>> -> memref<512xi32, #tpu.memory_space<vmem>>
    %dma_start3A_692 = arith.constant 0 : i32
    %dma_start3A_693 = arith.constant 0 : i32
    %dma_start3A_694 = tpu.memref_slice %arg2[%dma_start3A_692, %dma_start3A_693] : memref<1000000x32xf32, #tpu.memory_space<hbm>> -> memref<1000000x32xf32, #tpu.memory_space<hbm>>
    tpu.enqueue_indirect_dma source(%dma_start3A_694 : memref<1000000x32xf32, #tpu.memory_space<hbm>>) target(%arg7 : memref<512x32xf32, #tpu.memory_space<vmem>>) offsets(%dma_start3A_691 : memref<512xi32, #tpu.memory_space<vmem>>) semaphore(%arg14 : memref<!tpu.dma_semaphore, #tpu.memory_space<semaphore_mem>>)
    %dma_wait3A_695 = arith.constant 5120 : i32
    %dma_wait3A_696 = tpu.memref_slice %arg5[%dma_wait3A_695] : memref<13312xi32, #tpu.memory_space<vmem>> -> memref<512xi32, #tpu.memory_space<vmem>>
    %dma_wait3A_697 = arith.constant 0 : i32
    %dma_wait3A_698 = arith.constant 0 : i32
    %dma_wait3A_699 = tpu.memref_slice %arg2[%dma_wait3A_697, %dma_wait3A_698] : memref<1000000x32xf32, #tpu.memory_space<hbm>> -> memref<1000000x32xf32, #tpu.memory_space<hbm>>
    tpu.wait_indirect_dma semaphore(%arg16 : memref<!tpu.dma_semaphore, #tpu.memory_space<semaphore_mem>>) src(%dma_wait3A_699 : memref<1000000x32xf32, #tpu.memory_space<hbm>>) dst(%arg9 : memref<512x32xf32, #tpu.memory_space<vmem>>)
    %add3A_700 = arith.constant 163840 : i32
    %add3A_701 = arith.addi %add3A_700, %multiple_of3A : i32
    %dma_start3A_702 = arith.constant 0 : i32
    %dma_start3A_703 = tpu.memref_slice %arg4[%add3A_701, %dma_start3A_702] : memref<425984x32xf32, #tpu.memory_space<hbm>> -> memref<512x32xf32, #tpu.memory_space<hbm>>
    %dma_start3A_704 = arith.constant 0 : i32
    %dma_start3A_705 = tpu.memref_slice %arg4[%add3A_701, %dma_start3A_704] : memref<425984x32xf32, #tpu.memory_space<hbm>> -> memref<512x32xf32, #tpu.memory_space<hbm>>
    tpu.enqueue_dma source(%arg9 : memref<512x32xf32, #tpu.memory_space<vmem>>) target(%dma_start3A_705 : memref<512x32xf32, #tpu.memory_space<hbm>>) target_semaphore(%arg23 : memref<!tpu.dma_semaphore, #tpu.memory_space<semaphore_mem>>)
    %dma_wait3A_706 = arith.constant 0 : i32
    %dma_wait3A_707 = tpu.memref_slice %arg4[%add3A_681, %dma_wait3A_706] : memref<425984x32xf32, #tpu.memory_space<hbm>> -> memref<512x32xf32, #tpu.memory_space<hbm>>
    %dma_wait3A_708 = arith.constant 0 : i32
    %dma_wait3A_709 = tpu.memref_slice %arg4[%add3A_681, %dma_wait3A_708] : memref<425984x32xf32, #tpu.memory_space<hbm>> -> memref<512x32xf32, #tpu.memory_space<hbm>>
    tpu.wait_dma2 semaphore(%arg22 : memref<!tpu.dma_semaphore, #tpu.memory_space<semaphore_mem>>) src(%arg8 : memref<512x32xf32, #tpu.memory_space<vmem>>) dst(%dma_wait3A_709 : memref<512x32xf32, #tpu.memory_space<hbm>>)
    %dma_start3A_710 = arith.constant 8192 : i32
    %dma_start3A_711 = tpu.memref_slice %arg5[%dma_start3A_710] : memref<13312xi32, #tpu.memory_space<vmem>> -> memref<512xi32, #tpu.memory_space<vmem>>
    %dma_start3A_712 = arith.constant 0 : i32
    %dma_start3A_713 = arith.constant 0 : i32
    %dma_start3A_714 = tpu.memref_slice %arg2[%dma_start3A_712, %dma_start3A_713] : memref<1000000x32xf32, #tpu.memory_space<hbm>> -> memref<1000000x32xf32, #tpu.memory_space<hbm>>
    tpu.enqueue_indirect_dma source(%dma_start3A_714 : memref<1000000x32xf32, #tpu.memory_space<hbm>>) target(%arg8 : memref<512x32xf32, #tpu.memory_space<vmem>>) offsets(%dma_start3A_711 : memref<512xi32, #tpu.memory_space<vmem>>) semaphore(%arg15 : memref<!tpu.dma_semaphore, #tpu.memory_space<semaphore_mem>>)
    %dma_wait3A_715 = arith.constant 5632 : i32
    %dma_wait3A_716 = tpu.memref_slice %arg5[%dma_wait3A_715] : memref<13312xi32, #tpu.memory_space<vmem>> -> memref<512xi32, #tpu.memory_space<vmem>>
    %dma_wait3A_717 = arith.constant 0 : i32
    %dma_wait3A_718 = arith.constant 0 : i32
    %dma_wait3A_719 = tpu.memref_slice %arg2[%dma_wait3A_717, %dma_wait3A_718] : memref<1000000x32xf32, #tpu.memory_space<hbm>> -> memref<1000000x32xf32, #tpu.memory_space<hbm>>
    tpu.wait_indirect_dma semaphore(%arg17 : memref<!tpu.dma_semaphore, #tpu.memory_space<semaphore_mem>>) src(%dma_wait3A_719 : memref<1000000x32xf32, #tpu.memory_space<hbm>>) dst(%arg10 : memref<512x32xf32, #tpu.memory_space<vmem>>)
    %add3A_720 = arith.constant 180224 : i32
    %add3A_721 = arith.addi %add3A_720, %multiple_of3A : i32
    %dma_start3A_722 = arith.constant 0 : i32
    %dma_start3A_723 = tpu.memref_slice %arg4[%add3A_721, %dma_start3A_722] : memref<425984x32xf32, #tpu.memory_space<hbm>> -> memref<512x32xf32, #tpu.memory_space<hbm>>
    %dma_start3A_724 = arith.constant 0 : i32
    %dma_start3A_725 = tpu.memref_slice %arg4[%add3A_721, %dma_start3A_724] : memref<425984x32xf32, #tpu.memory_space<hbm>> -> memref<512x32xf32, #tpu.memory_space<hbm>>
    tpu.enqueue_dma source(%arg10 : memref<512x32xf32, #tpu.memory_space<vmem>>) target(%dma_start3A_725 : memref<512x32xf32, #tpu.memory_space<hbm>>) target_semaphore(%arg24 : memref<!tpu.dma_semaphore, #tpu.memory_space<semaphore_mem>>)
    %dma_wait3A_726 = arith.constant 0 : i32
    %dma_wait3A_727 = tpu.memref_slice %arg4[%add3A_701, %dma_wait3A_726] : memref<425984x32xf32, #tpu.memory_space<hbm>> -> memref<512x32xf32, #tpu.memory_space<hbm>>
    %dma_wait3A_728 = arith.constant 0 : i32
    %dma_wait3A_729 = tpu.memref_slice %arg4[%add3A_701, %dma_wait3A_728] : memref<425984x32xf32, #tpu.memory_space<hbm>> -> memref<512x32xf32, #tpu.memory_space<hbm>>
    tpu.wait_dma2 semaphore(%arg23 : memref<!tpu.dma_semaphore, #tpu.memory_space<semaphore_mem>>) src(%arg9 : memref<512x32xf32, #tpu.memory_space<vmem>>) dst(%dma_wait3A_729 : memref<512x32xf32, #tpu.memory_space<hbm>>)
    %dma_start3A_730 = arith.constant 8704 : i32
    %dma_start3A_731 = tpu.memref_slice %arg5[%dma_start3A_730] : memref<13312xi32, #tpu.memory_space<vmem>> -> memref<512xi32, #tpu.memory_space<vmem>>
    %dma_start3A_732 = arith.constant 0 : i32
    %dma_start3A_733 = arith.constant 0 : i32
    %dma_start3A_734 = tpu.memref_slice %arg2[%dma_start3A_732, %dma_start3A_733] : memref<1000000x32xf32, #tpu.memory_space<hbm>> -> memref<1000000x32xf32, #tpu.memory_space<hbm>>
    tpu.enqueue_indirect_dma source(%dma_start3A_734 : memref<1000000x32xf32, #tpu.memory_space<hbm>>) target(%arg9 : memref<512x32xf32, #tpu.memory_space<vmem>>) offsets(%dma_start3A_731 : memref<512xi32, #tpu.memory_space<vmem>>) semaphore(%arg16 : memref<!tpu.dma_semaphore, #tpu.memory_space<semaphore_mem>>)
    %dma_wait3A_735 = arith.constant 6144 : i32
    %dma_wait3A_736 = tpu.memref_slice %arg5[%dma_wait3A_735] : memref<13312xi32, #tpu.memory_space<vmem>> -> memref<512xi32, #tpu.memory_space<vmem>>
    %dma_wait3A_737 = arith.constant 0 : i32
    %dma_wait3A_738 = arith.constant 0 : i32
    %dma_wait3A_739 = tpu.memref_slice %arg2[%dma_wait3A_737, %dma_wait3A_738] : memref<1000000x32xf32, #tpu.memory_space<hbm>> -> memref<1000000x32xf32, #tpu.memory_space<hbm>>
    tpu.wait_indirect_dma semaphore(%arg18 : memref<!tpu.dma_semaphore, #tpu.memory_space<semaphore_mem>>) src(%dma_wait3A_739 : memref<1000000x32xf32, #tpu.memory_space<hbm>>) dst(%arg11 : memref<512x32xf32, #tpu.memory_space<vmem>>)
    %add3A_740 = arith.constant 196608 : i32
    %add3A_741 = arith.addi %add3A_740, %multiple_of3A : i32
    %dma_start3A_742 = arith.constant 0 : i32
    %dma_start3A_743 = tpu.memref_slice %arg4[%add3A_741, %dma_start3A_742] : memref<425984x32xf32, #tpu.memory_space<hbm>> -> memref<512x32xf32, #tpu.memory_space<hbm>>
    %dma_start3A_744 = arith.constant 0 : i32
    %dma_start3A_745 = tpu.memref_slice %arg4[%add3A_741, %dma_start3A_744] : memref<425984x32xf32, #tpu.memory_space<hbm>> -> memref<512x32xf32, #tpu.memory_space<hbm>>
    tpu.enqueue_dma source(%arg11 : memref<512x32xf32, #tpu.memory_space<vmem>>) target(%dma_start3A_745 : memref<512x32xf32, #tpu.memory_space<hbm>>) target_semaphore(%arg25 : memref<!tpu.dma_semaphore, #tpu.memory_space<semaphore_mem>>)
    %dma_wait3A_746 = arith.constant 0 : i32
    %dma_wait3A_747 = tpu.memref_slice %arg4[%add3A_721, %dma_wait3A_746] : memref<425984x32xf32, #tpu.memory_space<hbm>> -> memref<512x32xf32, #tpu.memory_space<hbm>>
    %dma_wait3A_748 = arith.constant 0 : i32
    %dma_wait3A_749 = tpu.memref_slice %arg4[%add3A_721, %dma_wait3A_748] : memref<425984x32xf32, #tpu.memory_space<hbm>> -> memref<512x32xf32, #tpu.memory_space<hbm>>
    tpu.wait_dma2 semaphore(%arg24 : memref<!tpu.dma_semaphore, #tpu.memory_space<semaphore_mem>>) src(%arg10 : memref<512x32xf32, #tpu.memory_space<vmem>>) dst(%dma_wait3A_749 : memref<512x32xf32, #tpu.memory_space<hbm>>)
    %dma_start3A_750 = arith.constant 9216 : i32
    %dma_start3A_751 = tpu.memref_slice %arg5[%dma_start3A_750] : memref<13312xi32, #tpu.memory_space<vmem>> -> memref<512xi32, #tpu.memory_space<vmem>>
    %dma_start3A_752 = arith.constant 0 : i32
    %dma_start3A_753 = arith.constant 0 : i32
    %dma_start3A_754 = tpu.memref_slice %arg2[%dma_start3A_752, %dma_start3A_753] : memref<1000000x32xf32, #tpu.memory_space<hbm>> -> memref<1000000x32xf32, #tpu.memory_space<hbm>>
    tpu.enqueue_indirect_dma source(%dma_start3A_754 : memref<1000000x32xf32, #tpu.memory_space<hbm>>) target(%arg10 : memref<512x32xf32, #tpu.memory_space<vmem>>) offsets(%dma_start3A_751 : memref<512xi32, #tpu.memory_space<vmem>>) semaphore(%arg17 : memref<!tpu.dma_semaphore, #tpu.memory_space<semaphore_mem>>)
    %dma_wait3A_755 = arith.constant 6656 : i32
    %dma_wait3A_756 = tpu.memref_slice %arg5[%dma_wait3A_755] : memref<13312xi32, #tpu.memory_space<vmem>> -> memref<512xi32, #tpu.memory_space<vmem>>
    %dma_wait3A_757 = arith.constant 0 : i32
    %dma_wait3A_758 = arith.constant 0 : i32
    %dma_wait3A_759 = tpu.memref_slice %arg2[%dma_wait3A_757, %dma_wait3A_758] : memref<1000000x32xf32, #tpu.memory_space<hbm>> -> memref<1000000x32xf32, #tpu.memory_space<hbm>>
    tpu.wait_indirect_dma semaphore(%arg19 : memref<!tpu.dma_semaphore, #tpu.memory_space<semaphore_mem>>) src(%dma_wait3A_759 : memref<1000000x32xf32, #tpu.memory_space<hbm>>) dst(%arg12 : memref<512x32xf32, #tpu.memory_space<vmem>>)
    %add3A_760 = arith.constant 212992 : i32
    %add3A_761 = arith.addi %add3A_760, %multiple_of3A : i32
    %dma_start3A_762 = arith.constant 0 : i32
    %dma_start3A_763 = tpu.memref_slice %arg4[%add3A_761, %dma_start3A_762] : memref<425984x32xf32, #tpu.memory_space<hbm>> -> memref<512x32xf32, #tpu.memory_space<hbm>>
    %dma_start3A_764 = arith.constant 0 : i32
    %dma_start3A_765 = tpu.memref_slice %arg4[%add3A_761, %dma_start3A_764] : memref<425984x32xf32, #tpu.memory_space<hbm>> -> memref<512x32xf32, #tpu.memory_space<hbm>>
    tpu.enqueue_dma source(%arg12 : memref<512x32xf32, #tpu.memory_space<vmem>>) target(%dma_start3A_765 : memref<512x32xf32, #tpu.memory_space<hbm>>) target_semaphore(%arg26 : memref<!tpu.dma_semaphore, #tpu.memory_space<semaphore_mem>>)
    %dma_wait3A_766 = arith.constant 0 : i32
    %dma_wait3A_767 = tpu.memref_slice %arg4[%add3A_741, %dma_wait3A_766] : memref<425984x32xf32, #tpu.memory_space<hbm>> -> memref<512x32xf32, #tpu.memory_space<hbm>>
    %dma_wait3A_768 = arith.constant 0 : i32
    %dma_wait3A_769 = tpu.memref_slice %arg4[%add3A_741, %dma_wait3A_768] : memref<425984x32xf32, #tpu.memory_space<hbm>> -> memref<512x32xf32, #tpu.memory_space<hbm>>
    tpu.wait_dma2 semaphore(%arg25 : memref<!tpu.dma_semaphore, #tpu.memory_space<semaphore_mem>>) src(%arg11 : memref<512x32xf32, #tpu.memory_space<vmem>>) dst(%dma_wait3A_769 : memref<512x32xf32, #tpu.memory_space<hbm>>)
    %dma_start3A_770 = arith.constant 9728 : i32
    %dma_start3A_771 = tpu.memref_slice %arg5[%dma_start3A_770] : memref<13312xi32, #tpu.memory_space<vmem>> -> memref<512xi32, #tpu.memory_space<vmem>>
    %dma_start3A_772 = arith.constant 0 : i32
    %dma_start3A_773 = arith.constant 0 : i32
    %dma_start3A_774 = tpu.memref_slice %arg2[%dma_start3A_772, %dma_start3A_773] : memref<1000000x32xf32, #tpu.memory_space<hbm>> -> memref<1000000x32xf32, #tpu.memory_space<hbm>>
    tpu.enqueue_indirect_dma source(%dma_start3A_774 : memref<1000000x32xf32, #tpu.memory_space<hbm>>) target(%arg11 : memref<512x32xf32, #tpu.memory_space<vmem>>) offsets(%dma_start3A_771 : memref<512xi32, #tpu.memory_space<vmem>>) semaphore(%arg18 : memref<!tpu.dma_semaphore, #tpu.memory_space<semaphore_mem>>)
    %dma_wait3A_775 = arith.constant 7168 : i32
    %dma_wait3A_776 = tpu.memref_slice %arg5[%dma_wait3A_775] : memref<13312xi32, #tpu.memory_space<vmem>> -> memref<512xi32, #tpu.memory_space<vmem>>
    %dma_wait3A_777 = arith.constant 0 : i32
    %dma_wait3A_778 = arith.constant 0 : i32
    %dma_wait3A_779 = tpu.memref_slice %arg2[%dma_wait3A_777, %dma_wait3A_778] : memref<1000000x32xf32, #tpu.memory_space<hbm>> -> memref<1000000x32xf32, #tpu.memory_space<hbm>>
    tpu.wait_indirect_dma semaphore(%arg13 : memref<!tpu.dma_semaphore, #tpu.memory_space<semaphore_mem>>) src(%dma_wait3A_779 : memref<1000000x32xf32, #tpu.memory_space<hbm>>) dst(%arg6 : memref<512x32xf32, #tpu.memory_space<vmem>>)
    %add3A_780 = arith.constant 229376 : i32
    %add3A_781 = arith.addi %add3A_780, %multiple_of3A : i32
    %dma_start3A_782 = arith.constant 0 : i32
    %dma_start3A_783 = tpu.memref_slice %arg4[%add3A_781, %dma_start3A_782] : memref<425984x32xf32, #tpu.memory_space<hbm>> -> memref<512x32xf32, #tpu.memory_space<hbm>>
    %dma_start3A_784 = arith.constant 0 : i32
    %dma_start3A_785 = tpu.memref_slice %arg4[%add3A_781, %dma_start3A_784] : memref<425984x32xf32, #tpu.memory_space<hbm>> -> memref<512x32xf32, #tpu.memory_space<hbm>>
    tpu.enqueue_dma source(%arg6 : memref<512x32xf32, #tpu.memory_space<vmem>>) target(%dma_start3A_785 : memref<512x32xf32, #tpu.memory_space<hbm>>) target_semaphore(%arg20 : memref<!tpu.dma_semaphore, #tpu.memory_space<semaphore_mem>>)
    %dma_wait3A_786 = arith.constant 0 : i32
    %dma_wait3A_787 = tpu.memref_slice %arg4[%add3A_761, %dma_wait3A_786] : memref<425984x32xf32, #tpu.memory_space<hbm>> -> memref<512x32xf32, #tpu.memory_space<hbm>>
    %dma_wait3A_788 = arith.constant 0 : i32
    %dma_wait3A_789 = tpu.memref_slice %arg4[%add3A_761, %dma_wait3A_788] : memref<425984x32xf32, #tpu.memory_space<hbm>> -> memref<512x32xf32, #tpu.memory_space<hbm>>
    tpu.wait_dma2 semaphore(%arg26 : memref<!tpu.dma_semaphore, #tpu.memory_space<semaphore_mem>>) src(%arg12 : memref<512x32xf32, #tpu.memory_space<vmem>>) dst(%dma_wait3A_789 : memref<512x32xf32, #tpu.memory_space<hbm>>)
    %dma_start3A_790 = arith.constant 10240 : i32
    %dma_start3A_791 = tpu.memref_slice %arg5[%dma_start3A_790] : memref<13312xi32, #tpu.memory_space<vmem>> -> memref<512xi32, #tpu.memory_space<vmem>>
    %dma_start3A_792 = arith.constant 0 : i32
    %dma_start3A_793 = arith.constant 0 : i32
    %dma_start3A_794 = tpu.memref_slice %arg2[%dma_start3A_792, %dma_start3A_793] : memref<1000000x32xf32, #tpu.memory_space<hbm>> -> memref<1000000x32xf32, #tpu.memory_space<hbm>>
    tpu.enqueue_indirect_dma source(%dma_start3A_794 : memref<1000000x32xf32, #tpu.memory_space<hbm>>) target(%arg12 : memref<512x32xf32, #tpu.memory_space<vmem>>) offsets(%dma_start3A_791 : memref<512xi32, #tpu.memory_space<vmem>>) semaphore(%arg19 : memref<!tpu.dma_semaphore, #tpu.memory_space<semaphore_mem>>)
    %dma_wait3A_795 = arith.constant 7680 : i32
    %dma_wait3A_796 = tpu.memref_slice %arg5[%dma_wait3A_795] : memref<13312xi32, #tpu.memory_space<vmem>> -> memref<512xi32, #tpu.memory_space<vmem>>
    %dma_wait3A_797 = arith.constant 0 : i32
    %dma_wait3A_798 = arith.constant 0 : i32
    %dma_wait3A_799 = tpu.memref_slice %arg2[%dma_wait3A_797, %dma_wait3A_798] : memref<1000000x32xf32, #tpu.memory_space<hbm>> -> memref<1000000x32xf32, #tpu.memory_space<hbm>>
    tpu.wait_indirect_dma semaphore(%arg14 : memref<!tpu.dma_semaphore, #tpu.memory_space<semaphore_mem>>) src(%dma_wait3A_799 : memref<1000000x32xf32, #tpu.memory_space<hbm>>) dst(%arg7 : memref<512x32xf32, #tpu.memory_space<vmem>>)
    %add3A_800 = arith.constant 245760 : i32
    %add3A_801 = arith.addi %add3A_800, %multiple_of3A : i32
    %dma_start3A_802 = arith.constant 0 : i32
    %dma_start3A_803 = tpu.memref_slice %arg4[%add3A_801, %dma_start3A_802] : memref<425984x32xf32, #tpu.memory_space<hbm>> -> memref<512x32xf32, #tpu.memory_space<hbm>>
    %dma_start3A_804 = arith.constant 0 : i32
    %dma_start3A_805 = tpu.memref_slice %arg4[%add3A_801, %dma_start3A_804] : memref<425984x32xf32, #tpu.memory_space<hbm>> -> memref<512x32xf32, #tpu.memory_space<hbm>>
    tpu.enqueue_dma source(%arg7 : memref<512x32xf32, #tpu.memory_space<vmem>>) target(%dma_start3A_805 : memref<512x32xf32, #tpu.memory_space<hbm>>) target_semaphore(%arg21 : memref<!tpu.dma_semaphore, #tpu.memory_space<semaphore_mem>>)
    %dma_wait3A_806 = arith.constant 0 : i32
    %dma_wait3A_807 = tpu.memref_slice %arg4[%add3A_781, %dma_wait3A_806] : memref<425984x32xf32, #tpu.memory_space<hbm>> -> memref<512x32xf32, #tpu.memory_space<hbm>>
    %dma_wait3A_808 = arith.constant 0 : i32
    %dma_wait3A_809 = tpu.memref_slice %arg4[%add3A_781, %dma_wait3A_808] : memref<425984x32xf32, #tpu.memory_space<hbm>> -> memref<512x32xf32, #tpu.memory_space<hbm>>
    tpu.wait_dma2 semaphore(%arg20 : memref<!tpu.dma_semaphore, #tpu.memory_space<semaphore_mem>>) src(%arg6 : memref<512x32xf32, #tpu.memory_space<vmem>>) dst(%dma_wait3A_809 : memref<512x32xf32, #tpu.memory_space<hbm>>)
    %dma_start3A_810 = arith.constant 10752 : i32
    %dma_start3A_811 = tpu.memref_slice %arg5[%dma_start3A_810] : memref<13312xi32, #tpu.memory_space<vmem>> -> memref<512xi32, #tpu.memory_space<vmem>>
    %dma_start3A_812 = arith.constant 0 : i32
    %dma_start3A_813 = arith.constant 0 : i32
    %dma_start3A_814 = tpu.memref_slice %arg2[%dma_start3A_812, %dma_start3A_813] : memref<1000000x32xf32, #tpu.memory_space<hbm>> -> memref<1000000x32xf32, #tpu.memory_space<hbm>>
    tpu.enqueue_indirect_dma source(%dma_start3A_814 : memref<1000000x32xf32, #tpu.memory_space<hbm>>) target(%arg6 : memref<512x32xf32, #tpu.memory_space<vmem>>) offsets(%dma_start3A_811 : memref<512xi32, #tpu.memory_space<vmem>>) semaphore(%arg13 : memref<!tpu.dma_semaphore, #tpu.memory_space<semaphore_mem>>)
    %dma_wait3A_815 = arith.constant 8192 : i32
    %dma_wait3A_816 = tpu.memref_slice %arg5[%dma_wait3A_815] : memref<13312xi32, #tpu.memory_space<vmem>> -> memref<512xi32, #tpu.memory_space<vmem>>
    %dma_wait3A_817 = arith.constant 0 : i32
    %dma_wait3A_818 = arith.constant 0 : i32
    %dma_wait3A_819 = tpu.memref_slice %arg2[%dma_wait3A_817, %dma_wait3A_818] : memref<1000000x32xf32, #tpu.memory_space<hbm>> -> memref<1000000x32xf32, #tpu.memory_space<hbm>>
    tpu.wait_indirect_dma semaphore(%arg15 : memref<!tpu.dma_semaphore, #tpu.memory_space<semaphore_mem>>) src(%dma_wait3A_819 : memref<1000000x32xf32, #tpu.memory_space<hbm>>) dst(%arg8 : memref<512x32xf32, #tpu.memory_space<vmem>>)
    %add3A_820 = arith.constant 262144 : i32
    %add3A_821 = arith.addi %add3A_820, %multiple_of3A : i32
    %dma_start3A_822 = arith.constant 0 : i32
    %dma_start3A_823 = tpu.memref_slice %arg4[%add3A_821, %dma_start3A_822] : memref<425984x32xf32, #tpu.memory_space<hbm>> -> memref<512x32xf32, #tpu.memory_space<hbm>>
    %dma_start3A_824 = arith.constant 0 : i32
    %dma_start3A_825 = tpu.memref_slice %arg4[%add3A_821, %dma_start3A_824] : memref<425984x32xf32, #tpu.memory_space<hbm>> -> memref<512x32xf32, #tpu.memory_space<hbm>>
    tpu.enqueue_dma source(%arg8 : memref<512x32xf32, #tpu.memory_space<vmem>>) target(%dma_start3A_825 : memref<512x32xf32, #tpu.memory_space<hbm>>) target_semaphore(%arg22 : memref<!tpu.dma_semaphore, #tpu.memory_space<semaphore_mem>>)
    %dma_wait3A_826 = arith.constant 0 : i32
    %dma_wait3A_827 = tpu.memref_slice %arg4[%add3A_801, %dma_wait3A_826] : memref<425984x32xf32, #tpu.memory_space<hbm>> -> memref<512x32xf32, #tpu.memory_space<hbm>>
    %dma_wait3A_828 = arith.constant 0 : i32
    %dma_wait3A_829 = tpu.memref_slice %arg4[%add3A_801, %dma_wait3A_828] : memref<425984x32xf32, #tpu.memory_space<hbm>> -> memref<512x32xf32, #tpu.memory_space<hbm>>
    tpu.wait_dma2 semaphore(%arg21 : memref<!tpu.dma_semaphore, #tpu.memory_space<semaphore_mem>>) src(%arg7 : memref<512x32xf32, #tpu.memory_space<vmem>>) dst(%dma_wait3A_829 : memref<512x32xf32, #tpu.memory_space<hbm>>)
    %dma_start3A_830 = arith.constant 11264 : i32
    %dma_start3A_831 = tpu.memref_slice %arg5[%dma_start3A_830] : memref<13312xi32, #tpu.memory_space<vmem>> -> memref<512xi32, #tpu.memory_space<vmem>>
    %dma_start3A_832 = arith.constant 0 : i32
    %dma_start3A_833 = arith.constant 0 : i32
    %dma_start3A_834 = tpu.memref_slice %arg2[%dma_start3A_832, %dma_start3A_833] : memref<1000000x32xf32, #tpu.memory_space<hbm>> -> memref<1000000x32xf32, #tpu.memory_space<hbm>>
    tpu.enqueue_indirect_dma source(%dma_start3A_834 : memref<1000000x32xf32, #tpu.memory_space<hbm>>) target(%arg7 : memref<512x32xf32, #tpu.memory_space<vmem>>) offsets(%dma_start3A_831 : memref<512xi32, #tpu.memory_space<vmem>>) semaphore(%arg14 : memref<!tpu.dma_semaphore, #tpu.memory_space<semaphore_mem>>)
    %dma_wait3A_835 = arith.constant 8704 : i32
    %dma_wait3A_836 = tpu.memref_slice %arg5[%dma_wait3A_835] : memref<13312xi32, #tpu.memory_space<vmem>> -> memref<512xi32, #tpu.memory_space<vmem>>
    %dma_wait3A_837 = arith.constant 0 : i32
    %dma_wait3A_838 = arith.constant 0 : i32
    %dma_wait3A_839 = tpu.memref_slice %arg2[%dma_wait3A_837, %dma_wait3A_838] : memref<1000000x32xf32, #tpu.memory_space<hbm>> -> memref<1000000x32xf32, #tpu.memory_space<hbm>>
    tpu.wait_indirect_dma semaphore(%arg16 : memref<!tpu.dma_semaphore, #tpu.memory_space<semaphore_mem>>) src(%dma_wait3A_839 : memref<1000000x32xf32, #tpu.memory_space<hbm>>) dst(%arg9 : memref<512x32xf32, #tpu.memory_space<vmem>>)
    %add3A_840 = arith.constant 278528 : i32
    %add3A_841 = arith.addi %add3A_840, %multiple_of3A : i32
    %dma_start3A_842 = arith.constant 0 : i32
    %dma_start3A_843 = tpu.memref_slice %arg4[%add3A_841, %dma_start3A_842] : memref<425984x32xf32, #tpu.memory_space<hbm>> -> memref<512x32xf32, #tpu.memory_space<hbm>>
    %dma_start3A_844 = arith.constant 0 : i32
    %dma_start3A_845 = tpu.memref_slice %arg4[%add3A_841, %dma_start3A_844] : memref<425984x32xf32, #tpu.memory_space<hbm>> -> memref<512x32xf32, #tpu.memory_space<hbm>>
    tpu.enqueue_dma source(%arg9 : memref<512x32xf32, #tpu.memory_space<vmem>>) target(%dma_start3A_845 : memref<512x32xf32, #tpu.memory_space<hbm>>) target_semaphore(%arg23 : memref<!tpu.dma_semaphore, #tpu.memory_space<semaphore_mem>>)
    %dma_wait3A_846 = arith.constant 0 : i32
    %dma_wait3A_847 = tpu.memref_slice %arg4[%add3A_821, %dma_wait3A_846] : memref<425984x32xf32, #tpu.memory_space<hbm>> -> memref<512x32xf32, #tpu.memory_space<hbm>>
    %dma_wait3A_848 = arith.constant 0 : i32
    %dma_wait3A_849 = tpu.memref_slice %arg4[%add3A_821, %dma_wait3A_848] : memref<425984x32xf32, #tpu.memory_space<hbm>> -> memref<512x32xf32, #tpu.memory_space<hbm>>
    tpu.wait_dma2 semaphore(%arg22 : memref<!tpu.dma_semaphore, #tpu.memory_space<semaphore_mem>>) src(%arg8 : memref<512x32xf32, #tpu.memory_space<vmem>>) dst(%dma_wait3A_849 : memref<512x32xf32, #tpu.memory_space<hbm>>)
    %dma_start3A_850 = arith.constant 11776 : i32
    %dma_start3A_851 = tpu.memref_slice %arg5[%dma_start3A_850] : memref<13312xi32, #tpu.memory_space<vmem>> -> memref<512xi32, #tpu.memory_space<vmem>>
    %dma_start3A_852 = arith.constant 0 : i32
    %dma_start3A_853 = arith.constant 0 : i32
    %dma_start3A_854 = tpu.memref_slice %arg2[%dma_start3A_852, %dma_start3A_853] : memref<1000000x32xf32, #tpu.memory_space<hbm>> -> memref<1000000x32xf32, #tpu.memory_space<hbm>>
    tpu.enqueue_indirect_dma source(%dma_start3A_854 : memref<1000000x32xf32, #tpu.memory_space<hbm>>) target(%arg8 : memref<512x32xf32, #tpu.memory_space<vmem>>) offsets(%dma_start3A_851 : memref<512xi32, #tpu.memory_space<vmem>>) semaphore(%arg15 : memref<!tpu.dma_semaphore, #tpu.memory_space<semaphore_mem>>)
    %dma_wait3A_855 = arith.constant 9216 : i32
    %dma_wait3A_856 = tpu.memref_slice %arg5[%dma_wait3A_855] : memref<13312xi32, #tpu.memory_space<vmem>> -> memref<512xi32, #tpu.memory_space<vmem>>
    %dma_wait3A_857 = arith.constant 0 : i32
    %dma_wait3A_858 = arith.constant 0 : i32
    %dma_wait3A_859 = tpu.memref_slice %arg2[%dma_wait3A_857, %dma_wait3A_858] : memref<1000000x32xf32, #tpu.memory_space<hbm>> -> memref<1000000x32xf32, #tpu.memory_space<hbm>>
    tpu.wait_indirect_dma semaphore(%arg17 : memref<!tpu.dma_semaphore, #tpu.memory_space<semaphore_mem>>) src(%dma_wait3A_859 : memref<1000000x32xf32, #tpu.memory_space<hbm>>) dst(%arg10 : memref<512x32xf32, #tpu.memory_space<vmem>>)
    %add3A_860 = arith.constant 294912 : i32
    %add3A_861 = arith.addi %add3A_860, %multiple_of3A : i32
    %dma_start3A_862 = arith.constant 0 : i32
    %dma_start3A_863 = tpu.memref_slice %arg4[%add3A_861, %dma_start3A_862] : memref<425984x32xf32, #tpu.memory_space<hbm>> -> memref<512x32xf32, #tpu.memory_space<hbm>>
    %dma_start3A_864 = arith.constant 0 : i32
    %dma_start3A_865 = tpu.memref_slice %arg4[%add3A_861, %dma_start3A_864] : memref<425984x32xf32, #tpu.memory_space<hbm>> -> memref<512x32xf32, #tpu.memory_space<hbm>>
    tpu.enqueue_dma source(%arg10 : memref<512x32xf32, #tpu.memory_space<vmem>>) target(%dma_start3A_865 : memref<512x32xf32, #tpu.memory_space<hbm>>) target_semaphore(%arg24 : memref<!tpu.dma_semaphore, #tpu.memory_space<semaphore_mem>>)
    %dma_wait3A_866 = arith.constant 0 : i32
    %dma_wait3A_867 = tpu.memref_slice %arg4[%add3A_841, %dma_wait3A_866] : memref<425984x32xf32, #tpu.memory_space<hbm>> -> memref<512x32xf32, #tpu.memory_space<hbm>>
    %dma_wait3A_868 = arith.constant 0 : i32
    %dma_wait3A_869 = tpu.memref_slice %arg4[%add3A_841, %dma_wait3A_868] : memref<425984x32xf32, #tpu.memory_space<hbm>> -> memref<512x32xf32, #tpu.memory_space<hbm>>
    tpu.wait_dma2 semaphore(%arg23 : memref<!tpu.dma_semaphore, #tpu.memory_space<semaphore_mem>>) src(%arg9 : memref<512x32xf32, #tpu.memory_space<vmem>>) dst(%dma_wait3A_869 : memref<512x32xf32, #tpu.memory_space<hbm>>)
    %dma_start3A_870 = arith.constant 12288 : i32
    %dma_start3A_871 = tpu.memref_slice %arg5[%dma_start3A_870] : memref<13312xi32, #tpu.memory_space<vmem>> -> memref<512xi32, #tpu.memory_space<vmem>>
    %dma_start3A_872 = arith.constant 0 : i32
    %dma_start3A_873 = arith.constant 0 : i32
    %dma_start3A_874 = tpu.memref_slice %arg2[%dma_start3A_872, %dma_start3A_873] : memref<1000000x32xf32, #tpu.memory_space<hbm>> -> memref<1000000x32xf32, #tpu.memory_space<hbm>>
    tpu.enqueue_indirect_dma source(%dma_start3A_874 : memref<1000000x32xf32, #tpu.memory_space<hbm>>) target(%arg9 : memref<512x32xf32, #tpu.memory_space<vmem>>) offsets(%dma_start3A_871 : memref<512xi32, #tpu.memory_space<vmem>>) semaphore(%arg16 : memref<!tpu.dma_semaphore, #tpu.memory_space<semaphore_mem>>)
    %dma_wait3A_875 = arith.constant 9728 : i32
    %dma_wait3A_876 = tpu.memref_slice %arg5[%dma_wait3A_875] : memref<13312xi32, #tpu.memory_space<vmem>> -> memref<512xi32, #tpu.memory_space<vmem>>
    %dma_wait3A_877 = arith.constant 0 : i32
    %dma_wait3A_878 = arith.constant 0 : i32
    %dma_wait3A_879 = tpu.memref_slice %arg2[%dma_wait3A_877, %dma_wait3A_878] : memref<1000000x32xf32, #tpu.memory_space<hbm>> -> memref<1000000x32xf32, #tpu.memory_space<hbm>>
    tpu.wait_indirect_dma semaphore(%arg18 : memref<!tpu.dma_semaphore, #tpu.memory_space<semaphore_mem>>) src(%dma_wait3A_879 : memref<1000000x32xf32, #tpu.memory_space<hbm>>) dst(%arg11 : memref<512x32xf32, #tpu.memory_space<vmem>>)
    %add3A_880 = arith.constant 311296 : i32
    %add3A_881 = arith.addi %add3A_880, %multiple_of3A : i32
    %dma_start3A_882 = arith.constant 0 : i32
    %dma_start3A_883 = tpu.memref_slice %arg4[%add3A_881, %dma_start3A_882] : memref<425984x32xf32, #tpu.memory_space<hbm>> -> memref<512x32xf32, #tpu.memory_space<hbm>>
    %dma_start3A_884 = arith.constant 0 : i32
    %dma_start3A_885 = tpu.memref_slice %arg4[%add3A_881, %dma_start3A_884] : memref<425984x32xf32, #tpu.memory_space<hbm>> -> memref<512x32xf32, #tpu.memory_space<hbm>>
    tpu.enqueue_dma source(%arg11 : memref<512x32xf32, #tpu.memory_space<vmem>>) target(%dma_start3A_885 : memref<512x32xf32, #tpu.memory_space<hbm>>) target_semaphore(%arg25 : memref<!tpu.dma_semaphore, #tpu.memory_space<semaphore_mem>>)
    %dma_wait3A_886 = arith.constant 0 : i32
    %dma_wait3A_887 = tpu.memref_slice %arg4[%add3A_861, %dma_wait3A_886] : memref<425984x32xf32, #tpu.memory_space<hbm>> -> memref<512x32xf32, #tpu.memory_space<hbm>>
    %dma_wait3A_888 = arith.constant 0 : i32
    %dma_wait3A_889 = tpu.memref_slice %arg4[%add3A_861, %dma_wait3A_888] : memref<425984x32xf32, #tpu.memory_space<hbm>> -> memref<512x32xf32, #tpu.memory_space<hbm>>
    tpu.wait_dma2 semaphore(%arg24 : memref<!tpu.dma_semaphore, #tpu.memory_space<semaphore_mem>>) src(%arg10 : memref<512x32xf32, #tpu.memory_space<vmem>>) dst(%dma_wait3A_889 : memref<512x32xf32, #tpu.memory_space<hbm>>)
    %dma_start3A_890 = arith.constant 12800 : i32
    %dma_start3A_891 = tpu.memref_slice %arg5[%dma_start3A_890] : memref<13312xi32, #tpu.memory_space<vmem>> -> memref<512xi32, #tpu.memory_space<vmem>>
    %dma_start3A_892 = arith.constant 0 : i32
    %dma_start3A_893 = arith.constant 0 : i32
    %dma_start3A_894 = tpu.memref_slice %arg2[%dma_start3A_892, %dma_start3A_893] : memref<1000000x32xf32, #tpu.memory_space<hbm>> -> memref<1000000x32xf32, #tpu.memory_space<hbm>>
    tpu.enqueue_indirect_dma source(%dma_start3A_894 : memref<1000000x32xf32, #tpu.memory_space<hbm>>) target(%arg10 : memref<512x32xf32, #tpu.memory_space<vmem>>) offsets(%dma_start3A_891 : memref<512xi32, #tpu.memory_space<vmem>>) semaphore(%arg17 : memref<!tpu.dma_semaphore, #tpu.memory_space<semaphore_mem>>)
    %dma_wait3A_895 = arith.constant 10240 : i32
    %dma_wait3A_896 = tpu.memref_slice %arg5[%dma_wait3A_895] : memref<13312xi32, #tpu.memory_space<vmem>> -> memref<512xi32, #tpu.memory_space<vmem>>
    %dma_wait3A_897 = arith.constant 0 : i32
    %dma_wait3A_898 = arith.constant 0 : i32
    %dma_wait3A_899 = tpu.memref_slice %arg2[%dma_wait3A_897, %dma_wait3A_898] : memref<1000000x32xf32, #tpu.memory_space<hbm>> -> memref<1000000x32xf32, #tpu.memory_space<hbm>>
    tpu.wait_indirect_dma semaphore(%arg19 : memref<!tpu.dma_semaphore, #tpu.memory_space<semaphore_mem>>) src(%dma_wait3A_899 : memref<1000000x32xf32, #tpu.memory_space<hbm>>) dst(%arg12 : memref<512x32xf32, #tpu.memory_space<vmem>>)
    %add3A_900 = arith.constant 327680 : i32
    %add3A_901 = arith.addi %add3A_900, %multiple_of3A : i32
    %dma_start3A_902 = arith.constant 0 : i32
    %dma_start3A_903 = tpu.memref_slice %arg4[%add3A_901, %dma_start3A_902] : memref<425984x32xf32, #tpu.memory_space<hbm>> -> memref<512x32xf32, #tpu.memory_space<hbm>>
    %dma_start3A_904 = arith.constant 0 : i32
    %dma_start3A_905 = tpu.memref_slice %arg4[%add3A_901, %dma_start3A_904] : memref<425984x32xf32, #tpu.memory_space<hbm>> -> memref<512x32xf32, #tpu.memory_space<hbm>>
    tpu.enqueue_dma source(%arg12 : memref<512x32xf32, #tpu.memory_space<vmem>>) target(%dma_start3A_905 : memref<512x32xf32, #tpu.memory_space<hbm>>) target_semaphore(%arg26 : memref<!tpu.dma_semaphore, #tpu.memory_space<semaphore_mem>>)
    %dma_wait3A_906 = arith.constant 10752 : i32
    %dma_wait3A_907 = tpu.memref_slice %arg5[%dma_wait3A_906] : memref<13312xi32, #tpu.memory_space<vmem>> -> memref<512xi32, #tpu.memory_space<vmem>>
    %dma_wait3A_908 = arith.constant 0 : i32
    %dma_wait3A_909 = arith.constant 0 : i32
    %dma_wait3A_910 = tpu.memref_slice %arg2[%dma_wait3A_908, %dma_wait3A_909] : memref<1000000x32xf32, #tpu.memory_space<hbm>> -> memref<1000000x32xf32, #tpu.memory_space<hbm>>
    tpu.wait_indirect_dma semaphore(%arg13 : memref<!tpu.dma_semaphore, #tpu.memory_space<semaphore_mem>>) src(%dma_wait3A_910 : memref<1000000x32xf32, #tpu.memory_space<hbm>>) dst(%arg6 : memref<512x32xf32, #tpu.memory_space<vmem>>)
    %add3A_911 = arith.constant 344064 : i32
    %add3A_912 = arith.addi %add3A_911, %multiple_of3A : i32
    %dma_start3A_913 = arith.constant 0 : i32
    %dma_start3A_914 = tpu.memref_slice %arg4[%add3A_912, %dma_start3A_913] : memref<425984x32xf32, #tpu.memory_space<hbm>> -> memref<512x32xf32, #tpu.memory_space<hbm>>
    %dma_start3A_915 = arith.constant 0 : i32
    %dma_start3A_916 = tpu.memref_slice %arg4[%add3A_912, %dma_start3A_915] : memref<425984x32xf32, #tpu.memory_space<hbm>> -> memref<512x32xf32, #tpu.memory_space<hbm>>
    tpu.enqueue_dma source(%arg6 : memref<512x32xf32, #tpu.memory_space<vmem>>) target(%dma_start3A_916 : memref<512x32xf32, #tpu.memory_space<hbm>>) target_semaphore(%arg20 : memref<!tpu.dma_semaphore, #tpu.memory_space<semaphore_mem>>)
    %dma_wait3A_917 = arith.constant 11264 : i32
    %dma_wait3A_918 = tpu.memref_slice %arg5[%dma_wait3A_917] : memref<13312xi32, #tpu.memory_space<vmem>> -> memref<512xi32, #tpu.memory_space<vmem>>
    %dma_wait3A_919 = arith.constant 0 : i32
    %dma_wait3A_920 = arith.constant 0 : i32
    %dma_wait3A_921 = tpu.memref_slice %arg2[%dma_wait3A_919, %dma_wait3A_920] : memref<1000000x32xf32, #tpu.memory_space<hbm>> -> memref<1000000x32xf32, #tpu.memory_space<hbm>>
    tpu.wait_indirect_dma semaphore(%arg14 : memref<!tpu.dma_semaphore, #tpu.memory_space<semaphore_mem>>) src(%dma_wait3A_921 : memref<1000000x32xf32, #tpu.memory_space<hbm>>) dst(%arg7 : memref<512x32xf32, #tpu.memory_space<vmem>>)
    %add3A_922 = arith.constant 360448 : i32
    %add3A_923 = arith.addi %add3A_922, %multiple_of3A : i32
    %dma_start3A_924 = arith.constant 0 : i32
    %dma_start3A_925 = tpu.memref_slice %arg4[%add3A_923, %dma_start3A_924] : memref<425984x32xf32, #tpu.memory_space<hbm>> -> memref<512x32xf32, #tpu.memory_space<hbm>>
    %dma_start3A_926 = arith.constant 0 : i32
    %dma_start3A_927 = tpu.memref_slice %arg4[%add3A_923, %dma_start3A_926] : memref<425984x32xf32, #tpu.memory_space<hbm>> -> memref<512x32xf32, #tpu.memory_space<hbm>>
    tpu.enqueue_dma source(%arg7 : memref<512x32xf32, #tpu.memory_space<vmem>>) target(%dma_start3A_927 : memref<512x32xf32, #tpu.memory_space<hbm>>) target_semaphore(%arg21 : memref<!tpu.dma_semaphore, #tpu.memory_space<semaphore_mem>>)
    %dma_wait3A_928 = arith.constant 11776 : i32
    %dma_wait3A_929 = tpu.memref_slice %arg5[%dma_wait3A_928] : memref<13312xi32, #tpu.memory_space<vmem>> -> memref<512xi32, #tpu.memory_space<vmem>>
    %dma_wait3A_930 = arith.constant 0 : i32
    %dma_wait3A_931 = arith.constant 0 : i32
    %dma_wait3A_932 = tpu.memref_slice %arg2[%dma_wait3A_930, %dma_wait3A_931] : memref<1000000x32xf32, #tpu.memory_space<hbm>> -> memref<1000000x32xf32, #tpu.memory_space<hbm>>
    tpu.wait_indirect_dma semaphore(%arg15 : memref<!tpu.dma_semaphore, #tpu.memory_space<semaphore_mem>>) src(%dma_wait3A_932 : memref<1000000x32xf32, #tpu.memory_space<hbm>>) dst(%arg8 : memref<512x32xf32, #tpu.memory_space<vmem>>)
    %add3A_933 = arith.constant 376832 : i32
    %add3A_934 = arith.addi %add3A_933, %multiple_of3A : i32
    %dma_start3A_935 = arith.constant 0 : i32
    %dma_start3A_936 = tpu.memref_slice %arg4[%add3A_934, %dma_start3A_935] : memref<425984x32xf32, #tpu.memory_space<hbm>> -> memref<512x32xf32, #tpu.memory_space<hbm>>
    %dma_start3A_937 = arith.constant 0 : i32
    %dma_start3A_938 = tpu.memref_slice %arg4[%add3A_934, %dma_start3A_937] : memref<425984x32xf32, #tpu.memory_space<hbm>> -> memref<512x32xf32, #tpu.memory_space<hbm>>
    tpu.enqueue_dma source(%arg8 : memref<512x32xf32, #tpu.memory_space<vmem>>) target(%dma_start3A_938 : memref<512x32xf32, #tpu.memory_space<hbm>>) target_semaphore(%arg22 : memref<!tpu.dma_semaphore, #tpu.memory_space<semaphore_mem>>)
    %dma_wait3A_939 = arith.constant 12288 : i32
    %dma_wait3A_940 = tpu.memref_slice %arg5[%dma_wait3A_939] : memref<13312xi32, #tpu.memory_space<vmem>> -> memref<512xi32, #tpu.memory_space<vmem>>
    %dma_wait3A_941 = arith.constant 0 : i32
    %dma_wait3A_942 = arith.constant 0 : i32
    %dma_wait3A_943 = tpu.memref_slice %arg2[%dma_wait3A_941, %dma_wait3A_942] : memref<1000000x32xf32, #tpu.memory_space<hbm>> -> memref<1000000x32xf32, #tpu.memory_space<hbm>>
    tpu.wait_indirect_dma semaphore(%arg16 : memref<!tpu.dma_semaphore, #tpu.memory_space<semaphore_mem>>) src(%dma_wait3A_943 : memref<1000000x32xf32, #tpu.memory_space<hbm>>) dst(%arg9 : memref<512x32xf32, #tpu.memory_space<vmem>>)
    %add3A_944 = arith.constant 393216 : i32
    %add3A_945 = arith.addi %add3A_944, %multiple_of3A : i32
    %dma_start3A_946 = arith.constant 0 : i32
    %dma_start3A_947 = tpu.memref_slice %arg4[%add3A_945, %dma_start3A_946] : memref<425984x32xf32, #tpu.memory_space<hbm>> -> memref<512x32xf32, #tpu.memory_space<hbm>>
    %dma_start3A_948 = arith.constant 0 : i32
    %dma_start3A_949 = tpu.memref_slice %arg4[%add3A_945, %dma_start3A_948] : memref<425984x32xf32, #tpu.memory_space<hbm>> -> memref<512x32xf32, #tpu.memory_space<hbm>>
    tpu.enqueue_dma source(%arg9 : memref<512x32xf32, #tpu.memory_space<vmem>>) target(%dma_start3A_949 : memref<512x32xf32, #tpu.memory_space<hbm>>) target_semaphore(%arg23 : memref<!tpu.dma_semaphore, #tpu.memory_space<semaphore_mem>>)
    %dma_wait3A_950 = arith.constant 12800 : i32
    %dma_wait3A_951 = tpu.memref_slice %arg5[%dma_wait3A_950] : memref<13312xi32, #tpu.memory_space<vmem>> -> memref<512xi32, #tpu.memory_space<vmem>>
    %dma_wait3A_952 = arith.constant 0 : i32
    %dma_wait3A_953 = arith.constant 0 : i32
    %dma_wait3A_954 = tpu.memref_slice %arg2[%dma_wait3A_952, %dma_wait3A_953] : memref<1000000x32xf32, #tpu.memory_space<hbm>> -> memref<1000000x32xf32, #tpu.memory_space<hbm>>
    tpu.wait_indirect_dma semaphore(%arg17 : memref<!tpu.dma_semaphore, #tpu.memory_space<semaphore_mem>>) src(%dma_wait3A_954 : memref<1000000x32xf32, #tpu.memory_space<hbm>>) dst(%arg10 : memref<512x32xf32, #tpu.memory_space<vmem>>)
    %add3A_955 = arith.constant 409600 : i32
    %add3A_956 = arith.addi %add3A_955, %multiple_of3A : i32
    %dma_start3A_957 = arith.constant 0 : i32
    %dma_start3A_958 = tpu.memref_slice %arg4[%add3A_956, %dma_start3A_957] : memref<425984x32xf32, #tpu.memory_space<hbm>> -> memref<512x32xf32, #tpu.memory_space<hbm>>
    %dma_start3A_959 = arith.constant 0 : i32
    %dma_start3A_960 = tpu.memref_slice %arg4[%add3A_956, %dma_start3A_959] : memref<425984x32xf32, #tpu.memory_space<hbm>> -> memref<512x32xf32, #tpu.memory_space<hbm>>
    tpu.enqueue_dma source(%arg10 : memref<512x32xf32, #tpu.memory_space<vmem>>) target(%dma_start3A_960 : memref<512x32xf32, #tpu.memory_space<hbm>>) target_semaphore(%arg24 : memref<!tpu.dma_semaphore, #tpu.memory_space<semaphore_mem>>)
    %dma_wait3A_961 = arith.constant 0 : i32
    %dma_wait3A_962 = tpu.memref_slice %arg4[%add3A_881, %dma_wait3A_961] : memref<425984x32xf32, #tpu.memory_space<hbm>> -> memref<512x32xf32, #tpu.memory_space<hbm>>
    %dma_wait3A_963 = arith.constant 0 : i32
    %dma_wait3A_964 = tpu.memref_slice %arg4[%add3A_881, %dma_wait3A_963] : memref<425984x32xf32, #tpu.memory_space<hbm>> -> memref<512x32xf32, #tpu.memory_space<hbm>>
    tpu.wait_dma2 semaphore(%arg25 : memref<!tpu.dma_semaphore, #tpu.memory_space<semaphore_mem>>) src(%arg11 : memref<512x32xf32, #tpu.memory_space<vmem>>) dst(%dma_wait3A_964 : memref<512x32xf32, #tpu.memory_space<hbm>>)
    %dma_wait3A_965 = arith.constant 0 : i32
    %dma_wait3A_966 = tpu.memref_slice %arg4[%add3A_901, %dma_wait3A_965] : memref<425984x32xf32, #tpu.memory_space<hbm>> -> memref<512x32xf32, #tpu.memory_space<hbm>>
    %dma_wait3A_967 = arith.constant 0 : i32
    %dma_wait3A_968 = tpu.memref_slice %arg4[%add3A_901, %dma_wait3A_967] : memref<425984x32xf32, #tpu.memory_space<hbm>> -> memref<512x32xf32, #tpu.memory_space<hbm>>
    tpu.wait_dma2 semaphore(%arg26 : memref<!tpu.dma_semaphore, #tpu.memory_space<semaphore_mem>>) src(%arg12 : memref<512x32xf32, #tpu.memory_space<vmem>>) dst(%dma_wait3A_968 : memref<512x32xf32, #tpu.memory_space<hbm>>)
    %dma_wait3A_969 = arith.constant 0 : i32
    %dma_wait3A_970 = tpu.memref_slice %arg4[%add3A_912, %dma_wait3A_969] : memref<425984x32xf32, #tpu.memory_space<hbm>> -> memref<512x32xf32, #tpu.memory_space<hbm>>
    %dma_wait3A_971 = arith.constant 0 : i32
    %dma_wait3A_972 = tpu.memref_slice %arg4[%add3A_912, %dma_wait3A_971] : memref<425984x32xf32, #tpu.memory_space<hbm>> -> memref<512x32xf32, #tpu.memory_space<hbm>>
    tpu.wait_dma2 semaphore(%arg20 : memref<!tpu.dma_semaphore, #tpu.memory_space<semaphore_mem>>) src(%arg6 : memref<512x32xf32, #tpu.memory_space<vmem>>) dst(%dma_wait3A_972 : memref<512x32xf32, #tpu.memory_space<hbm>>)
    %dma_wait3A_973 = arith.constant 0 : i32
    %dma_wait3A_974 = tpu.memref_slice %arg4[%add3A_923, %dma_wait3A_973] : memref<425984x32xf32, #tpu.memory_space<hbm>> -> memref<512x32xf32, #tpu.memory_space<hbm>>
    %dma_wait3A_975 = arith.constant 0 : i32
    %dma_wait3A_976 = tpu.memref_slice %arg4[%add3A_923, %dma_wait3A_975] : memref<425984x32xf32, #tpu.memory_space<hbm>> -> memref<512x32xf32, #tpu.memory_space<hbm>>
    tpu.wait_dma2 semaphore(%arg21 : memref<!tpu.dma_semaphore, #tpu.memory_space<semaphore_mem>>) src(%arg7 : memref<512x32xf32, #tpu.memory_space<vmem>>) dst(%dma_wait3A_976 : memref<512x32xf32, #tpu.memory_space<hbm>>)
    %dma_wait3A_977 = arith.constant 0 : i32
    %dma_wait3A_978 = tpu.memref_slice %arg4[%add3A_934, %dma_wait3A_977] : memref<425984x32xf32, #tpu.memory_space<hbm>> -> memref<512x32xf32, #tpu.memory_space<hbm>>
    %dma_wait3A_979 = arith.constant 0 : i32
    %dma_wait3A_980 = tpu.memref_slice %arg4[%add3A_934, %dma_wait3A_979] : memref<425984x32xf32, #tpu.memory_space<hbm>> -> memref<512x32xf32, #tpu.memory_space<hbm>>
    tpu.wait_dma2 semaphore(%arg22 : memref<!tpu.dma_semaphore, #tpu.memory_space<semaphore_mem>>) src(%arg8 : memref<512x32xf32, #tpu.memory_space<vmem>>) dst(%dma_wait3A_980 : memref<512x32xf32, #tpu.memory_space<hbm>>)
    %dma_wait3A_981 = arith.constant 0 : i32
    %dma_wait3A_982 = tpu.memref_slice %arg4[%add3A_945, %dma_wait3A_981] : memref<425984x32xf32, #tpu.memory_space<hbm>> -> memref<512x32xf32, #tpu.memory_space<hbm>>
    %dma_wait3A_983 = arith.constant 0 : i32
    %dma_wait3A_984 = tpu.memref_slice %arg4[%add3A_945, %dma_wait3A_983] : memref<425984x32xf32, #tpu.memory_space<hbm>> -> memref<512x32xf32, #tpu.memory_space<hbm>>
    tpu.wait_dma2 semaphore(%arg23 : memref<!tpu.dma_semaphore, #tpu.memory_space<semaphore_mem>>) src(%arg9 : memref<512x32xf32, #tpu.memory_space<vmem>>) dst(%dma_wait3A_984 : memref<512x32xf32, #tpu.memory_space<hbm>>)
    %dma_wait3A_985 = arith.constant 0 : i32
    %dma_wait3A_986 = tpu.memref_slice %arg4[%add3A_956, %dma_wait3A_985] : memref<425984x32xf32, #tpu.memory_space<hbm>> -> memref<512x32xf32, #tpu.memory_space<hbm>>
    %dma_wait3A_987 = arith.constant 0 : i32
    %dma_wait3A_988 = tpu.memref_slice %arg4[%add3A_956, %dma_wait3A_987] : memref<425984x32xf32, #tpu.memory_space<hbm>> -> memref<512x32xf32, #tpu.memory_space<hbm>>
    tpu.wait_dma2 semaphore(%arg24 : memref<!tpu.dma_semaphore, #tpu.memory_space<semaphore_mem>>) src(%arg10 : memref<512x32xf32, #tpu.memory_space<vmem>>) dst(%dma_wait3A_988 : memref<512x32xf32, #tpu.memory_space<hbm>>)
    return
  }
}

</mosaic_0001>

<sc_bundles>
// kernel: kernel.3.cloned.1.call-start
scs
__scs_entry_jumppad:
0x0: {  	(pc) =	sbr.rel $0x88, $3  }
0x1: {  	(tag) =	ssettag $0x0;
	lr =	simm.s32 $0x1  }
0x2: {  	[smem:$0x3F9F] =	sst lr;
	_ =	strace $0xD0000000  }
0x3: {  	_ = 	snop  }
0x4: {  	_ = 	snop  }
0x5: {  	_ = 	snop  }
0x6: {  	_ = 	snop  }
0x7: {  	_ = 	snop  }
__scs_overlays_trampoline_lowered:
0x8: {  	[smem:$0x3FAE] =	sst s0  }
0x9: {  	[smem:$0x3FAF] =	sst s1  }
0xa: {  	[smem:$0x3FB0] =	sst s2  }
0xb: {  	[smem:$0x3FB1] =	sst s3  }
0xc: {  	[smem:$0x3FB2] =	sst s4  }
0xd: {  	[smem:$0x3FB3] =	sst s5  }
0xe: {  	[smem:$0x3FB4] =	sst s6  }
0xf: {  	[smem:$0x3FB5] =	sst s7  }
0x10: {  	[smem:$0x3FB6] =	sst s8  }
0x11: {  	[smem:$0x3FB7] =	sst s9;
	s0 =	simm.s32 @!p0 $0x0  }
0x12: {  	s1 =	sld [smem:$0x3F9D];
	s0 =	simm.s32 @p0 $0x1  }
0x13: {  	[smem:$0x3FB8] =	sst s0;
	s0 =	simm.s32 @!p1 $0x0  }
0x14: {  	s2 =	sld [smem:$0x3F9C];
	s0 =	simm.s32 @p1 $0x1  }
0x15: {  	[smem:$0x3FB9] =	sst s0;
	s0 =	simm.s32 @!p2 $0x0  }
0x16: {  	s3 =	sld [smem:$0x3FDB];
	s0 =	simm.s32 @p2 $0x1  }
0x17: {  	s4 =	simm.s32 $0x1BF5;
	[smem:$0x3FBB] =	sst s0  }
0x18: {  	s0 =	sld [smem:$0x3F9E];
	_ =	swait.ge [sflag:s4], $0x0  }
0x19: {  	s7 =	sld [smem:$0x3F9F]  }
0x1a: {  	s8 =	sadd.s32 $0xFFFFE003, lr  }
0x1b: {  	s9 =	sadd.s32 $0xFFFFFEF7, lr;
	s5 =	simm.s32 $0xFFFFFFFF;
	p2 =	slt.u32 s8, $0xFFFFF086  }
0x1c: {  	p1 =	slt.u32 s9, $0xF7A;
	s5 =	simm.s32 @!p2 $0x0  }
0x1d: {  	s5 =	simm.s32 @p1 $0x1;
	p0 =	seq.s32 s7, s2  }
0x1e: {  	s7 =	smul.u32 @!p0 $0xF7A, s2;
	p2 =	seq.s32 @!p0 s5, $0x0  }
0x1f: {  	s9 =	smul.u32 $0xF7A, s1;
	s8 =	simm.s32 @!p0 $0x1BF5;
	p2 =	por !p2, p0  }
0x20: {  	[sflag:s8] =	ssyncset.s32 @!p0 $0xFFFFF086;
	s6 =	sadd.s32 @!p0 s3, s7;
	s7 =	simm.s32 @!p0 $0x108  }
0x21: {  	s3 =	sadd.s32 s3, s9;
	s6 =	sadd.s32 @!p0 $0x88, s6;
	s7 =	simm.s32 @p2 $0x1082  }
0x22: {  	[simem:s7], [sflag:s8] =	dma.local @!p0 [hbm:s6], $0xF7A  }
0x23: {  	s9 =	sor.u32 $0xD0000000, s2;
	s6 =	simm.s32 $0x108;
	_ =	swait.ge @!p0 [sflag:s8], $0x0  }
0x24: {  	s3 =	sadd.s32 $0x88, s3;
	s6 =	simm.s32 @!p1 $0x1082;
	[sflag:s4] =	ssyncset.s32 $0xFFFFF086  }
0x25: {  	[simem:s6], [sflag:s4] =	dma.local [hbm:s3], $0xF7A  }
0x26: {  	[smem:$0x3F9F] =	sst s1;
	(tag) =	ssettag s2;
	_ =	strace s9  }
0x27: {  	s1 =	sld [smem:$0x3FAF]  }
0x28: {  	s2 =	sld [smem:$0x3FB0]  }
0x29: {  	s4 =	sld [smem:$0x3FB2]  }
0x2a: {  	p0 =	seq.s32 s5, $0x0;
	s5 =	sld [smem:$0x3FB3]  }
0x2b: {  	s6 =	sld [smem:$0x3FB4]  }
0x2c: {  	s7 =	sld [smem:$0x3FB5]  }
0x2d: {  	s3 =	simm.s32 $0x108;
	s8 =	sld [smem:$0x3FB6]  }
0x2e: {  	s3 =	simm.s32 @!p0 $0x1082;
	s9 =	sld [smem:$0x3FB7]  }
0x2f: {  	lr =	sadd.s32 s0, s3;
	s0 =	sld [smem:$0x3FAE]  }
0x30: {  	s3 =	sld [smem:$0x3FB1]  }
0x31: {  	[smem:$0x3FBA] =	sst s10  }
0x32: {  	s10 =	sld [smem:$0x3FB8];
	_ =	sdelay $0x3  }
0x33: {  	p0 =	seq.s32 s10, $0x1;
	s10 =	sld [smem:$0x3FBA];
	_ =	sdelay $0x3  }
0x34: {  	[smem:$0x3FBA] =	sst s10  }
0x35: {  	s10 =	sld [smem:$0x3FB9];
	_ =	sdelay $0x3  }
0x36: {  	p1 =	seq.s32 s10, $0x1;
	s10 =	sld [smem:$0x3FBA];
	_ =	sdelay $0x3  }
0x37: {  	[smem:$0x3FBA] =	sst s10  }
0x38: {  	s10 =	sld [smem:$0x3FBB]  }
0x39: {  	_ = 	snop;
	(pc) =	sbr.ind lr, $3  }
0x3a: {  	_ = 	snop  }
0x3b: {  	_ = 	snop  }
0x3c: {  	p2 =	seq.s32 s10, $0x1;
	s10 =	sld [smem:$0x3FBA]  }
0x3d: {  	_ =	shalt  }
0x3e: {  	_ =	shalt  }
0x3f: {  	_ =	shalt  }
0x40: {  	_ =	shalt  }
0x41: {  	_ =	shalt  }
0x42: {  	_ =	shalt  }
0x43: {  	_ =	shalt  }
0x44: {  	_ =	shalt  }
0x45: {  	_ =	shalt  }
0x46: {  	_ =	shalt  }
0x47: {  	_ =	shalt  }
0x48: {  	_ =	shalt  }
0x49: {  	_ =	shalt  }
0x4a: {  	_ =	shalt  }
0x4b: {  	_ =	shalt  }
0x4c: {  	_ =	shalt  }
0x4d: {  	_ =	shalt  }
0x4e: {  	_ =	shalt  }
0x4f: {  	_ =	shalt  }
0x50: {  	_ =	shalt  }
0x51: {  	_ =	shalt  }
0x52: {  	_ =	shalt  }
0x53: {  	_ =	shalt  }
0x54: {  	_ =	shalt  }
0x55: {  	_ =	shalt  }
0x56: {  	_ =	shalt  }
0x57: {  	_ =	shalt  }
0x58: {  	_ =	shalt  }
0x59: {  	_ =	shalt  }
0x5a: {  	_ =	shalt  }
0x5b: {  	_ =	shalt  }
0x5c: {  	_ =	shalt  }
0x5d: {  	_ =	shalt  }
0x5e: {  	_ =	shalt  }
0x5f: {  	_ =	shalt  }
0x60: {  	_ =	shalt  }
0x61: {  	_ =	shalt  }
0x62: {  	_ =	shalt  }
0x63: {  	_ =	shalt  }
0x64: {  	_ =	shalt  }
0x65: {  	_ =	shalt  }
0x66: {  	_ =	shalt  }
0x67: {  	_ =	shalt  }
0x68: {  	_ =	shalt  }
0x69: {  	_ =	shalt  }
0x6a: {  	_ =	shalt  }
0x6b: {  	_ =	shalt  }
0x6c: {  	_ =	shalt  }
0x6d: {  	_ =	shalt  }
0x6e: {  	_ =	shalt  }
0x6f: {  	_ =	shalt  }
0x70: {  	_ =	shalt  }
0x71: {  	_ =	shalt  }
0x72: {  	_ =	shalt  }
0x73: {  	_ =	shalt  }
0x74: {  	_ =	shalt  }
0x75: {  	_ =	shalt  }
0x76: {  	_ =	shalt  }
0x77: {  	_ =	shalt  }
0x78: {  	_ =	shalt  }
0x79: {  	_ =	shalt  }
0x7a: {  	_ =	shalt  }
0x7b: {  	_ =	shalt  }
0x7c: {  	_ =	shalt  }
0x7d: {  	_ =	shalt  }
0x7e: {  	_ =	shalt  }
0x7f: {  	_ =	shalt  }
0x80: {  	_ =	shalt  }
0x81: {  	_ =	shalt  }
0x82: {  	_ =	shalt  }
0x83: {  	_ =	shalt  }
0x84: {  	_ =	shalt  }
0x85: {  	_ =	shalt  }
0x86: {  	_ =	shalt  }
0x87: {  	_ =	shalt  }
.Lfunc_end0:
.L_simem_size_0:
called_computation.1_lowered:
.L_overlay_start_0:
0x88: {  	s2 =	sld [smem:$0x3FD9]  }
0x89: {  	s3 =	sld [smem:$0x3FFE];
	_ =	sdelay $0x1  }
0x8a: {  	s1 =	srdreg.scid  }
0x8b: {  	s0 =	sand.u32 $0x1, s1  }
0x8c: {  	s17 =	sshll.u32 s0, $0xA;
	s2 =	sadd.s32 s3, s2  }
0x8d: {  	s2 =	sadd.s32 s2, s17  }
0x8e: {  	[smem:$0x3FC6] =	sst s2  }
0x8f: {  	_ = 	snop  }
0x90: {  	s2 =	sld [smem:$0x3FD0];
	(tm) =	ssettm $0x1  }
0x91: {  	s18 =	sld [smem:$0x3FFB];
	_ =	sdelay $0x3  }
0x92: {  	_ =	strace s18  }
0x93: {  	s3 =	sld [smem:$0x3FFC];
	_ =	sdelay $0x3  }
0x94: {  	_ =	strace s3  }
0x95: {  	s3 =	sld [smem:$0x3FFD];
	_ =	sdelay $0x3  }
0x96: {  	_ =	strace s3  }
0x97: {  	_ =	strace $0x8FFFFFFF  }
0x98: {  	s19 =	sld [smem:$0x3FDB];
	_ =	sdelay $0x1  }
0x99: {  	s4 =	simm.s32 $_scs_section_size  }
0x9a: {  	s5 =	simm.s32 $_size__tile_overlayer_lowered;
	s6 =	simm.s32 $_tile_overlayer_lowered  }
0x9b: {  	s22 =	simm.s32 $0x1BFF;
	s21 =	sshll.u32 s6, $0x1;
	s3 =	sadd.s32 s4, s19  }
0x9c: {  	s7 =	simm.s32 $0x0;
	s20 =	sshll.u32 s5, $0x1;
	s5 =	sadd.s32 s21, s3  }
0x9d: {  	[timem:s7], [sflag:s22] =	dma.local [hbm:s5], s20  }
0x9e: {  	_ =	swait.ge [sflag:s22], s20  }
0x9f: {  	s4 =	ssub.s32 $0x0, s20;
	[sflag:s22] =	ssyncset.done $0x0  }
0xa0: {  	[sflag:s22] =	ssyncadd.s32 s4;
	_ =	sdelay $0x1  }
0xa1: {  	s23 =	simm.s32 $0x1B8B  }
0xa2: {  	_ =	swait.ge [sflag:s23], $0x1  }
0xa3: {  	[sflag:s23] =	ssyncset.done $0x0  }
0xa4: {  	s25 =	simm.s32 $0x1B8E;
	s24 =	sld [smem:$0x3FFE];
	[sflag:s23] =	ssyncadd.s32 $0xFFFFFFFF  }
0xa5: {  	s26 =	simm.s32 $execute0_lowered;
	[smem:$0x3FD2] =	sst s25  }
0xa6: {  	s5 =	sshll.u32 s26, $0x1;
	_ =	strace $0x80000046;
	[dreg:$0x1] =	wrdreg $0xFFFFFFFF  }
0xa7: {  	s28 =	simm.s32 $_size_execute0_lowered;
	s3 =	sadd.s32 s3, s5;
	[dreg:$0x0] =	wrdreg $0x0  }
0xa8: {  	s5 =	sshll.u32 s28, $0x1;
	[dreg:$0x2] =	wrdreg s3  }
0xa9: {  	[dreg:$0x3] =	wrdreg s5  }
0xaa: {  	[dreg:$0x4] =	wrdreg $0xC0  }
0xab: {  	_ =	task [dreg:s7], $0x5FFFF  }
0xac: {  	[dreg:$0x1] =	wrdreg $0xFFFFFFFF  }
0xad: {  	[dreg:$0x0] =	wrdreg $0x60  }
0xae: {  	[dreg:$0x2] =	wrdreg s24  }
0xaf: {  	[dreg:$0x3] =	wrdreg s2  }
0xb0: {  	[dreg:$0x4] =	wrdreg $0x9  }
0xb1: {  	_ =	task.clear_ibuf [dreg:s7], $0x5FFFF;
	_ =	strace $0x90000046  }
0xb2: {  	s29 =	simm.s32 $0x9;
	_ =	strace $0x80000048  }
0xb3: {  	_ =	swait.ge [sflag:s29], $0x1  }
0xb4: {  	[sflag:s29] =	ssyncadd.s32 $0xFFFFFFFF  }
0xb5: {  	_ =	strace $0x90000048  }
0xb6: {  	_ =	sfence  }
0xb7: {  	s30 =	sld [smem:$0x0];
	_ =	sdelay $0x2  }
0xb8: {  	s31 =	sshll.u32 s1, $0xD;
	s1 =	sshrl.u32 s1, $0x2  }
0xb9: {  	s3 =	sand.u32 $0x4000, s31;
	s1 =	sadd.s32 s1, s30  }
0xba: {  	s0 =	sor.u32 s3, s0;
	s1 =	sshll.u32 s1, $0x11  }
0xbb: {  	s0 =	sor.u32 s1, s0  }
0xbc: {  	s0 =	sadd.s32 $0x8F2B, s0  }
0xbd: {  	[sflag:s0] =	ssyncadd.remote.s32 $0x1  }
0xbe: {  	_ =	sfence.sel $0xFFFF  }
0xbf: {  	[dreg:$0x0] =	wrdreg $0xFFFFFFFF;
	(pc) =	sbr.abs _section_cstart, $3  }
0xc0: {  	[dreg:$0x1] =	wrdreg $0xFFFFFFFF  }
0xc1: {  	_ =	task.clear_ibuf [dreg:s7], $0x2FFFF;
	_ =	strace $0x9FFFFFFF  }
0xc2: {  	(tm) =	ssettm $0x7FFFFFFF  }
0xc3: {  	_ =	shalt  }
tec
execute0_lowered:
.L_overlay_start_1:
0x0: {  	(tag) =	ssettag $0x1  }
0x1: {  	s0 =	srdreg.scid  }
0x2: {  	s2 =	stileid.u32;
	s1 =	sand.u32 $0x1, s0  }
0x3: {  	s2 =	sshll.u32 s2, $0xA;
	s3 =	sshll.u32 s1, $0x9  }
0x4: {  	s3 =	sor.u32 s3, s2  }
0x5: {  	s0 =	rddreg [dreg:$0x0];
	s5 =	sshrl.u32 s3, $0x3  }
0x6: {  	s4 =	rddreg [dreg:$0x1];
	s2 =	simm.s32 $0x0;
	s5 =	sadd.s32 s5, s0  }
0x7: {  	[smem:$0x7FF] =	sst s2;
	s6 =	sadd.s32 $0xA00, s5  }
0x8: {  	_ =	strace $0x80000047;
	s19 =	sadd.s32 $0x1200, s5;
	[dreg:$0x3] =	wrdreg s6  }
0x9: {  	s20 =	sadd.s32 $0x1A00, s5;
	[dreg:$0x4] =	wrdreg s19  }
0xa: {  	s21 =	sadd.s32 $0x2200, s5;
	[dreg:$0x5] =	wrdreg s20  }
0xb: {  	s22 =	sadd.s32 $0x2A00, s5;
	[dreg:$0x6] =	wrdreg s21  }
0xc: {  	s23 =	sadd.s32 $0x3200, s5;
	[dreg:$0x7] =	wrdreg s22  }
0xd: {  	s24 =	sadd.s32 $0x3A00, s5;
	[dreg:$0x8] =	wrdreg s23  }
0xe: {  	s25 =	sadd.s32 $0x4200, s5;
	[dreg:$0x9] =	wrdreg s24  }
0xf: {  	s26 =	sadd.s32 $0x4A00, s5;
	[dreg:$0xa] =	wrdreg s25  }
0x10: {  	s7 =	sadd.s32 $0x5200, s5;
	[dreg:$0xb] =	wrdreg s26  }
0x11: {  	s8 =	sadd.s32 $0x5A00, s5;
	[dreg:$0xc] =	wrdreg s7  }
0x12: {  	s9 =	sadd.s32 $0x6200, s5;
	[dreg:$0xd] =	wrdreg s8  }
0x13: {  	s10 =	sadd.s32 $0x6A00, s5;
	[dreg:$0xe] =	wrdreg s9  }
0x14: {  	s11 =	sadd.s32 $0x7200, s5;
	[dreg:$0xf] =	wrdreg s10  }
0x15: {  	s12 =	sadd.s32 $0x7A00, s5;
	[dreg:$0x10] =	wrdreg s11  }
0x16: {  	s13 =	sadd.s32 $0x8200, s5;
	[dreg:$0x11] =	wrdreg s12  }
0x17: {  	s14 =	sadd.s32 $0x8A00, s5;
	[dreg:$0x12] =	wrdreg s13  }
0x18: {  	s15 =	sadd.s32 $0x9200, s5;
	[dreg:$0x13] =	wrdreg s14  }
0x19: {  	s16 =	sadd.s32 $0x9A00, s5;
	[dreg:$0x14] =	wrdreg s15  }
0x1a: {  	s17 =	sadd.s32 $0xA200, s5;
	[dreg:$0x15] =	wrdreg s16  }
0x1b: {  	s18 =	sadd.s32 $0xAA00, s5;
	[dreg:$0x16] =	wrdreg s17  }
0x1c: {  	[dreg:$0x17] =	wrdreg s18;
	s19 =	sadd.s32 $0xB200, s5  }
0x1d: {  	s20 =	sadd.s32 $0xBA00, s5;
	[dreg:$0x18] =	wrdreg s19  }
0x1e: {  	s21 =	sadd.s32 $0xC200, s5;
	[dreg:$0x19] =	wrdreg s20  }
0x1f: {  	s22 =	sadd.s32 $0xCA00, s5;
	[dreg:$0x1a] =	wrdreg s21  }
0x20: {  	s3 =	sshll.u32 s3, $0x2;
	s5 =	sadd.s32 $0xD200, s5;
	[dreg:$0x1b] =	wrdreg s22  }
0x21: {  	s6 =	sadd.s32 s4, s3;
	[dreg:$0x1c] =	wrdreg s5  }
0x22: {  	s3 =	sadd.s32 $0x10000, s6;
	[smem:$0x7FC] =	sst s6  }
0x23: {  	s23 =	sadd.s32 $0x20000, s6;
	[dreg:$0x1d] =	wrdreg s3  }
0x24: {  	s24 =	sadd.s32 $0x30000, s6;
	[dreg:$0x1e] =	wrdreg s23  }
0x25: {  	s25 =	sadd.s32 $0x40000, s6;
	[dreg:$0x1f] =	wrdreg s24  }
0x26: {  	s26 =	sadd.s32 $0x50000, s6;
	[smem:$0x7E7] =	sst s25  }
0x27: {  	s4 =	sadd.s32 $0x60000, s6;
	[smem:$0x7E8] =	sst s26  }
0x28: {  	s5 =	sadd.s32 $0x70000, s6;
	[smem:$0x7E9] =	sst s4  }
0x29: {  	s7 =	sadd.s32 $0x80000, s6;
	[smem:$0x7EA] =	sst s5  }
0x2a: {  	s8 =	sadd.s32 $0x90000, s6;
	[smem:$0x7EB] =	sst s7  }
0x2b: {  	s9 =	sadd.s32 $0xA0000, s6;
	[smem:$0x7EC] =	sst s8  }
0x2c: {  	s10 =	sadd.s32 $0xB0000, s6;
	[smem:$0x7ED] =	sst s9  }
0x2d: {  	s11 =	sadd.s32 $0xC0000, s6;
	[smem:$0x7EE] =	sst s10  }
0x2e: {  	s12 =	sadd.s32 $0xD0000, s6;
	[smem:$0x7EF] =	sst s11  }
0x2f: {  	s13 =	sadd.s32 $0xE0000, s6;
	[smem:$0x7F0] =	sst s12  }
0x30: {  	s14 =	sadd.s32 $0xF0000, s6;
	[smem:$0x7F1] =	sst s13  }
0x31: {  	s15 =	sadd.s32 $0x100000, s6;
	[smem:$0x7F2] =	sst s14  }
0x32: {  	s16 =	sadd.s32 $0x110000, s6;
	[smem:$0x7F3] =	sst s15  }
0x33: {  	s17 =	sadd.s32 $0x120000, s6;
	[smem:$0x7F4] =	sst s16  }
0x34: {  	p0 =	por $0x0, $0x0;
	s18 =	sadd.s32 $0x130000, s6;
	[smem:$0x7F5] =	sst s17  }
0x35: {  	s31 =	simm.s32 $0xF;
	s19 =	sadd.s32 $0x140000, s6;
	[smem:$0x7F6] =	sst s18  }
0x36: {  	s30 =	simm.s32 $0x3;
	s20 =	sadd.s32 $0x150000, s6;
	[smem:$0x7F7] =	sst s19  }
0x37: {  	s29 =	simm.s32 $0x6;
	s21 =	sadd.s32 $0x160000, s6;
	[smem:$0x7F8] =	sst s20  }
0x38: {  	s1 =	ssub.s32 $0x2, s1;
	s22 =	sadd.s32 $0x170000, s6;
	[smem:$0x7F9] =	sst s21  }
0x39: {  	s28 =	simm.s32 $0x7;
	s23 =	sshrl.u32 s1, $0x1;
	[smem:$0x7FA] =	sst s22  }
0x3a: {  	s24 =	sadd.s32 $0x180000, s6;
	s25 =	sadd.s32 $0x190000, s6;
	s5 =	sadd.s32 $0xF42E00, s0  }
0x3b: {  	s9 =	simm.s32 $0x200;
	s19 =	simm.s32 $0x400;
	s3 =	simm.s32 $0x1A00  }
0x3c: {  	s18 =	simm.s32 $0x3400;
	s15 =	simm.s32 $0x7400;
	s12 =	simm.s32 $0xB400  }
0x3d: {  	s11 =	simm.s32 $0xF400;
	s10 =	simm.s32 $0x13400;
	s1 =	ssub.s32 s1, s23  }
0x3e: {  	s21 =	simm.s32 $0x1;
	s20 =	simm.s32 $0x2;
	s26 =	smax.u32 s1, $0x1  }
0x3f: {  	s8 =	simm.s32 $0x8;
	s7 =	simm.s32 $0x9;
	p1 =	sne.s32 s26, $0x1  }
.Ltmp0:
0x40: {  	s17 =	simm.s32 $0x4;
	s6 =	simm.s32 $0xA;
	(pc) =	sbr.rel @!p1 .LBB2_1-.Ltmp0, $4  }
0x41: {  	s14 =	simm.s32 $0x5;
	s4 =	simm.s32 $0xB;
	s22 =	rddreg [dreg:$0x3]  }
0x42: {  	s16 =	simm.s32 $0xD;
	s13 =	simm.s32 $0xE;
	[smem:$0x7FB] =	sst s24  }
0x43: {  	[smem:$0x7FD] =	sst s25;
	s24 =	simm.s32 $0xA00;
	s25 =	simm.s32 $0x17400  }
0x44: {  	s23 =	simm.s32 $0x1B400;
	s0 =	sadd.s32 $0xFFFFFFFF, s26;
	s26 =	simm.s32 $0xC  }
0x45: {  	[smem:$0x7E6] =	sst s0  }
0x46: {  	[tilespmem:s2], [sflag:$0xF] =	stream.linear.gather [hbm4b:s22+s2], $0x200, $0x38;
	[tilespmem:$0x1F400] =	vst v63  }
0x47: {  	s1 =	rddreg [dreg:$0x4]  }
0x48: {  	[tilespmem:s9], [sflag:$0xF] =	stream.linear.gather [hbm4b:s1+s2], $0x200, $0x38;
	[tilespmem:$0x1F400] =	vst v63  }
0x49: {  	s8 =	rddreg [dreg:$0x5]  }
0x4a: {  	[tilespmem:s19], [sflag:$0xF] =	stream.linear.gather [hbm4b:s8+s2], $0x200, $0x38;
	[tilespmem:$0x1F400] =	vst v63  }
0x4b: {  	s10 =	rddreg [dreg:$0x6];
	s16 =	simm.s32 $0x600  }
0x4c: {  	[tilespmem:s16], [sflag:$0xF] =	stream.linear.gather [hbm4b:s10+s2], $0x200, $0x38;
	[tilespmem:$0x1F400] =	vst v63  }
0x4d: {  	s11 =	rddreg [dreg:$0x7];
	s20 =	simm.s32 $0x800  }
0x4e: {  	[tilespmem:s20], [sflag:$0xF] =	stream.linear.gather [hbm4b:s11+s2], $0x200, $0x38;
	[tilespmem:$0x1F400] =	vst v63  }
0x4f: {  	s12 =	rddreg [dreg:$0x8]  }
0x50: {  	[tilespmem:s24], [sflag:$0xF] =	stream.linear.gather [hbm4b:s12+s2], $0x200, $0x38;
	[tilespmem:$0x1F400] =	vst v63  }
0x51: {  	s13 =	rddreg [dreg:$0x9];
	s17 =	simm.s32 $0xC00  }
0x52: {  	[tilespmem:s17], [sflag:$0xF] =	stream.linear.gather [hbm4b:s13+s2], $0x200, $0x38;
	[tilespmem:$0x1F400] =	vst v63  }
0x53: {  	s14 =	rddreg [dreg:$0xa];
	s30 =	simm.s32 $0xE00  }
0x54: {  	[tilespmem:s30], [sflag:$0xF] =	stream.linear.gather [hbm4b:s14+s2], $0x200, $0x38;
	[tilespmem:$0x1F400] =	vst v63  }
0x55: {  	s15 =	rddreg [dreg:$0xb];
	s23 =	simm.s32 $0x1000  }
0x56: {  	[tilespmem:s23], [sflag:$0xF] =	stream.linear.gather [hbm4b:s15+s2], $0x200, $0x38;
	[tilespmem:$0x1F400] =	vst v63  }
0x57: {  	s18 =	rddreg [dreg:$0xc];
	s8 =	simm.s32 $0x1200  }
0x58: {  	[tilespmem:s8], [sflag:$0xF] =	stream.linear.gather [hbm4b:s18+s2], $0x200, $0x38;
	[tilespmem:$0x1F400] =	vst v63  }
0x59: {  	s25 =	rddreg [dreg:$0xd];
	s11 =	simm.s32 $0x1400  }
0x5a: {  	[tilespmem:s11], [sflag:$0xF] =	stream.linear.gather [hbm4b:s25+s2], $0x200, $0x38;
	[tilespmem:$0x1F400] =	vst v63  }
0x5b: {  	s26 =	rddreg [dreg:$0xe];
	s10 =	simm.s32 $0x1600  }
0x5c: {  	[tilespmem:s10], [sflag:$0xF] =	stream.linear.gather [hbm4b:s26+s2], $0x200, $0x38;
	[tilespmem:$0x1F400] =	vst v63  }
0x5d: {  	s12 =	rddreg [dreg:$0xf];
	s15 =	simm.s32 $0x1800  }
0x5e: {  	[tilespmem:s15], [sflag:$0xF] =	stream.linear.gather [hbm4b:s12+s2], $0x200, $0x38;
	[tilespmem:$0x1F400] =	vst v63  }
0x5f: {  	s13 =	rddreg [dreg:$0x10]  }
0x60: {  	[tilespmem:s3], [sflag:$0xF] =	stream.linear.gather [hbm4b:s13+s2], $0x200, $0x38;
	[tilespmem:$0x1F400] =	vst v63  }
0x61: {  	s18 =	rddreg [dreg:$0x11];
	s25 =	simm.s32 $0x1C00  }
0x62: {  	[tilespmem:s25], [sflag:$0xF] =	stream.linear.gather [hbm4b:s18+s2], $0x200, $0x38;
	[tilespmem:$0x1F400] =	vst v63  }
0x63: {  	s0 =	rddreg [dreg:$0x12];
	s26 =	simm.s32 $0x1E00  }
0x64: {  	[tilespmem:s26], [sflag:$0xF] =	stream.linear.gather [hbm4b:s0+s2], $0x200, $0x38;
	[tilespmem:$0x1F400] =	vst v63  }
0x65: {  	s22 =	rddreg [dreg:$0x13];
	s26 =	simm.s32 $0x2000  }
0x66: {  	[tilespmem:s26], [sflag:$0xF] =	stream.linear.gather [hbm4b:s22+s2], $0x200, $0x38;
	[tilespmem:$0x1F400] =	vst v63  }
0x67: {  	s0 =	rddreg [dreg:$0x14];
	s26 =	simm.s32 $0x2200  }
0x68: {  	[tilespmem:s26], [sflag:$0xF] =	stream.linear.gather [hbm4b:s0+s2], $0x200, $0x38;
	[tilespmem:$0x1F400] =	vst v63  }
0x69: {  	s22 =	rddreg [dreg:$0x15];
	s26 =	simm.s32 $0x2400  }
0x6a: {  	[tilespmem:s26], [sflag:$0xF] =	stream.linear.gather [hbm4b:s22+s2], $0x200, $0x38;
	[tilespmem:$0x1F400] =	vst v63  }
0x6b: {  	s0 =	rddreg [dreg:$0x16];
	s26 =	simm.s32 $0x2600  }
0x6c: {  	[tilespmem:s26], [sflag:$0xF] =	stream.linear.gather [hbm4b:s0+s2], $0x200, $0x38;
	[tilespmem:$0x1F400] =	vst v63  }
0x6d: {  	s22 =	rddreg [dreg:$0x17];
	s26 =	simm.s32 $0x2800  }
0x6e: {  	[tilespmem:s26], [sflag:$0xF] =	stream.linear.gather [hbm4b:s22+s2], $0x200, $0x38;
	[tilespmem:$0x1F400] =	vst v63  }
0x6f: {  	s0 =	rddreg [dreg:$0x18];
	s26 =	simm.s32 $0x2A00  }
0x70: {  	[tilespmem:s26], [sflag:$0xF] =	stream.linear.gather [hbm4b:s0+s2], $0x200, $0x38;
	[tilespmem:$0x1F400] =	vst v63  }
0x71: {  	s4 =	simm.s32 $0x2C00;
	s22 =	rddreg [dreg:$0x19]  }
0x72: {  	[tilespmem:s4], [sflag:$0xF] =	stream.linear.gather [hbm4b:s22+s2], $0x200, $0x38;
	[tilespmem:$0x1F400] =	vst v63  }
0x73: {  	s6 =	simm.s32 $0x2E00;
	s26 =	rddreg [dreg:$0x1a]  }
0x74: {  	[tilespmem:s6], [sflag:$0xF] =	stream.linear.gather [hbm4b:s26+s2], $0x200, $0x38;
	[tilespmem:$0x1F400] =	vst v63  }
0x75: {  	s7 =	simm.s32 $0x3000;
	s4 =	rddreg [dreg:$0x1b]  }
0x76: {  	[tilespmem:s7], [sflag:$0xF] =	stream.linear.gather [hbm4b:s4+s2], $0x200, $0x38;
	[tilespmem:$0x1F400] =	vst v63  }
0x77: {  	s1 =	simm.s32 $0x3200;
	s6 =	rddreg [dreg:$0x1c]  }
0x78: {  	[tilespmem:s1], [sflag:$0xF] =	stream.linear.gather [hbm4b:s6+s2], $0x200, $0x38;
	[tilespmem:$0x1F400] =	vst v63  }
0x79: {  	_ =	swait.ge [sflag:s31], $0x200  }
0x7a: {  	[sflag:s31] =	ssyncset.done $0x0  }
0x7b: {  	[sflag:s31] =	ssyncadd.s32 $0xFFFFFE00  }
0x7c: {  	_ =	swait.ge [sflag:s31], $0x200  }
0x7d: {  	[sflag:s31] =	ssyncset.done $0x0  }
0x7e: {  	[sflag:s31] =	ssyncadd.s32 $0xFFFFFE00  }
0x7f: {  	_ =	swait.ge [sflag:s31], $0x200  }
0x80: {  	[sflag:s31] =	ssyncset.done $0x0  }
0x81: {  	[sflag:s31] =	ssyncadd.s32 $0xFFFFFE00  }
0x82: {  	_ =	swait.ge [sflag:s31], $0x200  }
0x83: {  	[sflag:s31] =	ssyncset.done $0x0  }
0x84: {  	[sflag:s31] =	ssyncadd.s32 $0xFFFFFE00  }
0x85: {  	_ =	swait.ge [sflag:s31], $0x200  }
0x86: {  	[sflag:s31] =	ssyncset.done $0x0  }
0x87: {  	[sflag:s31] =	ssyncadd.s32 $0xFFFFFE00  }
0x88: {  	_ =	swait.ge [sflag:s31], $0x200  }
0x89: {  	[sflag:s31] =	ssyncset.done $0x0  }
0x8a: {  	[sflag:s31] =	ssyncadd.s32 $0xFFFFFE00  }
0x8b: {  	_ =	swait.ge [sflag:s31], $0x200  }
0x8c: {  	[sflag:s31] =	ssyncset.done $0x0  }
0x8d: {  	[sflag:s31] =	ssyncadd.s32 $0xFFFFFE00  }
0x8e: {  	_ =	swait.ge [sflag:s31], $0x200  }
0x8f: {  	[sflag:s31] =	ssyncset.done $0x0  }
0x90: {  	[sflag:s31] =	ssyncadd.s32 $0xFFFFFE00  }
0x91: {  	_ =	swait.ge [sflag:s31], $0x200  }
0x92: {  	[sflag:s31] =	ssyncset.done $0x0  }
0x93: {  	[sflag:s31] =	ssyncadd.s32 $0xFFFFFE00  }
0x94: {  	_ =	swait.ge [sflag:s31], $0x200  }
0x95: {  	[sflag:s31] =	ssyncset.done $0x0  }
0x96: {  	[sflag:s31] =	ssyncadd.s32 $0xFFFFFE00  }
0x97: {  	_ =	swait.ge [sflag:s31], $0x200  }
0x98: {  	[sflag:s31] =	ssyncset.done $0x0  }
0x99: {  	[sflag:s31] =	ssyncadd.s32 $0xFFFFFE00  }
0x9a: {  	_ =	swait.ge [sflag:s31], $0x200  }
0x9b: {  	[sflag:s31] =	ssyncset.done $0x0  }
0x9c: {  	[sflag:s31] =	ssyncadd.s32 $0xFFFFFE00  }
0x9d: {  	_ =	swait.ge [sflag:s31], $0x200  }
0x9e: {  	[sflag:s31] =	ssyncset.done $0x0  }
0x9f: {  	[sflag:s31] =	ssyncadd.s32 $0xFFFFFE00  }
0xa0: {  	_ =	swait.ge [sflag:s31], $0x200  }
0xa1: {  	[sflag:s31] =	ssyncset.done $0x0  }
0xa2: {  	[sflag:s31] =	ssyncadd.s32 $0xFFFFFE00  }
0xa3: {  	_ =	swait.ge [sflag:s31], $0x200  }
0xa4: {  	[sflag:s31] =	ssyncset.done $0x0  }
0xa5: {  	[sflag:s31] =	ssyncadd.s32 $0xFFFFFE00  }
0xa6: {  	_ =	swait.ge [sflag:s31], $0x200  }
0xa7: {  	[sflag:s31] =	ssyncset.done $0x0  }
0xa8: {  	[sflag:s31] =	ssyncadd.s32 $0xFFFFFE00  }
0xa9: {  	_ =	swait.ge [sflag:s31], $0x200  }
0xaa: {  	[sflag:s31] =	ssyncset.done $0x0  }
0xab: {  	[sflag:s31] =	ssyncadd.s32 $0xFFFFFE00  }
0xac: {  	_ =	swait.ge [sflag:s31], $0x200  }
0xad: {  	[sflag:s31] =	ssyncset.done $0x0  }
0xae: {  	[sflag:s31] =	ssyncadd.s32 $0xFFFFFE00  }
0xaf: {  	_ =	swait.ge [sflag:s31], $0x200  }
0xb0: {  	[sflag:s31] =	ssyncset.done $0x0  }
0xb1: {  	[sflag:s31] =	ssyncadd.s32 $0xFFFFFE00  }
0xb2: {  	_ =	swait.ge [sflag:s31], $0x200  }
0xb3: {  	[sflag:s31] =	ssyncset.done $0x0  }
0xb4: {  	[sflag:s31] =	ssyncadd.s32 $0xFFFFFE00  }
0xb5: {  	_ =	swait.ge [sflag:s31], $0x200  }
0xb6: {  	[sflag:s31] =	ssyncset.done $0x0  }
0xb7: {  	[sflag:s31] =	ssyncadd.s32 $0xFFFFFE00  }
0xb8: {  	_ =	swait.ge [sflag:s31], $0x200  }
0xb9: {  	[sflag:s31] =	ssyncset.done $0x0  }
0xba: {  	[sflag:s31] =	ssyncadd.s32 $0xFFFFFE00  }
0xbb: {  	_ =	swait.ge [sflag:s31], $0x200  }
0xbc: {  	[sflag:s31] =	ssyncset.done $0x0  }
0xbd: {  	[sflag:s31] =	ssyncadd.s32 $0xFFFFFE00  }
0xbe: {  	_ =	swait.ge [sflag:s31], $0x200  }
0xbf: {  	[sflag:s31] =	ssyncset.done $0x0  }
0xc0: {  	[sflag:s31] =	ssyncadd.s32 $0xFFFFFE00  }
0xc1: {  	_ =	swait.ge [sflag:s31], $0x200  }
0xc2: {  	[sflag:s31] =	ssyncset.done $0x0  }
0xc3: {  	[sflag:s31] =	ssyncadd.s32 $0xFFFFFE00  }
0xc4: {  	_ =	swait.ge [sflag:s31], $0x200  }
0xc5: {  	[sflag:s31] =	ssyncset.done $0x0  }
0xc6: {  	s13 =	simm.s32 $0x3400;
	[sflag:s31] =	ssyncadd.s32 $0xFFFFFE00  }
0xc7: {  	[tilespmem:s13], [sflag:$0x1] =	stream.indirect.gather [hbm4b:s5+s9], $0x20, s2, s9, $0xb8;
	[tilespmem:$0x1F400] =	vst v63  }
0xc8: {  	s18 =	simm.s32 $0x7400  }
0xc9: {  	[tilespmem:s18], [sflag:$0x2] =	stream.indirect.gather [hbm4b:s5+s9], $0x20, s9, s9, $0xb8;
	[tilespmem:$0x1F400] =	vst v63  }
0xca: {  	s15 =	simm.s32 $0xB400  }
0xcb: {  	[tilespmem:s15], [sflag:$0x3] =	stream.indirect.gather [hbm4b:s5+s9], $0x20, s19, s9, $0xb8;
	[tilespmem:$0x1F400] =	vst v63  }
0xcc: {  	s12 =	simm.s32 $0xF400  }
0xcd: {  	[tilespmem:s12], [sflag:$0x4] =	stream.indirect.gather [hbm4b:s5+s9], $0x20, s16, s9, $0xb8;
	[tilespmem:$0x1F400] =	vst v63  }
0xce: {  	s11 =	simm.s32 $0x13400  }
0xcf: {  	[tilespmem:s11], [sflag:$0x5] =	stream.indirect.gather [hbm4b:s5+s9], $0x20, s20, s9, $0xb8;
	[tilespmem:$0x1F400] =	vst v63  }
0xd0: {  	s10 =	simm.s32 $0x17400;
	s19 =	simm.s32 $0xA00  }
0xd1: {  	[tilespmem:s10], [sflag:$0x6] =	stream.indirect.gather [hbm4b:s5+s9], $0x20, s19, s9, $0xb8;
	[tilespmem:$0x1F400] =	vst v63  }
0xd2: {  	_ =	swait.ge [sflag:s21], $0x4000  }
0xd3: {  	s26 =	sld [smem:$0x7FC]  }
0xd4: {  	[sflag:s21] =	ssyncset.done $0x0  }
0xd5: {  	[sflag:s21] =	ssyncadd.s32 $0xFFFFC000  }
0xd6: {  	[hbm4b:s26+s2] =	stream.linear.scatter [tilespmem:s13], [sflag:$0x8], $0x4000, $0x38;
	[tilespmem:$0x1F400] =	vst v63  }
0xd7: {  	s25 =	simm.s32 $0x1B400;
	s20 =	simm.s32 $0x2  }
0xd8: {  	[tilespmem:s25], [sflag:$0x7] =	stream.indirect.gather [hbm4b:s5+s9], $0x20, s17, s9, $0xb8;
	[tilespmem:$0x1F400] =	vst v63  }
0xd9: {  	_ =	swait.ge [sflag:s20], $0x4000  }
0xda: {  	[sflag:s20] =	ssyncset.done $0x0  }
0xdb: {  	s14 =	simm.s32 $0x8;
	s4 =	rddreg [dreg:$0x1d];
	[sflag:s20] =	ssyncadd.s32 $0xFFFFC000  }
0xdc: {  	[hbm4b:s4+s2] =	stream.linear.scatter [tilespmem:s18], [sflag:$0x9], $0x4000, $0x38;
	[tilespmem:$0x1F400] =	vst v63  }
0xdd: {  	_ =	swait.ge [sflag:s14], $0x4000  }
0xde: {  	[sflag:s14] =	ssyncset.done $0x0  }
0xdf: {  	[sflag:s14] =	ssyncadd.s32 $0xFFFFC000  }
0xe0: {  	[tilespmem:s13], [sflag:$0x1] =	stream.indirect.gather [hbm4b:s5+s9], $0x20, s30, s9, $0xb8;
	[tilespmem:$0x1F400] =	vst v63  }
0xe1: {  	s30 =	simm.s32 $0x3  }
0xe2: {  	_ =	swait.ge [sflag:s30], $0x4000  }
0xe3: {  	[sflag:s30] =	ssyncset.done $0x0  }
0xe4: {  	s8 =	simm.s32 $0x9;
	s7 =	rddreg [dreg:$0x1e];
	[sflag:s30] =	ssyncadd.s32 $0xFFFFC000  }
0xe5: {  	[hbm4b:s7+s2] =	stream.linear.scatter [tilespmem:s15], [sflag:$0xA], $0x4000, $0x38;
	[tilespmem:$0x1F400] =	vst v63  }
0xe6: {  	_ =	swait.ge [sflag:s8], $0x4000  }
0xe7: {  	[sflag:s8] =	ssyncset.done $0x0  }
0xe8: {  	s24 =	simm.s32 $0x4;
	[sflag:s8] =	ssyncadd.s32 $0xFFFFC000  }
0xe9: {  	[tilespmem:s18], [sflag:$0x2] =	stream.indirect.gather [hbm4b:s5+s9], $0x20, s23, s9, $0xb8;
	[tilespmem:$0x1F400] =	vst v63  }
0xea: {  	_ =	swait.ge [sflag:s24], $0x4000  }
0xeb: {  	[sflag:s24] =	ssyncset.done $0x0  }
0xec: {  	s6 =	simm.s32 $0xA;
	s16 =	rddreg [dreg:$0x1f];
	[sflag:s24] =	ssyncadd.s32 $0xFFFFC000  }
0xed: {  	[hbm4b:s16+s2] =	stream.linear.scatter [tilespmem:s12], [sflag:$0xB], $0x4000, $0x38;
	[tilespmem:$0x1F400] =	vst v63  }
0xee: {  	_ =	swait.ge [sflag:s6], $0x4000  }
0xef: {  	[sflag:s6] =	ssyncset.done $0x0  }
0xf0: {  	s17 =	simm.s32 $0x1200;
	s14 =	simm.s32 $0x5;
	[sflag:s6] =	ssyncadd.s32 $0xFFFFC000  }
0xf1: {  	[tilespmem:s15], [sflag:$0x3] =	stream.indirect.gather [hbm4b:s5+s9], $0x20, s17, s9, $0xb8;
	[tilespmem:$0x1F400] =	vst v63  }
0xf2: {  	_ =	swait.ge [sflag:s14], $0x4000  }
0xf3: {  	s19 =	sld [smem:$0x7E7]  }
0xf4: {  	[sflag:s14] =	ssyncset.done $0x0  }
0xf5: {  	s4 =	simm.s32 $0xB;
	[sflag:s14] =	ssyncadd.s32 $0xFFFFC000  }
0xf6: {  	[hbm4b:s19+s2] =	stream.linear.scatter [tilespmem:s11], [sflag:$0xC], $0x4000, $0x38;
	[tilespmem:$0x1F400] =	vst v63  }
0xf7: {  	_ =	swait.ge [sflag:s4], $0x4000  }
0xf8: {  	[sflag:s4] =	ssyncset.done $0x0  }
0xf9: {  	s3 =	simm.s32 $0x6;
	s23 =	simm.s32 $0x1400;
	[sflag:s4] =	ssyncadd.s32 $0xFFFFC000  }
0xfa: {  	[tilespmem:s12], [sflag:$0x4] =	stream.indirect.gather [hbm4b:s5+s9], $0x20, s23, s9, $0xb8;
	[tilespmem:$0x1F400] =	vst v63  }
0xfb: {  	_ =	swait.ge [sflag:s3], $0x4000  }
0xfc: {  	s24 =	sld [smem:$0x7E8]  }
0xfd: {  	[sflag:s3] =	ssyncset.done $0x0  }
0xfe: {  	s26 =	simm.s32 $0xC;
	[sflag:s3] =	ssyncadd.s32 $0xFFFFC000  }
0xff: {  	[hbm4b:s24+s2] =	stream.linear.scatter [tilespmem:s10], [sflag:$0xD], $0x4000, $0x38;
	[tilespmem:$0x1F400] =	vst v63  }
0x100: {  	_ =	swait.ge [sflag:s26], $0x4000  }
0x101: {  	[sflag:s26] =	ssyncset.done $0x0  }
0x102: {  	s29 =	simm.s32 $0x7;
	s7 =	simm.s32 $0x1600;
	[sflag:s26] =	ssyncadd.s32 $0xFFFFC000  }
0x103: {  	[tilespmem:s11], [sflag:$0x5] =	stream.indirect.gather [hbm4b:s5+s9], $0x20, s7, s9, $0xb8;
	[tilespmem:$0x1F400] =	vst v63  }
0x104: {  	_ =	swait.ge [sflag:s29], $0x4000  }
0x105: {  	s16 =	sld [smem:$0x7E9]  }
0x106: {  	[sflag:s29] =	ssyncset.done $0x0  }
0x107: {  	s28 =	simm.s32 $0xD;
	[sflag:s29] =	ssyncadd.s32 $0xFFFFC000  }
0x108: {  	[hbm4b:s16+s2] =	stream.linear.scatter [tilespmem:s25], [sflag:$0xE], $0x4000, $0x38;
	[tilespmem:$0x1F400] =	vst v63  }
0x109: {  	_ =	swait.ge [sflag:s28], $0x4000  }
0x10a: {  	[sflag:s28] =	ssyncset.done $0x0  }
0x10b: {  	s19 =	simm.s32 $0x1800;
	[sflag:s28] =	ssyncadd.s32 $0xFFFFC000  }
0x10c: {  	[tilespmem:s10], [sflag:$0x6] =	stream.indirect.gather [hbm4b:s5+s9], $0x20, s19, s9, $0xb8;
	[tilespmem:$0x1F400] =	vst v63  }
0x10d: {  	_ =	swait.ge [sflag:s21], $0x4000  }
0x10e: {  	s23 =	sld [smem:$0x7EA]  }
0x10f: {  	[sflag:s21] =	ssyncset.done $0x0  }
0x110: {  	s13 =	simm.s32 $0xE;
	s18 =	simm.s32 $0x3400;
	[sflag:s21] =	ssyncadd.s32 $0xFFFFC000  }
0x111: {  	[hbm4b:s23+s2] =	stream.linear.scatter [tilespmem:s18], [sflag:$0x8], $0x4000, $0x38;
	[tilespmem:$0x1F400] =	vst v63  }
0x112: {  	_ =	swait.ge [sflag:s13], $0x4000  }
0x113: {  	[sflag:s13] =	ssyncset.done $0x0  }
0x114: {  	s24 =	simm.s32 $0x1A00;
	[sflag:s13] =	ssyncadd.s32 $0xFFFFC000  }
0x115: {  	[tilespmem:s25], [sflag:$0x7] =	stream.indirect.gather [hbm4b:s5+s9], $0x20, s24, s9, $0xb8;
	[tilespmem:$0x1F400] =	vst v63  }
0x116: {  	_ =	swait.ge [sflag:s20], $0x4000  }
0x117: {  	s16 =	sld [smem:$0x7EB]  }
0x118: {  	[sflag:s20] =	ssyncset.done $0x0  }
0x119: {  	s8 =	simm.s32 $0x8;
	s15 =	simm.s32 $0x7400;
	[sflag:s20] =	ssyncadd.s32 $0xFFFFC000  }
0x11a: {  	[hbm4b:s16+s2] =	stream.linear.scatter [tilespmem:s15], [sflag:$0x9], $0x4000, $0x38;
	[tilespmem:$0x1F400] =	vst v63  }
0x11b: {  	_ =	swait.ge [sflag:s8], $0x4000  }
0x11c: {  	[sflag:s8] =	ssyncset.done $0x0  }
0x11d: {  	s19 =	simm.s32 $0x1C00;
	[sflag:s8] =	ssyncadd.s32 $0xFFFFC000  }
0x11e: {  	[tilespmem:s18], [sflag:$0x1] =	stream.indirect.gather [hbm4b:s5+s9], $0x20, s19, s9, $0xb8;
	[tilespmem:$0x1F400] =	vst v63  }
0x11f: {  	_ =	swait.ge [sflag:s30], $0x4000  }
0x120: {  	s23 =	sld [smem:$0x7EC]  }
0x121: {  	[sflag:s30] =	ssyncset.done $0x0  }
0x122: {  	s12 =	simm.s32 $0xB400;
	s7 =	simm.s32 $0x9;
	[sflag:s30] =	ssyncadd.s32 $0xFFFFC000  }
0x123: {  	[hbm4b:s23+s2] =	stream.linear.scatter [tilespmem:s12], [sflag:$0xA], $0x4000, $0x38;
	[tilespmem:$0x1F400] =	vst v63  }
0x124: {  	_ =	swait.ge [sflag:s7], $0x4000  }
0x125: {  	[sflag:s7] =	ssyncset.done $0x0  }
0x126: {  	s17 =	simm.s32 $0x4;
	s24 =	simm.s32 $0x1E00;
	[sflag:s7] =	ssyncadd.s32 $0xFFFFC000  }
0x127: {  	[tilespmem:s15], [sflag:$0x2] =	stream.indirect.gather [hbm4b:s5+s9], $0x20, s24, s9, $0xb8;
	[tilespmem:$0x1F400] =	vst v63  }
0x128: {  	_ =	swait.ge [sflag:s17], $0x4000  }
0x129: {  	s16 =	sld [smem:$0x7ED]  }
0x12a: {  	[sflag:s17] =	ssyncset.done $0x0  }
0x12b: {  	s11 =	simm.s32 $0xF400;
	[sflag:s17] =	ssyncadd.s32 $0xFFFFC000  }
0x12c: {  	[hbm4b:s16+s2] =	stream.linear.scatter [tilespmem:s11], [sflag:$0xB], $0x4000, $0x38;
	[tilespmem:$0x1F400] =	vst v63  }
0x12d: {  	_ =	swait.ge [sflag:s6], $0x4000  }
0x12e: {  	[sflag:s6] =	ssyncset.done $0x0  }
0x12f: {  	s19 =	simm.s32 $0x2000;
	[sflag:s6] =	ssyncadd.s32 $0xFFFFC000  }
0x130: {  	[tilespmem:s12], [sflag:$0x3] =	stream.indirect.gather [hbm4b:s5+s9], $0x20, s19, s9, $0xb8;
	[tilespmem:$0x1F400] =	vst v63  }
0x131: {  	_ =	swait.ge [sflag:s14], $0x4000  }
0x132: {  	s24 =	sld [smem:$0x7EE]  }
0x133: {  	[sflag:s14] =	ssyncset.done $0x0  }
0x134: {  	s10 =	simm.s32 $0x13400;
	[sflag:s14] =	ssyncadd.s32 $0xFFFFC000  }
0x135: {  	[hbm4b:s24+s2] =	stream.linear.scatter [tilespmem:s10], [sflag:$0xC], $0x4000, $0x38;
	[tilespmem:$0x1F400] =	vst v63  }
0x136: {  	_ =	swait.ge [sflag:s4], $0x4000  }
0x137: {  	[sflag:s4] =	ssyncset.done $0x0  }
0x138: {  	s16 =	simm.s32 $0x2200;
	[sflag:s4] =	ssyncadd.s32 $0xFFFFC000  }
0x139: {  	[tilespmem:s11], [sflag:$0x4] =	stream.indirect.gather [hbm4b:s5+s9], $0x20, s16, s9, $0xb8;
	[tilespmem:$0x1F400] =	vst v63  }
0x13a: {  	_ =	swait.ge [sflag:s3], $0x4000  }
0x13b: {  	s19 =	sld [smem:$0x7EF]  }
0x13c: {  	[sflag:s3] =	ssyncset.done $0x0  }
0x13d: {  	s25 =	simm.s32 $0x17400;
	[sflag:s3] =	ssyncadd.s32 $0xFFFFC000  }
0x13e: {  	[hbm4b:s19+s2] =	stream.linear.scatter [tilespmem:s25], [sflag:$0xD], $0x4000, $0x38;
	[tilespmem:$0x1F400] =	vst v63  }
0x13f: {  	_ =	swait.ge [sflag:s26], $0x4000  }
0x140: {  	[sflag:s26] =	ssyncset.done $0x0  }
0x141: {  	s24 =	simm.s32 $0x2400;
	[sflag:s26] =	ssyncadd.s32 $0xFFFFC000  }
0x142: {  	[tilespmem:s10], [sflag:$0x5] =	stream.indirect.gather [hbm4b:s5+s9], $0x20, s24, s9, $0xb8;
	[tilespmem:$0x1F400] =	vst v63  }
0x143: {  	_ =	swait.ge [sflag:s29], $0x4000  }
0x144: {  	s3 =	sld [smem:$0x7F0]  }
0x145: {  	[sflag:s29] =	ssyncset.done $0x0  }
0x146: {  	s23 =	simm.s32 $0x1B400;
	[sflag:s29] =	ssyncadd.s32 $0xFFFFC000  }
0x147: {  	[hbm4b:s3+s2] =	stream.linear.scatter [tilespmem:s23], [sflag:$0xE], $0x4000, $0x38;
	[tilespmem:$0x1F400] =	vst v63  }
0x148: {  	_ =	swait.ge [sflag:s28], $0x4000  }
0x149: {  	[sflag:s28] =	ssyncset.done $0x0  }
0x14a: {  	s16 =	simm.s32 $0x2600;
	[sflag:s28] =	ssyncadd.s32 $0xFFFFC000  }
0x14b: {  	[tilespmem:s25], [sflag:$0x6] =	stream.indirect.gather [hbm4b:s5+s9], $0x20, s16, s9, $0xb8;
	[tilespmem:$0x1F400] =	vst v63  }
0x14c: {  	_ =	swait.ge [sflag:s21], $0x4000  }
0x14d: {  	s19 =	sld [smem:$0x7F1]  }
0x14e: {  	[sflag:s21] =	ssyncset.done $0x0  }
0x14f: {  	[sflag:s21] =	ssyncadd.s32 $0xFFFFC000  }
0x150: {  	[hbm4b:s19+s2] =	stream.linear.scatter [tilespmem:s18], [sflag:$0x8], $0x4000, $0x38;
	[tilespmem:$0x1F400] =	vst v63  }
0x151: {  	_ =	swait.ge [sflag:s13], $0x4000  }
0x152: {  	[sflag:s13] =	ssyncset.done $0x0  }
0x153: {  	s24 =	simm.s32 $0x2800;
	[sflag:s13] =	ssyncadd.s32 $0xFFFFC000  }
0x154: {  	[tilespmem:s23], [sflag:$0x7] =	stream.indirect.gather [hbm4b:s5+s9], $0x20, s24, s9, $0xb8;
	[tilespmem:$0x1F400] =	vst v63  }
0x155: {  	_ =	swait.ge [sflag:s20], $0x4000  }
0x156: {  	s3 =	sld [smem:$0x7F2]  }
0x157: {  	[sflag:s20] =	ssyncset.done $0x0  }
0x158: {  	[sflag:s20] =	ssyncadd.s32 $0xFFFFC000  }
0x159: {  	[hbm4b:s3+s2] =	stream.linear.scatter [tilespmem:s15], [sflag:$0x9], $0x4000, $0x38;
	[tilespmem:$0x1F400] =	vst v63  }
0x15a: {  	_ =	swait.ge [sflag:s8], $0x4000  }
0x15b: {  	[sflag:s8] =	ssyncset.done $0x0  }
0x15c: {  	s19 =	simm.s32 $0x2A00;
	[sflag:s8] =	ssyncadd.s32 $0xFFFFC000  }
0x15d: {  	[tilespmem:s18], [sflag:$0x1] =	stream.indirect.gather [hbm4b:s5+s9], $0x20, s19, s9, $0xb8;
	[tilespmem:$0x1F400] =	vst v63  }
0x15e: {  	_ =	swait.ge [sflag:s30], $0x4000  }
0x15f: {  	s24 =	sld [smem:$0x7F3]  }
0x160: {  	[sflag:s30] =	ssyncset.done $0x0  }
0x161: {  	[sflag:s30] =	ssyncadd.s32 $0xFFFFC000  }
0x162: {  	[hbm4b:s24+s2] =	stream.linear.scatter [tilespmem:s12], [sflag:$0xA], $0x4000, $0x38;
	[tilespmem:$0x1F400] =	vst v63  }
0x163: {  	_ =	swait.ge [sflag:s7], $0x4000  }
0x164: {  	[sflag:s7] =	ssyncset.done $0x0  }
0x165: {  	s3 =	simm.s32 $0x2C00;
	[sflag:s7] =	ssyncadd.s32 $0xFFFFC000  }
0x166: {  	[tilespmem:s15], [sflag:$0x2] =	stream.indirect.gather [hbm4b:s5+s9], $0x20, s3, s9, $0xb8;
	[tilespmem:$0x1F400] =	vst v63  }
0x167: {  	_ =	swait.ge [sflag:s17], $0x4000  }
0x168: {  	s19 =	sld [smem:$0x7F4]  }
0x169: {  	[sflag:s17] =	ssyncset.done $0x0  }
0x16a: {  	[sflag:s17] =	ssyncadd.s32 $0xFFFFC000  }
0x16b: {  	[hbm4b:s19+s2] =	stream.linear.scatter [tilespmem:s11], [sflag:$0xB], $0x4000, $0x38;
	[tilespmem:$0x1F400] =	vst v63  }
0x16c: {  	_ =	swait.ge [sflag:s6], $0x4000  }
0x16d: {  	[sflag:s6] =	ssyncset.done $0x0  }
0x16e: {  	s24 =	simm.s32 $0x2E00;
	[sflag:s6] =	ssyncadd.s32 $0xFFFFC000  }
0x16f: {  	[tilespmem:s12], [sflag:$0x3] =	stream.indirect.gather [hbm4b:s5+s9], $0x20, s24, s9, $0xb8;
	[tilespmem:$0x1F400] =	vst v63  }
0x170: {  	_ =	swait.ge [sflag:s14], $0x4000  }
0x171: {  	s3 =	sld [smem:$0x7F5]  }
0x172: {  	[sflag:s14] =	ssyncset.done $0x0  }
0x173: {  	[sflag:s14] =	ssyncadd.s32 $0xFFFFC000  }
0x174: {  	[hbm4b:s3+s2] =	stream.linear.scatter [tilespmem:s10], [sflag:$0xC], $0x4000, $0x38;
	[tilespmem:$0x1F400] =	vst v63  }
0x175: {  	_ =	swait.ge [sflag:s4], $0x4000  }
0x176: {  	[sflag:s4] =	ssyncset.done $0x0  }
0x177: {  	s22 =	simm.s32 $0x3000;
	s29 =	simm.s32 $0x6;
	[sflag:s4] =	ssyncadd.s32 $0xFFFFC000  }
0x178: {  	[tilespmem:s11], [sflag:$0x4] =	stream.indirect.gather [hbm4b:s5+s9], $0x20, s22, s9, $0xb8;
	[tilespmem:$0x1F400] =	vst v63  }
0x179: {  	_ =	swait.ge [sflag:s29], $0x4000  }
0x17a: {  	s19 =	sld [smem:$0x7F6]  }
0x17b: {  	[sflag:s29] =	ssyncset.done $0x0  }
0x17c: {  	[sflag:s29] =	ssyncadd.s32 $0xFFFFC000  }
0x17d: {  	[hbm4b:s19+s2] =	stream.linear.scatter [tilespmem:s25], [sflag:$0xD], $0x4000, $0x38;
	[tilespmem:$0x1F400] =	vst v63  }
0x17e: {  	_ =	swait.ge [sflag:s26], $0x4000  }
0x17f: {  	[sflag:s26] =	ssyncset.done $0x0  }
0x180: {  	s1 =	simm.s32 $0x3200;
	s28 =	simm.s32 $0x7;
	[sflag:s26] =	ssyncadd.s32 $0xFFFFC000  }
0x181: {  	[tilespmem:s10], [sflag:$0x5] =	stream.indirect.gather [hbm4b:s5+s9], $0x20, s1, s9, $0xb8;
	[tilespmem:$0x1F400] =	vst v63  }
0x182: {  	_ =	swait.ge [sflag:s28], $0x4000  }
0x183: {  	s22 =	sld [smem:$0x7F7]  }
0x184: {  	[sflag:s28] =	ssyncset.done $0x0  }
0x185: {  	[sflag:s28] =	ssyncadd.s32 $0xFFFFC000  }
0x186: {  	[hbm4b:s22+s2] =	stream.linear.scatter [tilespmem:s23], [sflag:$0xE], $0x4000, $0x38;
	[tilespmem:$0x1F400] =	vst v63  }
0x187: {  	_ =	swait.ge [sflag:s21], $0x4000  }
0x188: {  	s24 =	sld [smem:$0x7F8]  }
0x189: {  	[sflag:s21] =	ssyncset.done $0x0  }
0x18a: {  	[sflag:s21] =	ssyncadd.s32 $0xFFFFC000  }
0x18b: {  	[hbm4b:s24+s2] =	stream.linear.scatter [tilespmem:s18], [sflag:$0x8], $0x4000, $0x38;
	[tilespmem:$0x1F400] =	vst v63  }
0x18c: {  	_ =	swait.ge [sflag:s20], $0x4000  }
0x18d: {  	s1 =	sld [smem:$0x7F9]  }
0x18e: {  	[sflag:s20] =	ssyncset.done $0x0  }
0x18f: {  	[sflag:s20] =	ssyncadd.s32 $0xFFFFC000  }
0x190: {  	[hbm4b:s1+s2] =	stream.linear.scatter [tilespmem:s15], [sflag:$0x9], $0x4000, $0x38;
	[tilespmem:$0x1F400] =	vst v63  }
0x191: {  	_ =	swait.ge [sflag:s30], $0x4000  }
0x192: {  	s3 =	sld [smem:$0x7FA]  }
0x193: {  	[sflag:s30] =	ssyncset.done $0x0  }
0x194: {  	[sflag:s30] =	ssyncadd.s32 $0xFFFFC000  }
0x195: {  	[hbm4b:s3+s2] =	stream.linear.scatter [tilespmem:s12], [sflag:$0xA], $0x4000, $0x38;
	[tilespmem:$0x1F400] =	vst v63  }
0x196: {  	_ =	swait.ge [sflag:s17], $0x4000  }
0x197: {  	s19 =	sld [smem:$0x7FB]  }
0x198: {  	[sflag:s17] =	ssyncset.done $0x0  }
0x199: {  	[sflag:s17] =	ssyncadd.s32 $0xFFFFC000  }
0x19a: {  	[hbm4b:s19+s2] =	stream.linear.scatter [tilespmem:s11], [sflag:$0xB], $0x4000, $0x38;
	[tilespmem:$0x1F400] =	vst v63  }
0x19b: {  	_ =	swait.ge [sflag:s14], $0x4000  }
0x19c: {  	s22 =	sld [smem:$0x7FD]  }
0x19d: {  	[sflag:s14] =	ssyncset.done $0x0  }
0x19e: {  	s16 =	simm.s32 $0xD;
	[sflag:s14] =	ssyncadd.s32 $0xFFFFC000  }
0x19f: {  	[hbm4b:s22+s2] =	stream.linear.scatter [tilespmem:s10], [sflag:$0xC], $0x4000, $0x38;
	[tilespmem:$0x1F400] =	vst v63  }
0x1a0: {  	_ =	swait.ge [sflag:s16], $0x4000  }
0x1a1: {  	[sflag:s16] =	ssyncset.done $0x0  }
0x1a2: {  	[sflag:s16] =	ssyncadd.s32 $0xFFFFC000  }
0x1a3: {  	_ =	swait.ge [sflag:s13], $0x4000  }
0x1a4: {  	[sflag:s13] =	ssyncset.done $0x0  }
0x1a5: {  	[sflag:s13] =	ssyncadd.s32 $0xFFFFC000  }
0x1a6: {  	_ =	swait.ge [sflag:s8], $0x4000  }
0x1a7: {  	[sflag:s8] =	ssyncset.done $0x0  }
0x1a8: {  	[sflag:s8] =	ssyncadd.s32 $0xFFFFC000  }
0x1a9: {  	_ =	swait.ge [sflag:s7], $0x4000  }
0x1aa: {  	[sflag:s7] =	ssyncset.done $0x0  }
0x1ab: {  	[sflag:s7] =	ssyncadd.s32 $0xFFFFC000  }
0x1ac: {  	_ =	swait.ge [sflag:s6], $0x4000  }
0x1ad: {  	[sflag:s6] =	ssyncset.done $0x0  }
0x1ae: {  	[sflag:s6] =	ssyncadd.s32 $0xFFFFC000  }
0x1af: {  	_ =	swait.ge [sflag:s4], $0x4000  }
0x1b0: {  	s24 =	sld [smem:$0x7E6];
	_ =	sdelay $0x2  }
0x1b1: {  	p1 =	sne.s32 s24, $0x1  }
.Ltmp1:
0x1b2: {  	_ = 	snop;
	(pc) =	sbr.rel @!p1 .LBB2_7-.Ltmp1, $4  }
0x1b3: {  	[sflag:s4] =	ssyncset.done $0x0  }
0x1b4: {  	[sflag:s4] =	ssyncadd.s32 $0xFFFFC000  }
0x1b5: {  	p0 =	por $0x1, $0x1;
	_ =	swait.ge [sflag:s26], $0x4000  }
0x1b6: {  	s0 =	sadd.s32 $0xFFFFFFFF, s24;
	s22 =	rddreg [dreg:$0x3];
	[sflag:s26] =	ssyncset.done $0x0  }
0x1b7: {  	s24 =	simm.s32 $0x600;
	s19 =	simm.s32 $0x4  }
.LBB2_4:
0x1b8: {  	[sflag:s26] =	ssyncadd.s32 $0xFFFFC000  }
0x1b9: {  	[tilespmem:s2], [sflag:$0xF] =	stream.linear.gather [hbm4b:s22+s2], $0x200, $0x38;
	[tilespmem:$0x1F400] =	vst v63  }
0x1ba: {  	s1 =	rddreg [dreg:$0x4]  }
0x1bb: {  	[tilespmem:s9], [sflag:$0xF] =	stream.linear.gather [hbm4b:s1+s2], $0x200, $0x38;
	[tilespmem:$0x1F400] =	vst v63  }
0x1bc: {  	s15 =	rddreg [dreg:$0x5];
	s4 =	simm.s32 $0x400  }
0x1bd: {  	[tilespmem:s4], [sflag:$0xF] =	stream.linear.gather [hbm4b:s15+s2], $0x200, $0x38;
	[tilespmem:$0x1F400] =	vst v63  }
0x1be: {  	s16 =	rddreg [dreg:$0x6]  }
0x1bf: {  	[tilespmem:s24], [sflag:$0xF] =	stream.linear.gather [hbm4b:s16+s2], $0x200, $0x38;
	[tilespmem:$0x1F400] =	vst v63  }
0x1c0: {  	s17 =	rddreg [dreg:$0x7];
	s20 =	simm.s32 $0x800  }
0x1c1: {  	[tilespmem:s20], [sflag:$0xF] =	stream.linear.gather [hbm4b:s17+s2], $0x200, $0x38;
	[tilespmem:$0x1F400] =	vst v63  }
0x1c2: {  	s18 =	rddreg [dreg:$0x8];
	s21 =	simm.s32 $0xA00  }
0x1c3: {  	[tilespmem:s21], [sflag:$0xF] =	stream.linear.gather [hbm4b:s18+s2], $0x200, $0x38;
	[tilespmem:$0x1F400] =	vst v63  }
0x1c4: {  	s23 =	rddreg [dreg:$0x9];
	s6 =	simm.s32 $0xC00  }
0x1c5: {  	[tilespmem:s6], [sflag:$0xF] =	stream.linear.gather [hbm4b:s23+s2], $0x200, $0x38;
	[tilespmem:$0x1F400] =	vst v63  }
0x1c6: {  	s25 =	rddreg [dreg:$0xa];
	s30 =	simm.s32 $0xE00  }
0x1c7: {  	[tilespmem:s30], [sflag:$0xF] =	stream.linear.gather [hbm4b:s25+s2], $0x200, $0x38;
	[tilespmem:$0x1F400] =	vst v63  }
0x1c8: {  	s26 =	rddreg [dreg:$0xb];
	s7 =	simm.s32 $0x1000  }
0x1c9: {  	[tilespmem:s7], [sflag:$0xF] =	stream.linear.gather [hbm4b:s26+s2], $0x200, $0x38;
	[tilespmem:$0x1F400] =	vst v63  }
0x1ca: {  	s3 =	rddreg [dreg:$0xc];
	s17 =	simm.s32 $0x1200  }
0x1cb: {  	[tilespmem:s17], [sflag:$0xF] =	stream.linear.gather [hbm4b:s3+s2], $0x200, $0x38;
	[tilespmem:$0x1F400] =	vst v63  }
0x1cc: {  	s8 =	rddreg [dreg:$0xd];
	s26 =	simm.s32 $0x1400  }
0x1cd: {  	[tilespmem:s26], [sflag:$0xF] =	stream.linear.gather [hbm4b:s8+s2], $0x200, $0x38;
	[tilespmem:$0x1F400] =	vst v63  }
0x1ce: {  	s10 =	rddreg [dreg:$0xe];
	s16 =	simm.s32 $0x1600  }
0x1cf: {  	[tilespmem:s16], [sflag:$0xF] =	stream.linear.gather [hbm4b:s10+s2], $0x200, $0x38;
	[tilespmem:$0x1F400] =	vst v63  }
0x1d0: {  	s11 =	rddreg [dreg:$0xf];
	s3 =	simm.s32 $0x1800  }
0x1d1: {  	[tilespmem:s3], [sflag:$0xF] =	stream.linear.gather [hbm4b:s11+s2], $0x200, $0x38;
	[tilespmem:$0x1F400] =	vst v63  }
0x1d2: {  	s12 =	rddreg [dreg:$0x10];
	s15 =	simm.s32 $0x1A00  }
0x1d3: {  	[tilespmem:s15], [sflag:$0xF] =	stream.linear.gather [hbm4b:s12+s2], $0x200, $0x38;
	[tilespmem:$0x1F400] =	vst v63  }
0x1d4: {  	s13 =	rddreg [dreg:$0x11];
	s18 =	simm.s32 $0x1C00  }
0x1d5: {  	[tilespmem:s18], [sflag:$0xF] =	stream.linear.gather [hbm4b:s13+s2], $0x200, $0x38;
	[tilespmem:$0x1F400] =	vst v63  }
0x1d6: {  	s1 =	rddreg [dreg:$0x12];
	s23 =	simm.s32 $0x1E00  }
0x1d7: {  	[tilespmem:s23], [sflag:$0xF] =	stream.linear.gather [hbm4b:s1+s2], $0x200, $0x38;
	[tilespmem:$0x1F400] =	vst v63  }
0x1d8: {  	s22 =	rddreg [dreg:$0x13];
	s23 =	simm.s32 $0x2000  }
0x1d9: {  	[tilespmem:s23], [sflag:$0xF] =	stream.linear.gather [hbm4b:s22+s2], $0x200, $0x38;
	[tilespmem:$0x1F400] =	vst v63  }
0x1da: {  	s1 =	rddreg [dreg:$0x14];
	s23 =	simm.s32 $0x2200  }
0x1db: {  	[tilespmem:s23], [sflag:$0xF] =	stream.linear.gather [hbm4b:s1+s2], $0x200, $0x38;
	[tilespmem:$0x1F400] =	vst v63  }
0x1dc: {  	s22 =	rddreg [dreg:$0x15];
	s23 =	simm.s32 $0x2400  }
0x1dd: {  	[tilespmem:s23], [sflag:$0xF] =	stream.linear.gather [hbm4b:s22+s2], $0x200, $0x38;
	[tilespmem:$0x1F400] =	vst v63  }
0x1de: {  	s1 =	rddreg [dreg:$0x16];
	s23 =	simm.s32 $0x2600  }
0x1df: {  	[tilespmem:s23], [sflag:$0xF] =	stream.linear.gather [hbm4b:s1+s2], $0x200, $0x38;
	[tilespmem:$0x1F400] =	vst v63  }
0x1e0: {  	s22 =	rddreg [dreg:$0x17];
	s23 =	simm.s32 $0x2800  }
0x1e1: {  	[tilespmem:s23], [sflag:$0xF] =	stream.linear.gather [hbm4b:s22+s2], $0x200, $0x38;
	[tilespmem:$0x1F400] =	vst v63  }
0x1e2: {  	s1 =	rddreg [dreg:$0x18];
	s23 =	simm.s32 $0x2A00  }
0x1e3: {  	[tilespmem:s23], [sflag:$0xF] =	stream.linear.gather [hbm4b:s1+s2], $0x200, $0x38;
	[tilespmem:$0x1F400] =	vst v63  }
0x1e4: {  	s22 =	rddreg [dreg:$0x19];
	s23 =	simm.s32 $0x2C00  }
0x1e5: {  	[tilespmem:s23], [sflag:$0xF] =	stream.linear.gather [hbm4b:s22+s2], $0x200, $0x38;
	[tilespmem:$0x1F400] =	vst v63  }
0x1e6: {  	s1 =	rddreg [dreg:$0x1a];
	s23 =	simm.s32 $0x2E00  }
0x1e7: {  	[tilespmem:s23], [sflag:$0xF] =	stream.linear.gather [hbm4b:s1+s2], $0x200, $0x38;
	[tilespmem:$0x1F400] =	vst v63  }
0x1e8: {  	s22 =	rddreg [dreg:$0x1b];
	s23 =	simm.s32 $0x3000  }
0x1e9: {  	[tilespmem:s23], [sflag:$0xF] =	stream.linear.gather [hbm4b:s22+s2], $0x200, $0x38;
	[tilespmem:$0x1F400] =	vst v63  }
0x1ea: {  	s1 =	rddreg [dreg:$0x1c];
	s22 =	simm.s32 $0x3200  }
0x1eb: {  	[tilespmem:s22], [sflag:$0xF] =	stream.linear.gather [hbm4b:s1+s2], $0x200, $0x38;
	[tilespmem:$0x1F400] =	vst v63  }
0x1ec: {  	_ =	swait.ge [sflag:s31], $0x200  }
0x1ed: {  	[sflag:s31] =	ssyncset.done $0x0  }
0x1ee: {  	[sflag:s31] =	ssyncadd.s32 $0xFFFFFE00  }
0x1ef: {  	_ =	swait.ge [sflag:s31], $0x200  }
0x1f0: {  	[sflag:s31] =	ssyncset.done $0x0  }
0x1f1: {  	[sflag:s31] =	ssyncadd.s32 $0xFFFFFE00  }
0x1f2: {  	_ =	swait.ge [sflag:s31], $0x200  }
0x1f3: {  	[sflag:s31] =	ssyncset.done $0x0  }
0x1f4: {  	[sflag:s31] =	ssyncadd.s32 $0xFFFFFE00  }
0x1f5: {  	_ =	swait.ge [sflag:s31], $0x200  }
0x1f6: {  	[sflag:s31] =	ssyncset.done $0x0  }
0x1f7: {  	[sflag:s31] =	ssyncadd.s32 $0xFFFFFE00  }
0x1f8: {  	_ =	swait.ge [sflag:s31], $0x200  }
0x1f9: {  	[sflag:s31] =	ssyncset.done $0x0  }
0x1fa: {  	[sflag:s31] =	ssyncadd.s32 $0xFFFFFE00  }
0x1fb: {  	_ =	swait.ge [sflag:s31], $0x200  }
0x1fc: {  	[sflag:s31] =	ssyncset.done $0x0  }
0x1fd: {  	[sflag:s31] =	ssyncadd.s32 $0xFFFFFE00  }
0x1fe: {  	_ =	swait.ge [sflag:s31], $0x200  }
0x1ff: {  	[sflag:s31] =	ssyncset.done $0x0  }
0x200: {  	[sflag:s31] =	ssyncadd.s32 $0xFFFFFE00  }
0x201: {  	_ =	swait.ge [sflag:s31], $0x200  }
0x202: {  	[sflag:s31] =	ssyncset.done $0x0  }
0x203: {  	[sflag:s31] =	ssyncadd.s32 $0xFFFFFE00  }
0x204: {  	_ =	swait.ge [sflag:s31], $0x200  }
0x205: {  	[sflag:s31] =	ssyncset.done $0x0  }
0x206: {  	[sflag:s31] =	ssyncadd.s32 $0xFFFFFE00  }
0x207: {  	_ =	swait.ge [sflag:s31], $0x200  }
0x208: {  	[sflag:s31] =	ssyncset.done $0x0  }
0x209: {  	[sflag:s31] =	ssyncadd.s32 $0xFFFFFE00  }
0x20a: {  	_ =	swait.ge [sflag:s31], $0x200  }
0x20b: {  	[sflag:s31] =	ssyncset.done $0x0  }
0x20c: {  	[sflag:s31] =	ssyncadd.s32 $0xFFFFFE00  }
0x20d: {  	_ =	swait.ge [sflag:s31], $0x200  }
0x20e: {  	[sflag:s31] =	ssyncset.done $0x0  }
0x20f: {  	[sflag:s31] =	ssyncadd.s32 $0xFFFFFE00  }
0x210: {  	_ =	swait.ge [sflag:s31], $0x200  }
0x211: {  	[sflag:s31] =	ssyncset.done $0x0  }
0x212: {  	[sflag:s31] =	ssyncadd.s32 $0xFFFFFE00  }
0x213: {  	_ =	swait.ge [sflag:s31], $0x200  }
0x214: {  	[sflag:s31] =	ssyncset.done $0x0  }
0x215: {  	[sflag:s31] =	ssyncadd.s32 $0xFFFFFE00  }
0x216: {  	_ =	swait.ge [sflag:s31], $0x200  }
0x217: {  	[sflag:s31] =	ssyncset.done $0x0  }
0x218: {  	[sflag:s31] =	ssyncadd.s32 $0xFFFFFE00  }
0x219: {  	_ =	swait.ge [sflag:s31], $0x200  }
0x21a: {  	[sflag:s31] =	ssyncset.done $0x0  }
0x21b: {  	[sflag:s31] =	ssyncadd.s32 $0xFFFFFE00  }
0x21c: {  	_ =	swait.ge [sflag:s31], $0x200  }
0x21d: {  	[sflag:s31] =	ssyncset.done $0x0  }
0x21e: {  	[sflag:s31] =	ssyncadd.s32 $0xFFFFFE00  }
0x21f: {  	_ =	swait.ge [sflag:s31], $0x200  }
0x220: {  	[sflag:s31] =	ssyncset.done $0x0  }
0x221: {  	[sflag:s31] =	ssyncadd.s32 $0xFFFFFE00  }
0x222: {  	_ =	swait.ge [sflag:s31], $0x200  }
0x223: {  	[sflag:s31] =	ssyncset.done $0x0  }
0x224: {  	[sflag:s31] =	ssyncadd.s32 $0xFFFFFE00  }
0x225: {  	_ =	swait.ge [sflag:s31], $0x200  }
0x226: {  	[sflag:s31] =	ssyncset.done $0x0  }
0x227: {  	[sflag:s31] =	ssyncadd.s32 $0xFFFFFE00  }
0x228: {  	_ =	swait.ge [sflag:s31], $0x200  }
0x229: {  	[sflag:s31] =	ssyncset.done $0x0  }
0x22a: {  	[sflag:s31] =	ssyncadd.s32 $0xFFFFFE00  }
0x22b: {  	_ =	swait.ge [sflag:s31], $0x200  }
0x22c: {  	[sflag:s31] =	ssyncset.done $0x0  }
0x22d: {  	[sflag:s31] =	ssyncadd.s32 $0xFFFFFE00  }
0x22e: {  	_ =	swait.ge [sflag:s31], $0x200  }
0x22f: {  	[sflag:s31] =	ssyncset.done $0x0  }
0x230: {  	[sflag:s31] =	ssyncadd.s32 $0xFFFFFE00  }
0x231: {  	_ =	swait.ge [sflag:s31], $0x200  }
0x232: {  	[sflag:s31] =	ssyncset.done $0x0  }
0x233: {  	[sflag:s31] =	ssyncadd.s32 $0xFFFFFE00  }
0x234: {  	_ =	swait.ge [sflag:s31], $0x200  }
0x235: {  	[sflag:s31] =	ssyncset.done $0x0  }
0x236: {  	[sflag:s31] =	ssyncadd.s32 $0xFFFFFE00  }
0x237: {  	_ =	swait.ge [sflag:s31], $0x200  }
0x238: {  	[sflag:s31] =	ssyncset.done $0x0  }
0x239: {  	s13 =	simm.s32 $0x3400;
	[sflag:s31] =	ssyncadd.s32 $0xFFFFFE00  }
0x23a: {  	[tilespmem:s13], [sflag:$0x1] =	stream.indirect.gather [hbm4b:s5+s9], $0x20, s2, s9, $0xb8;
	[tilespmem:$0x1F400] =	vst v63  }
0x23b: {  	s18 =	simm.s32 $0x7400  }
0x23c: {  	[tilespmem:s18], [sflag:$0x2] =	stream.indirect.gather [hbm4b:s5+s9], $0x20, s9, s9, $0xb8;
	[tilespmem:$0x1F400] =	vst v63  }
0x23d: {  	s15 =	simm.s32 $0xB400  }
0x23e: {  	[tilespmem:s15], [sflag:$0x3] =	stream.indirect.gather [hbm4b:s5+s9], $0x20, s4, s9, $0xb8;
	[tilespmem:$0x1F400] =	vst v63  }
0x23f: {  	s12 =	simm.s32 $0xF400  }
0x240: {  	[tilespmem:s12], [sflag:$0x4] =	stream.indirect.gather [hbm4b:s5+s9], $0x20, s24, s9, $0xb8;
	[tilespmem:$0x1F400] =	vst v63  }
0x241: {  	s11 =	simm.s32 $0x13400  }
0x242: {  	[tilespmem:s11], [sflag:$0x5] =	stream.indirect.gather [hbm4b:s5+s9], $0x20, s20, s9, $0xb8;
	[tilespmem:$0x1F400] =	vst v63  }
0x243: {  	s10 =	simm.s32 $0x17400  }
0x244: {  	[tilespmem:s10], [sflag:$0x6] =	stream.indirect.gather [hbm4b:s5+s9], $0x20, s21, s9, $0xb8;
	[tilespmem:$0x1F400] =	vst v63  }
0x245: {  	s21 =	simm.s32 $0x1  }
0x246: {  	_ =	swait.ge [sflag:s21], $0x4000  }
0x247: {  	s4 =	sld [smem:$0x7FC]  }
0x248: {  	[sflag:s21] =	ssyncset.done $0x0  }
0x249: {  	[sflag:s21] =	ssyncadd.s32 $0xFFFFC000  }
0x24a: {  	[hbm4b:s4+s2] =	stream.linear.scatter [tilespmem:s13], [sflag:$0x8], $0x4000, $0x38;
	[tilespmem:$0x1F400] =	vst v63  }
0x24b: {  	s25 =	simm.s32 $0x1B400;
	s20 =	simm.s32 $0x2  }
0x24c: {  	[tilespmem:s25], [sflag:$0x7] =	stream.indirect.gather [hbm4b:s5+s9], $0x20, s6, s9, $0xb8;
	[tilespmem:$0x1F400] =	vst v63  }
0x24d: {  	_ =	swait.ge [sflag:s20], $0x4000  }
0x24e: {  	[sflag:s20] =	ssyncset.done $0x0  }
0x24f: {  	s14 =	simm.s32 $0x8;
	s23 =	rddreg [dreg:$0x1d];
	[sflag:s20] =	ssyncadd.s32 $0xFFFFC000  }
0x250: {  	[hbm4b:s23+s2] =	stream.linear.scatter [tilespmem:s18], [sflag:$0x9], $0x4000, $0x38;
	[tilespmem:$0x1F400] =	vst v63  }
0x251: {  	_ =	swait.ge [sflag:s14], $0x4000  }
0x252: {  	[sflag:s14] =	ssyncset.done $0x0  }
0x253: {  	[sflag:s14] =	ssyncadd.s32 $0xFFFFC000  }
0x254: {  	[tilespmem:s13], [sflag:$0x1] =	stream.indirect.gather [hbm4b:s5+s9], $0x20, s30, s9, $0xb8;
	[tilespmem:$0x1F400] =	vst v63  }
0x255: {  	s30 =	simm.s32 $0x3  }
0x256: {  	_ =	swait.ge [sflag:s30], $0x4000  }
0x257: {  	[sflag:s30] =	ssyncset.done $0x0  }
0x258: {  	s8 =	simm.s32 $0x9;
	s4 =	rddreg [dreg:$0x1e];
	[sflag:s30] =	ssyncadd.s32 $0xFFFFC000  }
0x259: {  	[hbm4b:s4+s2] =	stream.linear.scatter [tilespmem:s15], [sflag:$0xA], $0x4000, $0x38;
	[tilespmem:$0x1F400] =	vst v63  }
0x25a: {  	_ =	swait.ge [sflag:s8], $0x4000  }
0x25b: {  	[sflag:s8] =	ssyncset.done $0x0  }
0x25c: {  	[sflag:s8] =	ssyncadd.s32 $0xFFFFC000  }
0x25d: {  	[tilespmem:s18], [sflag:$0x2] =	stream.indirect.gather [hbm4b:s5+s9], $0x20, s7, s9, $0xb8;
	[tilespmem:$0x1F400] =	vst v63  }
0x25e: {  	_ =	swait.ge [sflag:s19], $0x4000  }
0x25f: {  	[sflag:s19] =	ssyncset.done $0x0  }
0x260: {  	s6 =	simm.s32 $0xA;
	s7 =	rddreg [dreg:$0x1f];
	[sflag:s19] =	ssyncadd.s32 $0xFFFFC000  }
0x261: {  	[hbm4b:s7+s2] =	stream.linear.scatter [tilespmem:s12], [sflag:$0xB], $0x4000, $0x38;
	[tilespmem:$0x1F400] =	vst v63  }
0x262: {  	_ =	swait.ge [sflag:s6], $0x4000  }
0x263: {  	[sflag:s6] =	ssyncset.done $0x0  }
0x264: {  	s14 =	simm.s32 $0x5;
	[sflag:s6] =	ssyncadd.s32 $0xFFFFC000  }
0x265: {  	[tilespmem:s15], [sflag:$0x3] =	stream.indirect.gather [hbm4b:s5+s9], $0x20, s17, s9, $0xb8;
	[tilespmem:$0x1F400] =	vst v63  }
0x266: {  	_ =	swait.ge [sflag:s14], $0x4000  }
0x267: {  	s23 =	sld [smem:$0x7E7]  }
0x268: {  	[sflag:s14] =	ssyncset.done $0x0  }
0x269: {  	s4 =	simm.s32 $0xB;
	[sflag:s14] =	ssyncadd.s32 $0xFFFFC000  }
0x26a: {  	[hbm4b:s23+s2] =	stream.linear.scatter [tilespmem:s11], [sflag:$0xC], $0x4000, $0x38;
	[tilespmem:$0x1F400] =	vst v63  }
0x26b: {  	_ =	swait.ge [sflag:s4], $0x4000  }
0x26c: {  	[sflag:s4] =	ssyncset.done $0x0  }
0x26d: {  	s3 =	simm.s32 $0x6;
	[sflag:s4] =	ssyncadd.s32 $0xFFFFC000  }
0x26e: {  	[tilespmem:s12], [sflag:$0x4] =	stream.indirect.gather [hbm4b:s5+s9], $0x20, s26, s9, $0xb8;
	[tilespmem:$0x1F400] =	vst v63  }
0x26f: {  	_ =	swait.ge [sflag:s3], $0x4000  }
0x270: {  	s7 =	sld [smem:$0x7E8]  }
0x271: {  	[sflag:s3] =	ssyncset.done $0x0  }
0x272: {  	s26 =	simm.s32 $0xC;
	[sflag:s3] =	ssyncadd.s32 $0xFFFFC000  }
0x273: {  	[hbm4b:s7+s2] =	stream.linear.scatter [tilespmem:s10], [sflag:$0xD], $0x4000, $0x38;
	[tilespmem:$0x1F400] =	vst v63  }
0x274: {  	_ =	swait.ge [sflag:s26], $0x4000  }
0x275: {  	[sflag:s26] =	ssyncset.done $0x0  }
0x276: {  	s29 =	simm.s32 $0x7;
	[sflag:s26] =	ssyncadd.s32 $0xFFFFC000  }
0x277: {  	[tilespmem:s11], [sflag:$0x5] =	stream.indirect.gather [hbm4b:s5+s9], $0x20, s16, s9, $0xb8;
	[tilespmem:$0x1F400] =	vst v63  }
0x278: {  	_ =	swait.ge [sflag:s29], $0x4000  }
0x279: {  	s16 =	sld [smem:$0x7E9]  }
0x27a: {  	[sflag:s29] =	ssyncset.done $0x0  }
0x27b: {  	s28 =	simm.s32 $0xD;
	[sflag:s29] =	ssyncadd.s32 $0xFFFFC000  }
0x27c: {  	[hbm4b:s16+s2] =	stream.linear.scatter [tilespmem:s25], [sflag:$0xE], $0x4000, $0x38;
	[tilespmem:$0x1F400] =	vst v63  }
0x27d: {  	_ =	swait.ge [sflag:s28], $0x4000  }
0x27e: {  	[sflag:s28] =	ssyncset.done $0x0  }
0x27f: {  	s23 =	simm.s32 $0x1800;
	[sflag:s28] =	ssyncadd.s32 $0xFFFFC000  }
0x280: {  	[tilespmem:s10], [sflag:$0x6] =	stream.indirect.gather [hbm4b:s5+s9], $0x20, s23, s9, $0xb8;
	[tilespmem:$0x1F400] =	vst v63  }
0x281: {  	_ =	swait.ge [sflag:s21], $0x4000  }
0x282: {  	s16 =	sld [smem:$0x7EA]  }
0x283: {  	[sflag:s21] =	ssyncset.done $0x0  }
0x284: {  	s13 =	simm.s32 $0xE;
	s18 =	simm.s32 $0x3400;
	[sflag:s21] =	ssyncadd.s32 $0xFFFFC000  }
0x285: {  	[hbm4b:s16+s2] =	stream.linear.scatter [tilespmem:s18], [sflag:$0x8], $0x4000, $0x38;
	[tilespmem:$0x1F400] =	vst v63  }
0x286: {  	_ =	swait.ge [sflag:s13], $0x4000  }
0x287: {  	[sflag:s13] =	ssyncset.done $0x0  }
0x288: {  	s23 =	simm.s32 $0x1A00;
	[sflag:s13] =	ssyncadd.s32 $0xFFFFC000  }
0x289: {  	[tilespmem:s25], [sflag:$0x7] =	stream.indirect.gather [hbm4b:s5+s9], $0x20, s23, s9, $0xb8;
	[tilespmem:$0x1F400] =	vst v63  }
0x28a: {  	_ =	swait.ge [sflag:s20], $0x4000  }
0x28b: {  	s16 =	sld [smem:$0x7EB]  }
0x28c: {  	[sflag:s20] =	ssyncset.done $0x0  }
0x28d: {  	s8 =	simm.s32 $0x8;
	s15 =	simm.s32 $0x7400;
	[sflag:s20] =	ssyncadd.s32 $0xFFFFC000  }
0x28e: {  	[hbm4b:s16+s2] =	stream.linear.scatter [tilespmem:s15], [sflag:$0x9], $0x4000, $0x38;
	[tilespmem:$0x1F400] =	vst v63  }
0x28f: {  	_ =	swait.ge [sflag:s8], $0x4000  }
0x290: {  	[sflag:s8] =	ssyncset.done $0x0  }
0x291: {  	s23 =	simm.s32 $0x1C00;
	[sflag:s8] =	ssyncadd.s32 $0xFFFFC000  }
0x292: {  	[tilespmem:s18], [sflag:$0x1] =	stream.indirect.gather [hbm4b:s5+s9], $0x20, s23, s9, $0xb8;
	[tilespmem:$0x1F400] =	vst v63  }
0x293: {  	_ =	swait.ge [sflag:s30], $0x4000  }
0x294: {  	s16 =	sld [smem:$0x7EC]  }
0x295: {  	[sflag:s30] =	ssyncset.done $0x0  }
0x296: {  	s12 =	simm.s32 $0xB400;
	s7 =	simm.s32 $0x9;
	[sflag:s30] =	ssyncadd.s32 $0xFFFFC000  }
0x297: {  	[hbm4b:s16+s2] =	stream.linear.scatter [tilespmem:s12], [sflag:$0xA], $0x4000, $0x38;
	[tilespmem:$0x1F400] =	vst v63  }
0x298: {  	_ =	swait.ge [sflag:s7], $0x4000  }
0x299: {  	[sflag:s7] =	ssyncset.done $0x0  }
0x29a: {  	s17 =	simm.s32 $0x4;
	s23 =	simm.s32 $0x1E00;
	[sflag:s7] =	ssyncadd.s32 $0xFFFFC000  }
0x29b: {  	[tilespmem:s15], [sflag:$0x2] =	stream.indirect.gather [hbm4b:s5+s9], $0x20, s23, s9, $0xb8;
	[tilespmem:$0x1F400] =	vst v63  }
0x29c: {  	_ =	swait.ge [sflag:s17], $0x4000  }
0x29d: {  	s16 =	sld [smem:$0x7ED]  }
0x29e: {  	[sflag:s17] =	ssyncset.done $0x0  }
0x29f: {  	s11 =	simm.s32 $0xF400;
	[sflag:s17] =	ssyncadd.s32 $0xFFFFC000  }
0x2a0: {  	[hbm4b:s16+s2] =	stream.linear.scatter [tilespmem:s11], [sflag:$0xB], $0x4000, $0x38;
	[tilespmem:$0x1F400] =	vst v63  }
0x2a1: {  	_ =	swait.ge [sflag:s6], $0x4000  }
0x2a2: {  	[sflag:s6] =	ssyncset.done $0x0  }
0x2a3: {  	s16 =	simm.s32 $0x2000;
	[sflag:s6] =	ssyncadd.s32 $0xFFFFC000  }
0x2a4: {  	[tilespmem:s12], [sflag:$0x3] =	stream.indirect.gather [hbm4b:s5+s9], $0x20, s16, s9, $0xb8;
	[tilespmem:$0x1F400] =	vst v63  }
0x2a5: {  	_ =	swait.ge [sflag:s14], $0x4000  }
0x2a6: {  	s16 =	sld [smem:$0x7EE]  }
0x2a7: {  	[sflag:s14] =	ssyncset.done $0x0  }
0x2a8: {  	s10 =	simm.s32 $0x13400;
	[sflag:s14] =	ssyncadd.s32 $0xFFFFC000  }
0x2a9: {  	[hbm4b:s16+s2] =	stream.linear.scatter [tilespmem:s10], [sflag:$0xC], $0x4000, $0x38;
	[tilespmem:$0x1F400] =	vst v63  }
0x2aa: {  	_ =	swait.ge [sflag:s4], $0x4000  }
0x2ab: {  	[sflag:s4] =	ssyncset.done $0x0  }
0x2ac: {  	s16 =	simm.s32 $0x2200;
	[sflag:s4] =	ssyncadd.s32 $0xFFFFC000  }
0x2ad: {  	[tilespmem:s11], [sflag:$0x4] =	stream.indirect.gather [hbm4b:s5+s9], $0x20, s16, s9, $0xb8;
	[tilespmem:$0x1F400] =	vst v63  }
0x2ae: {  	_ =	swait.ge [sflag:s3], $0x4000  }
0x2af: {  	s16 =	sld [smem:$0x7EF]  }
0x2b0: {  	[sflag:s3] =	ssyncset.done $0x0  }
0x2b1: {  	s25 =	simm.s32 $0x17400;
	[sflag:s3] =	ssyncadd.s32 $0xFFFFC000  }
0x2b2: {  	[hbm4b:s16+s2] =	stream.linear.scatter [tilespmem:s25], [sflag:$0xD], $0x4000, $0x38;
	[tilespmem:$0x1F400] =	vst v63  }
0x2b3: {  	_ =	swait.ge [sflag:s26], $0x4000  }
0x2b4: {  	[sflag:s26] =	ssyncset.done $0x0  }
0x2b5: {  	s16 =	simm.s32 $0x2400;
	[sflag:s26] =	ssyncadd.s32 $0xFFFFC000  }
0x2b6: {  	[tilespmem:s10], [sflag:$0x5] =	stream.indirect.gather [hbm4b:s5+s9], $0x20, s16, s9, $0xb8;
	[tilespmem:$0x1F400] =	vst v63  }
0x2b7: {  	_ =	swait.ge [sflag:s29], $0x4000  }
0x2b8: {  	s3 =	sld [smem:$0x7F0]  }
0x2b9: {  	[sflag:s29] =	ssyncset.done $0x0  }
0x2ba: {  	s23 =	simm.s32 $0x1B400;
	[sflag:s29] =	ssyncadd.s32 $0xFFFFC000  }
0x2bb: {  	[hbm4b:s3+s2] =	stream.linear.scatter [tilespmem:s23], [sflag:$0xE], $0x4000, $0x38;
	[tilespmem:$0x1F400] =	vst v63  }
0x2bc: {  	_ =	swait.ge [sflag:s28], $0x4000  }
0x2bd: {  	[sflag:s28] =	ssyncset.done $0x0  }
0x2be: {  	s16 =	simm.s32 $0x2600;
	[sflag:s28] =	ssyncadd.s32 $0xFFFFC000  }
0x2bf: {  	[tilespmem:s25], [sflag:$0x6] =	stream.indirect.gather [hbm4b:s5+s9], $0x20, s16, s9, $0xb8;
	[tilespmem:$0x1F400] =	vst v63  }
0x2c0: {  	_ =	swait.ge [sflag:s21], $0x4000  }
0x2c1: {  	s3 =	sld [smem:$0x7F1]  }
0x2c2: {  	[sflag:s21] =	ssyncset.done $0x0  }
0x2c3: {  	[sflag:s21] =	ssyncadd.s32 $0xFFFFC000  }
0x2c4: {  	[hbm4b:s3+s2] =	stream.linear.scatter [tilespmem:s18], [sflag:$0x8], $0x4000, $0x38;
	[tilespmem:$0x1F400] =	vst v63  }
0x2c5: {  	_ =	swait.ge [sflag:s13], $0x4000  }
0x2c6: {  	[sflag:s13] =	ssyncset.done $0x0  }
0x2c7: {  	s16 =	simm.s32 $0x2800;
	[sflag:s13] =	ssyncadd.s32 $0xFFFFC000  }
0x2c8: {  	[tilespmem:s23], [sflag:$0x7] =	stream.indirect.gather [hbm4b:s5+s9], $0x20, s16, s9, $0xb8;
	[tilespmem:$0x1F400] =	vst v63  }
0x2c9: {  	_ =	swait.ge [sflag:s20], $0x4000  }
0x2ca: {  	s3 =	sld [smem:$0x7F2]  }
0x2cb: {  	[sflag:s20] =	ssyncset.done $0x0  }
0x2cc: {  	[sflag:s20] =	ssyncadd.s32 $0xFFFFC000  }
0x2cd: {  	[hbm4b:s3+s2] =	stream.linear.scatter [tilespmem:s15], [sflag:$0x9], $0x4000, $0x38;
	[tilespmem:$0x1F400] =	vst v63  }
0x2ce: {  	_ =	swait.ge [sflag:s8], $0x4000  }
0x2cf: {  	[sflag:s8] =	ssyncset.done $0x0  }
0x2d0: {  	s3 =	simm.s32 $0x2A00;
	[sflag:s8] =	ssyncadd.s32 $0xFFFFC000  }
0x2d1: {  	[tilespmem:s18], [sflag:$0x1] =	stream.indirect.gather [hbm4b:s5+s9], $0x20, s3, s9, $0xb8;
	[tilespmem:$0x1F400] =	vst v63  }
0x2d2: {  	_ =	swait.ge [sflag:s30], $0x4000  }
0x2d3: {  	s3 =	sld [smem:$0x7F3]  }
0x2d4: {  	[sflag:s30] =	ssyncset.done $0x0  }
0x2d5: {  	[sflag:s30] =	ssyncadd.s32 $0xFFFFC000  }
0x2d6: {  	[hbm4b:s3+s2] =	stream.linear.scatter [tilespmem:s12], [sflag:$0xA], $0x4000, $0x38;
	[tilespmem:$0x1F400] =	vst v63  }
0x2d7: {  	_ =	swait.ge [sflag:s7], $0x4000  }
0x2d8: {  	[sflag:s7] =	ssyncset.done $0x0  }
0x2d9: {  	s3 =	simm.s32 $0x2C00;
	[sflag:s7] =	ssyncadd.s32 $0xFFFFC000  }
0x2da: {  	[tilespmem:s15], [sflag:$0x2] =	stream.indirect.gather [hbm4b:s5+s9], $0x20, s3, s9, $0xb8;
	[tilespmem:$0x1F400] =	vst v63  }
0x2db: {  	_ =	swait.ge [sflag:s17], $0x4000  }
0x2dc: {  	s3 =	sld [smem:$0x7F4]  }
0x2dd: {  	[sflag:s17] =	ssyncset.done $0x0  }
0x2de: {  	[sflag:s17] =	ssyncadd.s32 $0xFFFFC000  }
0x2df: {  	[hbm4b:s3+s2] =	stream.linear.scatter [tilespmem:s11], [sflag:$0xB], $0x4000, $0x38;
	[tilespmem:$0x1F400] =	vst v63  }
0x2e0: {  	_ =	swait.ge [sflag:s6], $0x4000  }
0x2e1: {  	[sflag:s6] =	ssyncset.done $0x0  }
0x2e2: {  	s3 =	simm.s32 $0x2E00;
	[sflag:s6] =	ssyncadd.s32 $0xFFFFC000  }
0x2e3: {  	[tilespmem:s12], [sflag:$0x3] =	stream.indirect.gather [hbm4b:s5+s9], $0x20, s3, s9, $0xb8;
	[tilespmem:$0x1F400] =	vst v63  }
0x2e4: {  	_ =	swait.ge [sflag:s14], $0x4000  }
0x2e5: {  	s3 =	sld [smem:$0x7F5]  }
0x2e6: {  	[sflag:s14] =	ssyncset.done $0x0  }
0x2e7: {  	[sflag:s14] =	ssyncadd.s32 $0xFFFFC000  }
0x2e8: {  	[hbm4b:s3+s2] =	stream.linear.scatter [tilespmem:s10], [sflag:$0xC], $0x4000, $0x38;
	[tilespmem:$0x1F400] =	vst v63  }
0x2e9: {  	_ =	swait.ge [sflag:s4], $0x4000  }
0x2ea: {  	[sflag:s4] =	ssyncset.done $0x0  }
0x2eb: {  	s29 =	simm.s32 $0x6;
	s3 =	simm.s32 $0x3000;
	[sflag:s4] =	ssyncadd.s32 $0xFFFFC000  }
0x2ec: {  	[tilespmem:s11], [sflag:$0x4] =	stream.indirect.gather [hbm4b:s5+s9], $0x20, s3, s9, $0xb8;
	[tilespmem:$0x1F400] =	vst v63  }
0x2ed: {  	_ =	swait.ge [sflag:s29], $0x4000  }
0x2ee: {  	s3 =	sld [smem:$0x7F6]  }
0x2ef: {  	[sflag:s29] =	ssyncset.done $0x0  }
0x2f0: {  	[sflag:s29] =	ssyncadd.s32 $0xFFFFC000  }
0x2f1: {  	[hbm4b:s3+s2] =	stream.linear.scatter [tilespmem:s25], [sflag:$0xD], $0x4000, $0x38;
	[tilespmem:$0x1F400] =	vst v63  }
0x2f2: {  	_ =	swait.ge [sflag:s26], $0x4000  }
0x2f3: {  	[sflag:s26] =	ssyncset.done $0x0  }
0x2f4: {  	s28 =	simm.s32 $0x7;
	[sflag:s26] =	ssyncadd.s32 $0xFFFFC000  }
0x2f5: {  	[tilespmem:s10], [sflag:$0x5] =	stream.indirect.gather [hbm4b:s5+s9], $0x20, s22, s9, $0xb8;
	[tilespmem:$0x1F400] =	vst v63  }
0x2f6: {  	_ =	swait.ge [sflag:s28], $0x4000  }
0x2f7: {  	s3 =	sld [smem:$0x7F7]  }
0x2f8: {  	[sflag:s28] =	ssyncset.done $0x0  }
0x2f9: {  	[sflag:s28] =	ssyncadd.s32 $0xFFFFC000  }
0x2fa: {  	[hbm4b:s3+s2] =	stream.linear.scatter [tilespmem:s23], [sflag:$0xE], $0x4000, $0x38;
	[tilespmem:$0x1F400] =	vst v63  }
0x2fb: {  	_ =	swait.ge [sflag:s21], $0x4000  }
0x2fc: {  	s22 =	sld [smem:$0x7F8]  }
0x2fd: {  	[sflag:s21] =	ssyncset.done $0x0  }
0x2fe: {  	[sflag:s21] =	ssyncadd.s32 $0xFFFFC000  }
0x2ff: {  	[hbm4b:s22+s2] =	stream.linear.scatter [tilespmem:s18], [sflag:$0x8], $0x4000, $0x38;
	[tilespmem:$0x1F400] =	vst v63  }
0x300: {  	_ =	swait.ge [sflag:s20], $0x4000  }
0x301: {  	s3 =	sld [smem:$0x7F9]  }
0x302: {  	[sflag:s20] =	ssyncset.done $0x0  }
0x303: {  	[sflag:s20] =	ssyncadd.s32 $0xFFFFC000  }
0x304: {  	[hbm4b:s3+s2] =	stream.linear.scatter [tilespmem:s15], [sflag:$0x9], $0x4000, $0x38;
	[tilespmem:$0x1F400] =	vst v63  }
0x305: {  	_ =	swait.ge [sflag:s30], $0x4000  }
0x306: {  	s22 =	sld [smem:$0x7FA]  }
0x307: {  	[sflag:s30] =	ssyncset.done $0x0  }
0x308: {  	[sflag:s30] =	ssyncadd.s32 $0xFFFFC000  }
0x309: {  	[hbm4b:s22+s2] =	stream.linear.scatter [tilespmem:s12], [sflag:$0xA], $0x4000, $0x38;
	[tilespmem:$0x1F400] =	vst v63  }
0x30a: {  	_ =	swait.ge [sflag:s17], $0x4000  }
0x30b: {  	s3 =	sld [smem:$0x7FB]  }
0x30c: {  	[sflag:s17] =	ssyncset.done $0x0  }
0x30d: {  	[sflag:s17] =	ssyncadd.s32 $0xFFFFC000  }
0x30e: {  	[hbm4b:s3+s2] =	stream.linear.scatter [tilespmem:s11], [sflag:$0xB], $0x4000, $0x38;
	[tilespmem:$0x1F400] =	vst v63  }
0x30f: {  	_ =	swait.ge [sflag:s14], $0x4000  }
0x310: {  	s22 =	sld [smem:$0x7FD]  }
0x311: {  	[sflag:s14] =	ssyncset.done $0x0  }
0x312: {  	s16 =	simm.s32 $0xD;
	[sflag:s14] =	ssyncadd.s32 $0xFFFFC000  }
0x313: {  	[hbm4b:s22+s2] =	stream.linear.scatter [tilespmem:s10], [sflag:$0xC], $0x4000, $0x38;
	[tilespmem:$0x1F400] =	vst v63  }
0x314: {  	_ =	swait.ge [sflag:s16], $0x4000  }
0x315: {  	[sflag:s16] =	ssyncset.done $0x0  }
0x316: {  	[sflag:s16] =	ssyncadd.s32 $0xFFFFC000  }
0x317: {  	_ =	swait.ge [sflag:s13], $0x4000  }
0x318: {  	[sflag:s13] =	ssyncset.done $0x0  }
0x319: {  	[sflag:s13] =	ssyncadd.s32 $0xFFFFC000  }
0x31a: {  	_ =	swait.ge [sflag:s8], $0x4000  }
0x31b: {  	[sflag:s8] =	ssyncset.done $0x0  }
0x31c: {  	[sflag:s8] =	ssyncadd.s32 $0xFFFFC000  }
0x31d: {  	_ =	swait.ge [sflag:s7], $0x4000  }
0x31e: {  	[sflag:s7] =	ssyncset.done $0x0  }
0x31f: {  	[sflag:s7] =	ssyncadd.s32 $0xFFFFC000  }
0x320: {  	_ =	swait.ge [sflag:s6], $0x4000  }
0x321: {  	[sflag:s6] =	ssyncset.done $0x0  }
0x322: {  	p1 =	sne.s32 s0, $0x1;
	[sflag:s6] =	ssyncadd.s32 $0xFFFFC000  }
.Ltmp2:
0x323: {  	_ =	swait.ge [sflag:s4], $0x4000;
	(pc) =	sbr.rel @p1 .LBB2_4-.Ltmp2, $4  }
0x324: {  	[sflag:s4] =	ssyncset.done $0x0  }
0x325: {  	[sflag:s4] =	ssyncadd.s32 $0xFFFFC000  }
0x326: {  	_ =	swait.ge [sflag:s26], $0x4000  }
0x327: {  	s0 =	sadd.s32 $0xFFFFFFFF, s0;
	s22 =	rddreg [dreg:$0x3];
	[sflag:s26] =	ssyncset.done $0x0  }
0x328: {  	s24 =	sld [smem:$0x7FC];
	s19 =	simm.s32 $0x400  }
.LBB2_6:
0x329: {  	[sflag:s26] =	ssyncadd.s32 @p0 $0xFFFFC000  }
0x32a: {  	[tilespmem:s2], [sflag:$0xF] =	stream.linear.gather [hbm4b:s22+s2], $0x200, $0x38;
	[tilespmem:$0x1F400] =	vst v63  }
0x32b: {  	s0 =	rddreg [dreg:$0x4]  }
0x32c: {  	[tilespmem:s9], [sflag:$0xF] =	stream.linear.gather [hbm4b:s0+s2], $0x200, $0x38;
	[tilespmem:$0x1F400] =	vst v63  }
0x32d: {  	s1 =	rddreg [dreg:$0x5]  }
0x32e: {  	[tilespmem:s19], [sflag:$0xF] =	stream.linear.gather [hbm4b:s1+s2], $0x200, $0x38;
	[tilespmem:$0x1F400] =	vst v63  }
0x32f: {  	s3 =	simm.s32 $0x600;
	s0 =	rddreg [dreg:$0x6]  }
0x330: {  	[tilespmem:s3], [sflag:$0xF] =	stream.linear.gather [hbm4b:s0+s2], $0x200, $0x38;
	[tilespmem:$0x1F400] =	vst v63  }
0x331: {  	s22 =	rddreg [dreg:$0x7];
	s3 =	simm.s32 $0x800  }
0x332: {  	[tilespmem:s3], [sflag:$0xF] =	stream.linear.gather [hbm4b:s22+s2], $0x200, $0x38;
	[tilespmem:$0x1F400] =	vst v63  }
0x333: {  	s19 =	rddreg [dreg:$0x8];
	s22 =	simm.s32 $0xA00  }
0x334: {  	[tilespmem:s22], [sflag:$0xF] =	stream.linear.gather [hbm4b:s19+s2], $0x200, $0x38;
	[tilespmem:$0x1F400] =	vst v63  }
0x335: {  	s1 =	rddreg [dreg:$0x9];
	s19 =	simm.s32 $0xC00  }
0x336: {  	[tilespmem:s19], [sflag:$0xF] =	stream.linear.gather [hbm4b:s1+s2], $0x200, $0x38;
	[tilespmem:$0x1F400] =	vst v63  }
0x337: {  	s0 =	rddreg [dreg:$0xa];
	s19 =	simm.s32 $0xE00  }
0x338: {  	[tilespmem:s19], [sflag:$0xF] =	stream.linear.gather [hbm4b:s0+s2], $0x200, $0x38;
	[tilespmem:$0x1F400] =	vst v63  }
0x339: {  	s1 =	rddreg [dreg:$0xb];
	s19 =	simm.s32 $0x1000  }
0x33a: {  	[tilespmem:s19], [sflag:$0xF] =	stream.linear.gather [hbm4b:s1+s2], $0x200, $0x38;
	[tilespmem:$0x1F400] =	vst v63  }
0x33b: {  	s0 =	rddreg [dreg:$0xc];
	s19 =	simm.s32 $0x1200  }
0x33c: {  	[tilespmem:s19], [sflag:$0xF] =	stream.linear.gather [hbm4b:s0+s2], $0x200, $0x38;
	[tilespmem:$0x1F400] =	vst v63  }
0x33d: {  	s1 =	rddreg [dreg:$0xd];
	s19 =	simm.s32 $0x1400  }
0x33e: {  	[tilespmem:s19], [sflag:$0xF] =	stream.linear.gather [hbm4b:s1+s2], $0x200, $0x38;
	[tilespmem:$0x1F400] =	vst v63  }
0x33f: {  	s0 =	rddreg [dreg:$0xe];
	s19 =	simm.s32 $0x1600  }
0x340: {  	[tilespmem:s19], [sflag:$0xF] =	stream.linear.gather [hbm4b:s0+s2], $0x200, $0x38;
	[tilespmem:$0x1F400] =	vst v63  }
0x341: {  	s1 =	rddreg [dreg:$0xf];
	s19 =	simm.s32 $0x1800  }
0x342: {  	[tilespmem:s19], [sflag:$0xF] =	stream.linear.gather [hbm4b:s1+s2], $0x200, $0x38;
	[tilespmem:$0x1F400] =	vst v63  }
0x343: {  	s0 =	rddreg [dreg:$0x10];
	s19 =	simm.s32 $0x1A00  }
0x344: {  	[tilespmem:s19], [sflag:$0xF] =	stream.linear.gather [hbm4b:s0+s2], $0x200, $0x38;
	[tilespmem:$0x1F400] =	vst v63  }
0x345: {  	s1 =	rddreg [dreg:$0x11];
	s19 =	simm.s32 $0x1C00  }
0x346: {  	[tilespmem:s19], [sflag:$0xF] =	stream.linear.gather [hbm4b:s1+s2], $0x200, $0x38;
	[tilespmem:$0x1F400] =	vst v63  }
0x347: {  	s0 =	rddreg [dreg:$0x12];
	s19 =	simm.s32 $0x1E00  }
0x348: {  	[tilespmem:s19], [sflag:$0xF] =	stream.linear.gather [hbm4b:s0+s2], $0x200, $0x38;
	[tilespmem:$0x1F400] =	vst v63  }
0x349: {  	s1 =	rddreg [dreg:$0x13];
	s19 =	simm.s32 $0x2000  }
0x34a: {  	[tilespmem:s19], [sflag:$0xF] =	stream.linear.gather [hbm4b:s1+s2], $0x200, $0x38;
	[tilespmem:$0x1F400] =	vst v63  }
0x34b: {  	s0 =	rddreg [dreg:$0x14];
	s19 =	simm.s32 $0x2200  }
0x34c: {  	[tilespmem:s19], [sflag:$0xF] =	stream.linear.gather [hbm4b:s0+s2], $0x200, $0x38;
	[tilespmem:$0x1F400] =	vst v63  }
0x34d: {  	s1 =	rddreg [dreg:$0x15];
	s19 =	simm.s32 $0x2400  }
0x34e: {  	[tilespmem:s19], [sflag:$0xF] =	stream.linear.gather [hbm4b:s1+s2], $0x200, $0x38;
	[tilespmem:$0x1F400] =	vst v63  }
0x34f: {  	s0 =	rddreg [dreg:$0x16];
	s19 =	simm.s32 $0x2600  }
0x350: {  	[tilespmem:s19], [sflag:$0xF] =	stream.linear.gather [hbm4b:s0+s2], $0x200, $0x38;
	[tilespmem:$0x1F400] =	vst v63  }
0x351: {  	s1 =	rddreg [dreg:$0x17];
	s19 =	simm.s32 $0x2800  }
0x352: {  	[tilespmem:s19], [sflag:$0xF] =	stream.linear.gather [hbm4b:s1+s2], $0x200, $0x38;
	[tilespmem:$0x1F400] =	vst v63  }
0x353: {  	s0 =	rddreg [dreg:$0x18];
	s19 =	simm.s32 $0x2A00  }
0x354: {  	[tilespmem:s19], [sflag:$0xF] =	stream.linear.gather [hbm4b:s0+s2], $0x200, $0x38;
	[tilespmem:$0x1F400] =	vst v63  }
0x355: {  	s1 =	rddreg [dreg:$0x19];
	s19 =	simm.s32 $0x2C00  }
0x356: {  	[tilespmem:s19], [sflag:$0xF] =	stream.linear.gather [hbm4b:s1+s2], $0x200, $0x38;
	[tilespmem:$0x1F400] =	vst v63  }
0x357: {  	s0 =	rddreg [dreg:$0x1a];
	s19 =	simm.s32 $0x2E00  }
0x358: {  	[tilespmem:s19], [sflag:$0xF] =	stream.linear.gather [hbm4b:s0+s2], $0x200, $0x38;
	[tilespmem:$0x1F400] =	vst v63  }
0x359: {  	s1 =	rddreg [dreg:$0x1b];
	s19 =	simm.s32 $0x3000  }
0x35a: {  	[tilespmem:s19], [sflag:$0xF] =	stream.linear.gather [hbm4b:s1+s2], $0x200, $0x38;
	[tilespmem:$0x1F400] =	vst v63  }
0x35b: {  	s0 =	rddreg [dreg:$0x1c];
	s1 =	simm.s32 $0x3200  }
0x35c: {  	[tilespmem:s1], [sflag:$0xF] =	stream.linear.gather [hbm4b:s0+s2], $0x200, $0x38;
	[tilespmem:$0x1F400] =	vst v63  }
0x35d: {  	_ =	swait.ge [sflag:s31], $0x200  }
0x35e: {  	[sflag:s31] =	ssyncset.done $0x0  }
0x35f: {  	[sflag:s31] =	ssyncadd.s32 $0xFFFFFE00  }
0x360: {  	_ =	swait.ge [sflag:s31], $0x200  }
0x361: {  	[sflag:s31] =	ssyncset.done $0x0  }
0x362: {  	[sflag:s31] =	ssyncadd.s32 $0xFFFFFE00  }
0x363: {  	_ =	swait.ge [sflag:s31], $0x200  }
0x364: {  	[sflag:s31] =	ssyncset.done $0x0  }
0x365: {  	[sflag:s31] =	ssyncadd.s32 $0xFFFFFE00  }
0x366: {  	_ =	swait.ge [sflag:s31], $0x200  }
0x367: {  	[sflag:s31] =	ssyncset.done $0x0  }
0x368: {  	[sflag:s31] =	ssyncadd.s32 $0xFFFFFE00  }
0x369: {  	_ =	swait.ge [sflag:s31], $0x200  }
0x36a: {  	[sflag:s31] =	ssyncset.done $0x0  }
0x36b: {  	[sflag:s31] =	ssyncadd.s32 $0xFFFFFE00  }
0x36c: {  	_ =	swait.ge [sflag:s31], $0x200  }
0x36d: {  	[sflag:s31] =	ssyncset.done $0x0  }
0x36e: {  	[sflag:s31] =	ssyncadd.s32 $0xFFFFFE00  }
0x36f: {  	_ =	swait.ge [sflag:s31], $0x200  }
0x370: {  	[sflag:s31] =	ssyncset.done $0x0  }
0x371: {  	[sflag:s31] =	ssyncadd.s32 $0xFFFFFE00  }
0x372: {  	_ =	swait.ge [sflag:s31], $0x200  }
0x373: {  	[sflag:s31] =	ssyncset.done $0x0  }
0x374: {  	[sflag:s31] =	ssyncadd.s32 $0xFFFFFE00  }
0x375: {  	_ =	swait.ge [sflag:s31], $0x200  }
0x376: {  	[sflag:s31] =	ssyncset.done $0x0  }
0x377: {  	[sflag:s31] =	ssyncadd.s32 $0xFFFFFE00  }
0x378: {  	_ =	swait.ge [sflag:s31], $0x200  }
0x379: {  	[sflag:s31] =	ssyncset.done $0x0  }
0x37a: {  	[sflag:s31] =	ssyncadd.s32 $0xFFFFFE00  }
0x37b: {  	_ =	swait.ge [sflag:s31], $0x200  }
0x37c: {  	[sflag:s31] =	ssyncset.done $0x0  }
0x37d: {  	[sflag:s31] =	ssyncadd.s32 $0xFFFFFE00  }
0x37e: {  	_ =	swait.ge [sflag:s31], $0x200  }
0x37f: {  	[sflag:s31] =	ssyncset.done $0x0  }
0x380: {  	[sflag:s31] =	ssyncadd.s32 $0xFFFFFE00  }
0x381: {  	_ =	swait.ge [sflag:s31], $0x200  }
0x382: {  	[sflag:s31] =	ssyncset.done $0x0  }
0x383: {  	[sflag:s31] =	ssyncadd.s32 $0xFFFFFE00  }
0x384: {  	_ =	swait.ge [sflag:s31], $0x200  }
0x385: {  	[sflag:s31] =	ssyncset.done $0x0  }
0x386: {  	[sflag:s31] =	ssyncadd.s32 $0xFFFFFE00  }
0x387: {  	_ =	swait.ge [sflag:s31], $0x200  }
0x388: {  	[sflag:s31] =	ssyncset.done $0x0  }
0x389: {  	[sflag:s31] =	ssyncadd.s32 $0xFFFFFE00  }
0x38a: {  	_ =	swait.ge [sflag:s31], $0x200  }
0x38b: {  	[sflag:s31] =	ssyncset.done $0x0  }
0x38c: {  	[sflag:s31] =	ssyncadd.s32 $0xFFFFFE00  }
0x38d: {  	_ =	swait.ge [sflag:s31], $0x200  }
0x38e: {  	[sflag:s31] =	ssyncset.done $0x0  }
0x38f: {  	[sflag:s31] =	ssyncadd.s32 $0xFFFFFE00  }
0x390: {  	_ =	swait.ge [sflag:s31], $0x200  }
0x391: {  	[sflag:s31] =	ssyncset.done $0x0  }
0x392: {  	[sflag:s31] =	ssyncadd.s32 $0xFFFFFE00  }
0x393: {  	_ =	swait.ge [sflag:s31], $0x200  }
0x394: {  	[sflag:s31] =	ssyncset.done $0x0  }
0x395: {  	[sflag:s31] =	ssyncadd.s32 $0xFFFFFE00  }
0x396: {  	_ =	swait.ge [sflag:s31], $0x200  }
0x397: {  	[sflag:s31] =	ssyncset.done $0x0  }
0x398: {  	[sflag:s31] =	ssyncadd.s32 $0xFFFFFE00  }
0x399: {  	_ =	swait.ge [sflag:s31], $0x200  }
0x39a: {  	[sflag:s31] =	ssyncset.done $0x0  }
0x39b: {  	[sflag:s31] =	ssyncadd.s32 $0xFFFFFE00  }
0x39c: {  	_ =	swait.ge [sflag:s31], $0x200  }
0x39d: {  	[sflag:s31] =	ssyncset.done $0x0  }
0x39e: {  	[sflag:s31] =	ssyncadd.s32 $0xFFFFFE00  }
0x39f: {  	_ =	swait.ge [sflag:s31], $0x200  }
0x3a0: {  	[sflag:s31] =	ssyncset.done $0x0  }
0x3a1: {  	[sflag:s31] =	ssyncadd.s32 $0xFFFFFE00  }
0x3a2: {  	_ =	swait.ge [sflag:s31], $0x200  }
0x3a3: {  	[sflag:s31] =	ssyncset.done $0x0  }
0x3a4: {  	[sflag:s31] =	ssyncadd.s32 $0xFFFFFE00  }
0x3a5: {  	_ =	swait.ge [sflag:s31], $0x200  }
0x3a6: {  	[sflag:s31] =	ssyncset.done $0x0  }
0x3a7: {  	[sflag:s31] =	ssyncadd.s32 $0xFFFFFE00  }
0x3a8: {  	_ =	swait.ge [sflag:s31], $0x200  }
0x3a9: {  	[sflag:s31] =	ssyncset.done $0x0  }
0x3aa: {  	[sflag:s31] =	ssyncadd.s32 $0xFFFFFE00  }
0x3ab: {  	[tilespmem:s18], [sflag:$0x1] =	stream.indirect.gather [hbm4b:s5+s9], $0x20, s2, s9, $0xb8;
	[tilespmem:$0x1F400] =	vst v63  }
0x3ac: {  	_ = 	snop  }
0x3ad: {  	[tilespmem:s15], [sflag:$0x2] =	stream.indirect.gather [hbm4b:s5+s9], $0x20, s9, s9, $0xb8;
	[tilespmem:$0x1F400] =	vst v63  }
0x3ae: {  	s31 =	simm.s32 $0x400  }
0x3af: {  	[tilespmem:s12], [sflag:$0x3] =	stream.indirect.gather [hbm4b:s5+s9], $0x20, s31, s9, $0xb8;
	[tilespmem:$0x1F400] =	vst v63  }
0x3b0: {  	s31 =	simm.s32 $0x600  }
0x3b1: {  	[tilespmem:s11], [sflag:$0x4] =	stream.indirect.gather [hbm4b:s5+s9], $0x20, s31, s9, $0xb8;
	[tilespmem:$0x1F400] =	vst v63  }
0x3b2: {  	_ = 	snop  }
0x3b3: {  	[tilespmem:s10], [sflag:$0x5] =	stream.indirect.gather [hbm4b:s5+s9], $0x20, s3, s9, $0xb8;
	[tilespmem:$0x1F400] =	vst v63  }
0x3b4: {  	_ = 	snop  }
0x3b5: {  	[tilespmem:s25], [sflag:$0x6] =	stream.indirect.gather [hbm4b:s5+s9], $0x20, s22, s9, $0xb8;
	[tilespmem:$0x1F400] =	vst v63  }
0x3b6: {  	_ =	swait.ge [sflag:s21], $0x4000  }
0x3b7: {  	[sflag:s21] =	ssyncset.done $0x0  }
0x3b8: {  	[sflag:s21] =	ssyncadd.s32 $0xFFFFC000  }
0x3b9: {  	[hbm4b:s24+s2] =	stream.linear.scatter [tilespmem:s18], [sflag:$0x8], $0x4000, $0x38;
	[tilespmem:$0x1F400] =	vst v63  }
0x3ba: {  	s22 =	simm.s32 $0xC00  }
0x3bb: {  	[tilespmem:s23], [sflag:$0x7] =	stream.indirect.gather [hbm4b:s5+s9], $0x20, s22, s9, $0xb8;
	[tilespmem:$0x1F400] =	vst v63  }
0x3bc: {  	_ =	swait.ge [sflag:s20], $0x4000  }
0x3bd: {  	[sflag:s20] =	ssyncset.done $0x0  }
0x3be: {  	s24 =	rddreg [dreg:$0x1d];
	[sflag:s20] =	ssyncadd.s32 $0xFFFFC000  }
0x3bf: {  	[hbm4b:s24+s2] =	stream.linear.scatter [tilespmem:s15], [sflag:$0x9], $0x4000, $0x38;
	[tilespmem:$0x1F400] =	vst v63  }
0x3c0: {  	_ =	swait.ge [sflag:s8], $0x4000  }
0x3c1: {  	[sflag:s8] =	ssyncset.done $0x0  }
0x3c2: {  	s31 =	simm.s32 $0xE00;
	[sflag:s8] =	ssyncadd.s32 $0xFFFFC000  }
0x3c3: {  	[tilespmem:s18], [sflag:$0x1] =	stream.indirect.gather [hbm4b:s5+s9], $0x20, s31, s9, $0xb8;
	[tilespmem:$0x1F400] =	vst v63  }
0x3c4: {  	_ =	swait.ge [sflag:s30], $0x4000  }
0x3c5: {  	[sflag:s30] =	ssyncset.done $0x0  }
0x3c6: {  	s3 =	rddreg [dreg:$0x1e];
	[sflag:s30] =	ssyncadd.s32 $0xFFFFC000  }
0x3c7: {  	[hbm4b:s3+s2] =	stream.linear.scatter [tilespmem:s12], [sflag:$0xA], $0x4000, $0x38;
	[tilespmem:$0x1F400] =	vst v63  }
0x3c8: {  	_ =	swait.ge [sflag:s7], $0x4000  }
0x3c9: {  	[sflag:s7] =	ssyncset.done $0x0  }
0x3ca: {  	s22 =	simm.s32 $0x1000;
	[sflag:s7] =	ssyncadd.s32 $0xFFFFC000  }
0x3cb: {  	[tilespmem:s15], [sflag:$0x2] =	stream.indirect.gather [hbm4b:s5+s9], $0x20, s22, s9, $0xb8;
	[tilespmem:$0x1F400] =	vst v63  }
0x3cc: {  	_ =	swait.ge [sflag:s17], $0x4000  }
0x3cd: {  	[sflag:s17] =	ssyncset.done $0x0  }
0x3ce: {  	s24 =	rddreg [dreg:$0x1f];
	[sflag:s17] =	ssyncadd.s32 $0xFFFFC000  }
0x3cf: {  	[hbm4b:s24+s2] =	stream.linear.scatter [tilespmem:s11], [sflag:$0xB], $0x4000, $0x38;
	[tilespmem:$0x1F400] =	vst v63  }
0x3d0: {  	_ =	swait.ge [sflag:s6], $0x4000  }
0x3d1: {  	[sflag:s6] =	ssyncset.done $0x0  }
0x3d2: {  	s31 =	simm.s32 $0x1200;
	[sflag:s6] =	ssyncadd.s32 $0xFFFFC000  }
0x3d3: {  	[tilespmem:s12], [sflag:$0x3] =	stream.indirect.gather [hbm4b:s5+s9], $0x20, s31, s9, $0xb8;
	[tilespmem:$0x1F400] =	vst v63  }
0x3d4: {  	_ =	swait.ge [sflag:s14], $0x4000  }
0x3d5: {  	s3 =	sld [smem:$0x7E7]  }
0x3d6: {  	[sflag:s14] =	ssyncset.done $0x0  }
0x3d7: {  	[sflag:s14] =	ssyncadd.s32 $0xFFFFC000  }
0x3d8: {  	[hbm4b:s3+s2] =	stream.linear.scatter [tilespmem:s10], [sflag:$0xC], $0x4000, $0x38;
	[tilespmem:$0x1F400] =	vst v63  }
0x3d9: {  	_ =	swait.ge [sflag:s4], $0x4000  }
0x3da: {  	[sflag:s4] =	ssyncset.done $0x0  }
0x3db: {  	s22 =	simm.s32 $0x1400;
	[sflag:s4] =	ssyncadd.s32 $0xFFFFC000  }
0x3dc: {  	[tilespmem:s11], [sflag:$0x4] =	stream.indirect.gather [hbm4b:s5+s9], $0x20, s22, s9, $0xb8;
	[tilespmem:$0x1F400] =	vst v63  }
0x3dd: {  	_ =	swait.ge [sflag:s29], $0x4000  }
0x3de: {  	s24 =	sld [smem:$0x7E8]  }
0x3df: {  	[sflag:s29] =	ssyncset.done $0x0  }
0x3e0: {  	[sflag:s29] =	ssyncadd.s32 $0xFFFFC000  }
0x3e1: {  	[hbm4b:s24+s2] =	stream.linear.scatter [tilespmem:s25], [sflag:$0xD], $0x4000, $0x38;
	[tilespmem:$0x1F400] =	vst v63  }
0x3e2: {  	_ =	swait.ge [sflag:s26], $0x4000  }
0x3e3: {  	[sflag:s26] =	ssyncset.done $0x0  }
0x3e4: {  	s31 =	simm.s32 $0x1600;
	[sflag:s26] =	ssyncadd.s32 $0xFFFFC000  }
0x3e5: {  	[tilespmem:s10], [sflag:$0x5] =	stream.indirect.gather [hbm4b:s5+s9], $0x20, s31, s9, $0xb8;
	[tilespmem:$0x1F400] =	vst v63  }
0x3e6: {  	_ =	swait.ge [sflag:s28], $0x4000  }
0x3e7: {  	s3 =	sld [smem:$0x7E9]  }
0x3e8: {  	[sflag:s28] =	ssyncset.done $0x0  }
0x3e9: {  	[sflag:s28] =	ssyncadd.s32 $0xFFFFC000  }
0x3ea: {  	[hbm4b:s3+s2] =	stream.linear.scatter [tilespmem:s23], [sflag:$0xE], $0x4000, $0x38;
	[tilespmem:$0x1F400] =	vst v63  }
0x3eb: {  	_ =	swait.ge [sflag:s16], $0x4000  }
0x3ec: {  	[sflag:s16] =	ssyncset.done $0x0  }
0x3ed: {  	s22 =	simm.s32 $0x1800;
	[sflag:s16] =	ssyncadd.s32 $0xFFFFC000  }
0x3ee: {  	[tilespmem:s25], [sflag:$0x6] =	stream.indirect.gather [hbm4b:s5+s9], $0x20, s22, s9, $0xb8;
	[tilespmem:$0x1F400] =	vst v63  }
0x3ef: {  	_ =	swait.ge [sflag:s21], $0x4000  }
0x3f0: {  	s24 =	sld [smem:$0x7EA]  }
0x3f1: {  	[sflag:s21] =	ssyncset.done $0x0  }
0x3f2: {  	[sflag:s21] =	ssyncadd.s32 $0xFFFFC000  }
0x3f3: {  	[hbm4b:s24+s2] =	stream.linear.scatter [tilespmem:s18], [sflag:$0x8], $0x4000, $0x38;
	[tilespmem:$0x1F400] =	vst v63  }
0x3f4: {  	_ =	swait.ge [sflag:s13], $0x4000  }
0x3f5: {  	[sflag:s13] =	ssyncset.done $0x0  }
0x3f6: {  	s31 =	simm.s32 $0x1A00;
	[sflag:s13] =	ssyncadd.s32 $0xFFFFC000  }
0x3f7: {  	[tilespmem:s23], [sflag:$0x7] =	stream.indirect.gather [hbm4b:s5+s9], $0x20, s31, s9, $0xb8;
	[tilespmem:$0x1F400] =	vst v63  }
0x3f8: {  	_ =	swait.ge [sflag:s20], $0x4000  }
0x3f9: {  	s3 =	sld [smem:$0x7EB]  }
0x3fa: {  	[sflag:s20] =	ssyncset.done $0x0  }
0x3fb: {  	[sflag:s20] =	ssyncadd.s32 $0xFFFFC000  }
0x3fc: {  	[hbm4b:s3+s2] =	stream.linear.scatter [tilespmem:s15], [sflag:$0x9], $0x4000, $0x38;
	[tilespmem:$0x1F400] =	vst v63  }
0x3fd: {  	_ =	swait.ge [sflag:s8], $0x4000  }
0x3fe: {  	[sflag:s8] =	ssyncset.done $0x0  }
0x3ff: {  	s22 =	simm.s32 $0x1C00;
	[sflag:s8] =	ssyncadd.s32 $0xFFFFC000  }
0x400: {  	[tilespmem:s18], [sflag:$0x1] =	stream.indirect.gather [hbm4b:s5+s9], $0x20, s22, s9, $0xb8;
	[tilespmem:$0x1F400] =	vst v63  }
0x401: {  	_ =	swait.ge [sflag:s30], $0x4000  }
0x402: {  	s24 =	sld [smem:$0x7EC]  }
0x403: {  	[sflag:s30] =	ssyncset.done $0x0  }
0x404: {  	[sflag:s30] =	ssyncadd.s32 $0xFFFFC000  }
0x405: {  	[hbm4b:s24+s2] =	stream.linear.scatter [tilespmem:s12], [sflag:$0xA], $0x4000, $0x38;
	[tilespmem:$0x1F400] =	vst v63  }
0x406: {  	_ =	swait.ge [sflag:s7], $0x4000  }
0x407: {  	[sflag:s7] =	ssyncset.done $0x0  }
0x408: {  	s31 =	simm.s32 $0x1E00;
	[sflag:s7] =	ssyncadd.s32 $0xFFFFC000  }
0x409: {  	[tilespmem:s15], [sflag:$0x2] =	stream.indirect.gather [hbm4b:s5+s9], $0x20, s31, s9, $0xb8;
	[tilespmem:$0x1F400] =	vst v63  }
0x40a: {  	_ =	swait.ge [sflag:s17], $0x4000  }
0x40b: {  	s3 =	sld [smem:$0x7ED]  }
0x40c: {  	[sflag:s17] =	ssyncset.done $0x0  }
0x40d: {  	[sflag:s17] =	ssyncadd.s32 $0xFFFFC000  }
0x40e: {  	[hbm4b:s3+s2] =	stream.linear.scatter [tilespmem:s11], [sflag:$0xB], $0x4000, $0x38;
	[tilespmem:$0x1F400] =	vst v63  }
0x40f: {  	_ =	swait.ge [sflag:s6], $0x4000  }
0x410: {  	[sflag:s6] =	ssyncset.done $0x0  }
0x411: {  	s22 =	simm.s32 $0x2000;
	[sflag:s6] =	ssyncadd.s32 $0xFFFFC000  }
0x412: {  	[tilespmem:s12], [sflag:$0x3] =	stream.indirect.gather [hbm4b:s5+s9], $0x20, s22, s9, $0xb8;
	[tilespmem:$0x1F400] =	vst v63  }
0x413: {  	_ =	swait.ge [sflag:s14], $0x4000  }
0x414: {  	s24 =	sld [smem:$0x7EE]  }
0x415: {  	[sflag:s14] =	ssyncset.done $0x0  }
0x416: {  	[sflag:s14] =	ssyncadd.s32 $0xFFFFC000  }
0x417: {  	[hbm4b:s24+s2] =	stream.linear.scatter [tilespmem:s10], [sflag:$0xC], $0x4000, $0x38;
	[tilespmem:$0x1F400] =	vst v63  }
0x418: {  	_ =	swait.ge [sflag:s4], $0x4000  }
0x419: {  	[sflag:s4] =	ssyncset.done $0x0  }
0x41a: {  	s31 =	simm.s32 $0x2200;
	[sflag:s4] =	ssyncadd.s32 $0xFFFFC000  }
0x41b: {  	[tilespmem:s11], [sflag:$0x4] =	stream.indirect.gather [hbm4b:s5+s9], $0x20, s31, s9, $0xb8;
	[tilespmem:$0x1F400] =	vst v63  }
0x41c: {  	_ =	swait.ge [sflag:s29], $0x4000  }
0x41d: {  	s3 =	sld [smem:$0x7EF]  }
0x41e: {  	[sflag:s29] =	ssyncset.done $0x0  }
0x41f: {  	[sflag:s29] =	ssyncadd.s32 $0xFFFFC000  }
0x420: {  	[hbm4b:s3+s2] =	stream.linear.scatter [tilespmem:s25], [sflag:$0xD], $0x4000, $0x38;
	[tilespmem:$0x1F400] =	vst v63  }
0x421: {  	_ =	swait.ge [sflag:s26], $0x4000  }
0x422: {  	[sflag:s26] =	ssyncset.done $0x0  }
0x423: {  	s22 =	simm.s32 $0x2400;
	[sflag:s26] =	ssyncadd.s32 $0xFFFFC000  }
0x424: {  	[tilespmem:s10], [sflag:$0x5] =	stream.indirect.gather [hbm4b:s5+s9], $0x20, s22, s9, $0xb8;
	[tilespmem:$0x1F400] =	vst v63  }
0x425: {  	_ =	swait.ge [sflag:s28], $0x4000  }
0x426: {  	s24 =	sld [smem:$0x7F0]  }
0x427: {  	[sflag:s28] =	ssyncset.done $0x0  }
0x428: {  	[sflag:s28] =	ssyncadd.s32 $0xFFFFC000  }
0x429: {  	[hbm4b:s24+s2] =	stream.linear.scatter [tilespmem:s23], [sflag:$0xE], $0x4000, $0x38;
	[tilespmem:$0x1F400] =	vst v63  }
0x42a: {  	_ =	swait.ge [sflag:s16], $0x4000  }
0x42b: {  	[sflag:s16] =	ssyncset.done $0x0  }
0x42c: {  	s31 =	simm.s32 $0x2600;
	[sflag:s16] =	ssyncadd.s32 $0xFFFFC000  }
0x42d: {  	[tilespmem:s25], [sflag:$0x6] =	stream.indirect.gather [hbm4b:s5+s9], $0x20, s31, s9, $0xb8;
	[tilespmem:$0x1F400] =	vst v63  }
0x42e: {  	_ =	swait.ge [sflag:s21], $0x4000  }
0x42f: {  	s3 =	sld [smem:$0x7F1]  }
0x430: {  	[sflag:s21] =	ssyncset.done $0x0  }
0x431: {  	[sflag:s21] =	ssyncadd.s32 $0xFFFFC000  }
0x432: {  	[hbm4b:s3+s2] =	stream.linear.scatter [tilespmem:s18], [sflag:$0x8], $0x4000, $0x38;
	[tilespmem:$0x1F400] =	vst v63  }
0x433: {  	_ =	swait.ge [sflag:s13], $0x4000  }
0x434: {  	[sflag:s13] =	ssyncset.done $0x0  }
0x435: {  	s22 =	simm.s32 $0x2800;
	[sflag:s13] =	ssyncadd.s32 $0xFFFFC000  }
0x436: {  	[tilespmem:s23], [sflag:$0x7] =	stream.indirect.gather [hbm4b:s5+s9], $0x20, s22, s9, $0xb8;
	[tilespmem:$0x1F400] =	vst v63  }
0x437: {  	_ =	swait.ge [sflag:s20], $0x4000  }
0x438: {  	s24 =	sld [smem:$0x7F2]  }
0x439: {  	[sflag:s20] =	ssyncset.done $0x0  }
0x43a: {  	[sflag:s20] =	ssyncadd.s32 $0xFFFFC000  }
0x43b: {  	[hbm4b:s24+s2] =	stream.linear.scatter [tilespmem:s15], [sflag:$0x9], $0x4000, $0x38;
	[tilespmem:$0x1F400] =	vst v63  }
0x43c: {  	_ =	swait.ge [sflag:s8], $0x4000  }
0x43d: {  	[sflag:s8] =	ssyncset.done $0x0  }
0x43e: {  	s31 =	simm.s32 $0x2A00;
	[sflag:s8] =	ssyncadd.s32 $0xFFFFC000  }
0x43f: {  	[tilespmem:s18], [sflag:$0x1] =	stream.indirect.gather [hbm4b:s5+s9], $0x20, s31, s9, $0xb8;
	[tilespmem:$0x1F400] =	vst v63  }
0x440: {  	_ =	swait.ge [sflag:s30], $0x4000  }
0x441: {  	s3 =	sld [smem:$0x7F3]  }
0x442: {  	[sflag:s30] =	ssyncset.done $0x0  }
0x443: {  	[sflag:s30] =	ssyncadd.s32 $0xFFFFC000  }
0x444: {  	[hbm4b:s3+s2] =	stream.linear.scatter [tilespmem:s12], [sflag:$0xA], $0x4000, $0x38;
	[tilespmem:$0x1F400] =	vst v63  }
0x445: {  	_ =	swait.ge [sflag:s7], $0x4000  }
0x446: {  	[sflag:s7] =	ssyncset.done $0x0  }
0x447: {  	s22 =	simm.s32 $0x2C00;
	[sflag:s7] =	ssyncadd.s32 $0xFFFFC000  }
0x448: {  	[tilespmem:s15], [sflag:$0x2] =	stream.indirect.gather [hbm4b:s5+s9], $0x20, s22, s9, $0xb8;
	[tilespmem:$0x1F400] =	vst v63  }
0x449: {  	_ =	swait.ge [sflag:s17], $0x4000  }
0x44a: {  	s24 =	sld [smem:$0x7F4]  }
0x44b: {  	[sflag:s17] =	ssyncset.done $0x0  }
0x44c: {  	[sflag:s17] =	ssyncadd.s32 $0xFFFFC000  }
0x44d: {  	[hbm4b:s24+s2] =	stream.linear.scatter [tilespmem:s11], [sflag:$0xB], $0x4000, $0x38;
	[tilespmem:$0x1F400] =	vst v63  }
0x44e: {  	_ =	swait.ge [sflag:s6], $0x4000  }
0x44f: {  	[sflag:s6] =	ssyncset.done $0x0  }
0x450: {  	s31 =	simm.s32 $0x2E00;
	[sflag:s6] =	ssyncadd.s32 $0xFFFFC000  }
0x451: {  	[tilespmem:s12], [sflag:$0x3] =	stream.indirect.gather [hbm4b:s5+s9], $0x20, s31, s9, $0xb8;
	[tilespmem:$0x1F400] =	vst v63  }
0x452: {  	_ =	swait.ge [sflag:s14], $0x4000  }
0x453: {  	s3 =	sld [smem:$0x7F5]  }
0x454: {  	[sflag:s14] =	ssyncset.done $0x0  }
0x455: {  	[sflag:s14] =	ssyncadd.s32 $0xFFFFC000  }
0x456: {  	[hbm4b:s3+s2] =	stream.linear.scatter [tilespmem:s10], [sflag:$0xC], $0x4000, $0x38;
	[tilespmem:$0x1F400] =	vst v63  }
0x457: {  	_ =	swait.ge [sflag:s4], $0x4000  }
0x458: {  	[sflag:s4] =	ssyncset.done $0x0  }
0x459: {  	s19 =	simm.s32 $0x3000;
	[sflag:s4] =	ssyncadd.s32 $0xFFFFC000  }
0x45a: {  	[tilespmem:s11], [sflag:$0x4] =	stream.indirect.gather [hbm4b:s5+s9], $0x20, s19, s9, $0xb8;
	[tilespmem:$0x1F400] =	vst v63  }
0x45b: {  	_ =	swait.ge [sflag:s29], $0x4000  }
0x45c: {  	s19 =	sld [smem:$0x7F6]  }
0x45d: {  	[sflag:s29] =	ssyncset.done $0x0  }
0x45e: {  	[sflag:s29] =	ssyncadd.s32 $0xFFFFC000  }
0x45f: {  	[hbm4b:s19+s2] =	stream.linear.scatter [tilespmem:s25], [sflag:$0xD], $0x4000, $0x38;
	[tilespmem:$0x1F400] =	vst v63  }
0x460: {  	_ =	swait.ge [sflag:s26], $0x4000  }
0x461: {  	[sflag:s26] =	ssyncset.done $0x0  }
0x462: {  	[sflag:s26] =	ssyncadd.s32 $0xFFFFC000  }
0x463: {  	[tilespmem:s10], [sflag:$0x5] =	stream.indirect.gather [hbm4b:s5+s9], $0x20, s1, s9, $0xb8;
	[tilespmem:$0x1F400] =	vst v63  }
0x464: {  	_ =	swait.ge [sflag:s28], $0x4000  }
0x465: {  	s22 =	sld [smem:$0x7F7]  }
0x466: {  	[sflag:s28] =	ssyncset.done $0x0  }
0x467: {  	[sflag:s28] =	ssyncadd.s32 $0xFFFFC000  }
0x468: {  	[hbm4b:s22+s2] =	stream.linear.scatter [tilespmem:s23], [sflag:$0xE], $0x4000, $0x38;
	[tilespmem:$0x1F400] =	vst v63  }
0x469: {  	_ =	swait.ge [sflag:s21], $0x4000  }
0x46a: {  	s24 =	sld [smem:$0x7F8]  }
0x46b: {  	[sflag:s21] =	ssyncset.done $0x0  }
0x46c: {  	[sflag:s21] =	ssyncadd.s32 $0xFFFFC000  }
0x46d: {  	[hbm4b:s24+s2] =	stream.linear.scatter [tilespmem:s18], [sflag:$0x8], $0x4000, $0x38;
	[tilespmem:$0x1F400] =	vst v63  }
0x46e: {  	_ =	swait.ge [sflag:s20], $0x4000  }
0x46f: {  	s25 =	sld [smem:$0x7F9]  }
0x470: {  	[sflag:s20] =	ssyncset.done $0x0  }
0x471: {  	[sflag:s20] =	ssyncadd.s32 $0xFFFFC000  }
0x472: {  	[hbm4b:s25+s2] =	stream.linear.scatter [tilespmem:s15], [sflag:$0x9], $0x4000, $0x38;
	[tilespmem:$0x1F400] =	vst v63  }
0x473: {  	_ =	swait.ge [sflag:s30], $0x4000  }
0x474: {  	s28 =	sld [smem:$0x7FA]  }
0x475: {  	[sflag:s30] =	ssyncset.done $0x0  }
0x476: {  	[sflag:s30] =	ssyncadd.s32 $0xFFFFC000  }
0x477: {  	[hbm4b:s28+s2] =	stream.linear.scatter [tilespmem:s12], [sflag:$0xA], $0x4000, $0x38;
	[tilespmem:$0x1F400] =	vst v63  }
0x478: {  	_ =	swait.ge [sflag:s17], $0x4000  }
0x479: {  	s29 =	sld [smem:$0x7FB]  }
0x47a: {  	[sflag:s17] =	ssyncset.done $0x0  }
0x47b: {  	[sflag:s17] =	ssyncadd.s32 $0xFFFFC000  }
0x47c: {  	[hbm4b:s29+s2] =	stream.linear.scatter [tilespmem:s11], [sflag:$0xB], $0x4000, $0x38;
	[tilespmem:$0x1F400] =	vst v63  }
0x47d: {  	_ =	swait.ge [sflag:s14], $0x4000  }
0x47e: {  	s30 =	sld [smem:$0x7FD]  }
0x47f: {  	[sflag:s14] =	ssyncset.done $0x0  }
0x480: {  	[sflag:s14] =	ssyncadd.s32 $0xFFFFC000  }
0x481: {  	[hbm4b:s30+s2] =	stream.linear.scatter [tilespmem:s10], [sflag:$0xC], $0x4000, $0x38;
	[tilespmem:$0x1F400] =	vst v63  }
0x482: {  	_ =	swait.ge [sflag:s16], $0x4000  }
0x483: {  	[sflag:s16] =	ssyncset.done $0x0  }
0x484: {  	[sflag:s16] =	ssyncadd.s32 $0xFFFFC000  }
0x485: {  	_ =	swait.ge [sflag:s13], $0x4000  }
0x486: {  	[sflag:s13] =	ssyncset.done $0x0  }
0x487: {  	[sflag:s13] =	ssyncadd.s32 $0xFFFFC000  }
0x488: {  	_ =	swait.ge [sflag:s8], $0x4000  }
0x489: {  	[sflag:s8] =	ssyncset.done $0x0  }
0x48a: {  	[sflag:s8] =	ssyncadd.s32 $0xFFFFC000  }
0x48b: {  	_ =	swait.ge [sflag:s7], $0x4000  }
0x48c: {  	[sflag:s7] =	ssyncset.done $0x0  }
0x48d: {  	[sflag:s7] =	ssyncadd.s32 $0xFFFFC000  }
0x48e: {  	_ =	swait.ge [sflag:s6], $0x4000  }
0x48f: {  	[sflag:s6] =	ssyncset.done $0x0  }
0x490: {  	[sflag:s6] =	ssyncadd.s32 $0xFFFFC000  }
0x491: {  	_ =	swait.ge [sflag:s4], $0x4000  }
0x492: {  	[sflag:s4] =	ssyncset.done $0x0  }
0x493: {  	[sflag:s4] =	ssyncadd.s32 $0xFFFFC000  }
0x494: {  	_ =	swait.ge [sflag:s26], $0x4000  }
0x495: {  	[sflag:s26] =	ssyncset.done $0x0  }
0x496: {  	[sflag:s26] =	ssyncadd.s32 $0xFFFFC000  }
0x497: {  	_ =	sfence.sel $0x180000  }
0x498: {  	[bflag:$0x0] =	sbarrier.arrive $0xFFFF  }
0x499: {  	_ =	strace $0x90000047  }
0x49a: {  	s31 =	stileid.u32;
	[bflag:$0x2] =	sbarrier.arrive $0xFFFF  }
0x49b: {  	p0 =	sne.s32 s31, $0x0;
	s0 =	rddreg [dreg:$0x2]  }
0x49c: {  	s0 =	sadd.s32 @!p0 $0x100000, s0  }
0x49d: {  	[sflag:s0] =	ssyncadd.tile.s32 @!p0 $0x1;
	_ =	shalt  }
.LBB2_1:
.Ltmp3:
0x49e: {  	(pc) =	sbr.rel .LBB2_6-.Ltmp3, $2  }
0x49f: {  	_ =	sdelay $0x2  }
0x4a0: {  	s24 =	sld [smem:$0x7FC]  }
.LBB2_7:
.Ltmp4:
0x4a1: {  	(pc) =	sbr.rel .LBB2_6-.Ltmp4, $2  }
0x4a2: {  	_ =	sdelay $0x2  }
0x4a3: {  	s24 =	sld [smem:$0x7FC];
	s19 =	simm.s32 $0x400  }
.Lfunc_end2:
_tile_overlayer_lowered:
.L_overlay_start_2:
0x4a4: {  	(tag) =	ssettag $0x2  }
0x4a5: {  	s0 =	rddreg [dreg:$0x0];
	s2 =	stileid.u32  }
0x4a6: {  	s1 =	rddreg [dreg:$0x1];
	p0 =	sne.s32 s2, $0x0  }
0x4a7: {  	s3 =	rddreg [dreg:$0x2];
	[bflag:$0x3] =	sbarrier.arrive $0xFFFF;
	s2 =	simm.s32 @!p0 $0x1C10  }
0x4a8: {  	[timem:s3], [sflag:s2] =	dma.local @!p0 [hbm:s0], s1  }
0x4a9: {  	s0 =	simm.s32 @!p0 $0x10  }
0x4aa: {  	_ =	swait.ge @!p0 [sflag:s0], s1  }
0x4ab: {  	s1 =	ssub.s32 @!p0 $0x0, s1;
	[sflag:s0] =	ssyncset.done @!p0 $0x0  }
0x4ac: {  	[sflag:s0] =	ssyncadd.s32 @!p0 s1  }
0x4ad: {  	[bflag:$0x3] =	sbarrier.arrive $0xFFFF  }
0x4ae: {  	_ =	shalt  }

// kernel: sparse-core-data-format-call.cloned.1.call-start
scs
called_computation_lowered:
.L_overlay_start_0:
0x0: {  	s2 =	sld [smem:$0x3FD9]  }
0x1: {  	s3 =	sld [smem:$0x3FFE];
	_ =	sdelay $0x1  }
0x2: {  	s1 =	srdreg.scid  }
0x3: {  	s0 =	sand.u32 $0x1, s1  }
0x4: {  	s18 =	sshll.u32 s0, $0xA;
	s2 =	sadd.s32 s3, s2  }
0x5: {  	s2 =	sadd.s32 s2, s18  }
0x6: {  	[smem:$0x3FC6] =	sst s2  }
0x7: {  	_ = 	snop  }
0x8: {  	s2 =	sld [smem:$0x3FD0];
	(tm) =	ssettm $0x1  }
0x9: {  	s19 =	sld [smem:$0x3FFB];
	_ =	sdelay $0x3  }
0xa: {  	_ =	strace s19  }
0xb: {  	s3 =	sld [smem:$0x3FFC];
	_ =	sdelay $0x3  }
0xc: {  	_ =	strace s3  }
0xd: {  	s3 =	sld [smem:$0x3FFD];
	_ =	sdelay $0x3  }
0xe: {  	_ =	strace s3  }
0xf: {  	_ =	strace $0x8FFFFFFF  }
0x10: {  	s20 =	sld [smem:$0x3FDB];
	_ =	sdelay $0x1  }
0x11: {  	s4 =	simm.s32 $_scs_section_size  }
0x12: {  	s5 =	simm.s32 $_size__tile_overlayer_lowered;
	s6 =	simm.s32 $_tile_overlayer_lowered  }
0x13: {  	s23 =	simm.s32 $0x1BFF;
	s22 =	sshll.u32 s6, $0x1;
	s3 =	sadd.s32 s4, s20  }
0x14: {  	s7 =	simm.s32 $0x0;
	s21 =	sshll.u32 s5, $0x1;
	s5 =	sadd.s32 s22, s3  }
0x15: {  	[timem:s7], [sflag:s23] =	dma.local [hbm:s5], s21  }
0x16: {  	_ =	swait.ge [sflag:s23], s21  }
0x17: {  	s4 =	ssub.s32 $0x0, s21;
	[sflag:s23] =	ssyncset.done $0x0  }
0x18: {  	[sflag:s23] =	ssyncadd.s32 s4;
	_ =	sdelay $0x1  }
0x19: {  	s24 =	simm.s32 $0x1B8B  }
0x1a: {  	_ =	swait.ge [sflag:s24], $0x1  }
0x1b: {  	[sflag:s24] =	ssyncset.done $0x0  }
0x1c: {  	s26 =	simm.s32 $0x1B8E;
	s25 =	sld [smem:$0x3FFE];
	[sflag:s24] =	ssyncadd.s32 $0xFFFFFFFF  }
0x1d: {  	s27 =	simm.s32 $execute0_lowered;
	[smem:$0x3FD2] =	sst s26  }
0x1e: {  	s5 =	sshll.u32 s27, $0x1;
	_ =	strace $0x80000049;
	[dreg:$0x1] =	wrdreg $0xFFFFFFFF  }
0x1f: {  	s28 =	simm.s32 $_size_execute0_lowered;
	s3 =	sadd.s32 s3, s5;
	[dreg:$0x0] =	wrdreg $0x0  }
0x20: {  	s5 =	sshll.u32 s28, $0x1;
	[dreg:$0x2] =	wrdreg s3  }
0x21: {  	[dreg:$0x3] =	wrdreg s5  }
0x22: {  	[dreg:$0x4] =	wrdreg $0xC0  }
0x23: {  	_ =	task [dreg:s7], $0x5FFFF  }
0x24: {  	[dreg:$0x1] =	wrdreg $0xFFFFFFFF  }
0x25: {  	[dreg:$0x0] =	wrdreg $0x60  }
0x26: {  	[dreg:$0x2] =	wrdreg s25  }
0x27: {  	[dreg:$0x3] =	wrdreg s2  }
0x28: {  	[dreg:$0x4] =	wrdreg $0x9  }
0x29: {  	_ =	task.clear_ibuf [dreg:s7], $0x5FFFF;
	_ =	strace $0x90000049  }
0x2a: {  	s29 =	simm.s32 $0x9;
	_ =	strace $0x8000004B  }
0x2b: {  	_ =	swait.ge [sflag:s29], $0x1  }
0x2c: {  	[sflag:s29] =	ssyncadd.s32 $0xFFFFFFFF  }
0x2d: {  	_ =	strace $0x9000004B  }
0x2e: {  	_ =	sfence  }
0x2f: {  	s30 =	sld [smem:$0x0];
	_ =	sdelay $0x2  }
0x30: {  	s31 =	sshll.u32 s1, $0xD;
	s1 =	sshrl.u32 s1, $0x2  }
0x31: {  	s3 =	sand.u32 $0x4000, s31;
	s1 =	sadd.s32 s1, s30  }
0x32: {  	s0 =	sor.u32 s3, s0;
	s1 =	sshll.u32 s1, $0x11  }
0x33: {  	s0 =	sor.u32 s1, s0  }
0x34: {  	s0 =	sadd.s32 $0x8F2B, s0  }
0x35: {  	[sflag:s0] =	ssyncadd.remote.s32 $0x1  }
0x36: {  	_ =	sfence.sel $0xFFFF  }
0x37: {  	[dreg:$0x0] =	wrdreg $0xFFFFFFFF;
	(pc) =	sbr.abs _section_cstart, $3  }
0x38: {  	[dreg:$0x1] =	wrdreg $0xFFFFFFFF  }
0x39: {  	_ =	task.clear_ibuf [dreg:s7], $0x2FFFF;
	_ =	strace $0x9FFFFFFF  }
0x3a: {  	(tm) =	ssettm $0x7FFFFFFF  }
0x3b: {  	_ =	shalt  }
tec
execute0_lowered:
.L_overlay_start_1:
0x0: {  	(tag) =	ssettag $0x1  }
0x1: {  	s0 =	srdreg.scid  }
0x2: {  	s1 =	sshll.u32 s0, $0x4  }
0x3: {  	s0 =	stileid.u32;
	s1 =	sand.u32 $0x10, s1  }
0x4: {  	s7 =	rddreg [dreg:$0x0];
	s1 =	sor.u32 s0, s1  }
0x5: {  	s4 =	simm.s32 $0x1;
	s8 =	simm.s32 $0x2;
	s2 =	sshll.u32 s1, $0x7  }
0x6: {  	s13 =	simm.s32 $0x0;
	s9 =	simm.s32 $0x20000;
	s1 =	ssub.s32 $0x4000, s2  }
0x7: {  	s14 =	simm.s32 $0x0;
	s11 =	simm.s32 $0x0;
	s3 =	sand.u32 $0xF80, s1  }
0x8: {  	s12 =	simm.s32 $0x0;
	s5 =	sshrl.u32 s1, $0xC;
	p0 =	sne.s32 s3, $0x0  }
.Ltmp0:
0x9: {  	s1 =	rddreg [dreg:$0x2];
	s4 =	simm.s32 @!p0 $0x0;
	(pc) =	sbr.rel .LBB1_1-.Ltmp0, $4  }
0xa: {  	s6 =	sadd.s32 $0xA00, s7;
	s3 =	rddreg [dreg:$0x1];
	s5 =	sadd.s32 s4, s5  }
0xb: {  	_ =	strace $0x8000004A;
	s4 =	simm.s32 $0x1;
	s5 =	smul.u32 $0xD, s5  }
0xc: {  	s7 =	sadd.s32 $0x40A00, s7;
	s10 =	smov.u32 s2;
	[sflag:s4] =	ssyncpa.u1 $0x0  }
0xd: {  	p0 =	por $0x0, $0x0;
	[sflag:s8] =	ssyncpa.u1 $0x0;
	s8 =	sadd.s32 $0x1, s5  }
.LBB1_7:
0xe: {  	s15 =	sadd.s32 $0x1000, s10  }
0xf: {  	s13 =	sadd.s32 $0x2, s11;
	s17 =	smov.u32 s11;
	p2 =	sgt.s32 s15, $0x3FFF  }
0x10: {  	s17 =	smov.u32 @p2 s13  }
0x11: {  	s15 =	smov.u32 @p2 s2;
	p2 =	sgt.s32 s17, $0x19  }
0x12: {  	s17 =	simm.s32 @p2 $0x0;
	p2 =	sne.s32 s12, s8  }
.Ltmp1:
0x13: {  	p1 =	slt.u32 s12, $0x2;
	(pc) =	sbr.rel @!p2 .LBB1_8-.Ltmp1, $4  }
0x14: {  	s16 =	simm.s32 @!p1 $0x2  }
0x15: {  	s14 =	smov.u32 s11;
	p0 =	por !p0, !p0;
	_ =	swait.ge @!p1 [sflag:s16], $0x2000  }
0x16: {  	s13 =	smov.u32 s10;
	[sflag:s16] =	ssyncset.done @!p1 $0x0;
	s10 =	smov.u32 s15  }
0x17: {  	s12 =	sadd.s32 $0x1, s12;
	[sflag:s16] =	ssyncadd.s32 @!p1 $0xFFFFE000;
	s11 =	smov.u32 s17  }
.LBB1_1:
0x18: {  	p1 =	sge.u32 s12, s5  }
0x19: {  	s15 =	sxor.u32 @!p1 $0xFFFFFFFF, s12;
	s16 =	sshll.u32 @!p1 s11, $0x12  }
0x1a: {  	s17 =	sshll.u32 @!p1 s10, $0x4;
	s19 =	simm.s32 @!p1 $0x20;
	s20 =	simm.s32 @!p1 $0x80  }
0x1b: {  	s15 =	sshll.u32 @!p1 s15, $0xD;
	s17 =	sand.u32 @!p1 $0x3FFF0, s17;
	s18 =	sadd.s32 @!p1 s6, s16  }
0x1c: {  	s16 =	sadd.s32 @!p1 s16, s7;
	s15 =	sand.u32 @!p1 $0x2000, s15;
	s18 =	sadd.s32 @!p1 s17, s18  }
0x1d: {  	[tilespmem:s15], [sflag:$0x1] =	stream.strided.gather @!p1 [hbm4b:s18+s19], $0x1000, s20, s19, $0x38;
	[tilespmem:$0x8080] =	vst v63  }
0x1e: {  	s31 =	sadd.s32 $0xFFFFFFFF, s12;
	s16 =	sadd.s32 @!p1 s17, s16;
	s15 =	sor.u32 @!p1 $0x1000, s15  }
0x1f: {  	[tilespmem:s15], [sflag:$0x1] =	stream.strided.gather @!p1 [hbm4b:s16+s19], $0x1000, s20, s19, $0x38;
	[tilespmem:$0x8080] =	vst v63  }
0x20: {  	p1 =	sge.u32 s31, s5  }
.Ltmp2:
0x21: {  	_ = 	snop;
	(pc) =	sbr.rel @p1 .LBB1_7-.Ltmp2, $1  }
0x22: {  	_ =	sdelay $0x3  }
0x23: {  	s15 =	simm.s32 $0x1;
	s17 =	sand.u32 $0x1, s12  }
0x24: {  	_ =	swait.ge [sflag:s4], $0x2000;
	s15 =	simm.s32 @!p0 $0x0;
	s17 =	smul.u32 $0x8100, s17  }
0x25: {  	p2 =	por $0x1, $0x1;
	[sflag:s4] =	ssyncset.done $0x0;
	s16 =	smul.u32 $0x8100, s15  }
0x26: {  	s18 =	sshll.u32 s15, $0xF;
	[sflag:s4] =	ssyncadd.s32 $0xFFFFE000;
	s30 =	sshrl.u32 s17, $0x2  }
0x27: {  	s31 =	sshrl.u32 s18, $0x2;
	s18 =	simm.s32 $0x0;
	s16 =	sshrl.u32 s16, $0x2  }
0x28: {  	s15 =	sor.u32 $0x4000, s30;
	s17 =	sadd.s32 $0x10, s31;
	s16 =	sor.u32 $0x4000, s16  }
.LBB1_3:
0x29: {  	s19 =	sshll.u32 s18, $0xC  }
0x2a: {  	s19 =	sand.u32 $0x3FFFF000, s19  }
0x2b: {  	s20 =	sadd.s32 s19, s17  }
0x2c: {  	s31 =	smul.u32 $0x4080, s18;
	v1 =	vld [tilespmem:s20+$0x0]  }
0x2d: {  	v0 =	vld [tilespmem:s20+$0xFFFFFFF0]  }
0x2e: {  	s18 =	sshra.s32 s31, $0x2  }
0x2f: {  	s18 =	sadd.s32 s18, s16  }
0x30: {  	s21 =	sadd.s32 $0x0, s18  }
0x31: {  	p1 =	por p2, p2;
	s19 =	simm.s32 $0x4;
	s20 =	sadd.s32 $0x20, s20;
	[tilespmem:s21+$0x810 ss:$0x81] =	vst.msk $0xffff, v1  }
.LBB1_4:
0x32: {  	v1 =	vld [tilespmem:s20+$0x0];
	p2 =	sne.s32 s19, $0x1FC;
	[tilespmem:s21+$0x0 ss:$0x81] =	vst.msk $0xffff, v0;
	s21 =	smov.u32 s19;
	s19 =	sadd.s32 $0x4, s19  }
.Ltmp3:
0x33: {  	v0 =	vld [tilespmem:s20+$0xFFFFFFF0];
	(pc) =	sbr.rel @p2 .LBB1_4-.Ltmp3, $4  }
0x34: {  	_ = 	snop  }
0x35: {  	s21 =	sshra.s32 s21, $0x2  }
0x36: {  	s21 =	sadd.s32 s21, s18  }
0x37: {  	s20 =	sadd.s32 $0x20, s20;
	[tilespmem:s21+$0x810 ss:$0x81] =	vst.msk $0xffff, v1  }
.Ltmp4:
0x38: {  	(pc) =	sbr.rel @p1 .LBB1_3-.Ltmp4, $2  }
0x39: {  	_ =	sdelay $0x2  }
0x3a: {  	[tilespmem:s21+$0x0 ss:$0x81] =	vst.msk $0xffff, v0;
	s18 =	simm.s32 $0x1;
	p2 =	por $0x0, $0x0  }
0x3b: {  	s16 =	sshll.u32 s13, $0x3;
	s17 =	sand.u32 $0x78, s13;
	s14 =	sshll.u32 s14, $0x10  }
.Ltmp5:
0x3c: {  	s30 =	sand.u32 $0xF800, s13;
	s16 =	sand.u32 $0x3C00, s16;
	(pc) =	sbr.rel .LBB1_7-.Ltmp5, $4  }
0x3d: {  	s31 =	sand.u32 $0x7, s13;
	s14 =	sadd.s32 s3, s14;
	s16 =	sor.u32 s17, s16  }
0x3e: {  	s13 =	sshll.u32 s31, $0x12;
	s14 =	sadd.s32 s30, s14;
	s16 =	sshrl.u32 s16, $0x3  }
0x3f: {  	s13 =	sor.u32 $0x400, s13;
	s14 =	sadd.s32 s16, s14  }
0x40: {  	[hbm4b:s14+s13] =	stream.strided.scatter [tilespmem:s15], [sflag:$0x2], $0x2000, s9, s13, $0x20;
	[tilespmem:$0x8080] =	vst v63  }
.LBB1_8:
0x41: {  	_ =	sfence.sel $0x180000  }
0x42: {  	s2 =	simm.s32 $0x1;
	[bflag:$0x0] =	sbarrier.arrive $0xFFFF  }
0x43: {  	s31 =	simm.s32 $0x2;
	[sflag:s2] =	ssyncpa.u1 $0x1  }
0x44: {  	[sflag:s31] =	ssyncpa.u1 $0x1  }
0x45: {  	p0 =	sne.s32 s0, $0x0;
	_ =	strace $0x9000004A  }
0x46: {  	s0 =	sadd.s32 @!p0 $0x100000, s1;
	[bflag:$0x2] =	sbarrier.arrive $0xFFFF  }
0x47: {  	[sflag:s0] =	ssyncadd.tile.s32 @!p0 $0x1;
	_ =	shalt  }
.Lfunc_end1:
_tile_overlayer_lowered:
.L_overlay_start_2:
0x48: {  	(tag) =	ssettag $0x2  }
0x49: {  	s0 =	rddreg [dreg:$0x0];
	s2 =	stileid.u32  }
0x4a: {  	s1 =	rddreg [dreg:$0x1];
	p0 =	sne.s32 s2, $0x0  }
0x4b: {  	s3 =	rddreg [dreg:$0x2];
	[bflag:$0x3] =	sbarrier.arrive $0xFFFF;
	s2 =	simm.s32 @!p0 $0x1C01  }
0x4c: {  	[timem:s3], [sflag:s2] =	dma.local @!p0 [hbm:s0], s1  }
0x4d: {  	s0 =	simm.s32 @!p0 $0x1  }
0x4e: {  	_ =	swait.ge @!p0 [sflag:s0], s1  }
0x4f: {  	s1 =	ssub.s32 @!p0 $0x0, s1;
	[sflag:s0] =	ssyncset.done @!p0 $0x0  }
0x50: {  	[sflag:s0] =	ssyncadd.s32 @!p0 s1  }
0x51: {  	[bflag:$0x3] =	sbarrier.arrive $0xFFFF  }
0x52: {  	_ =	shalt  }

</sc_bundles>
